<compile_context>
chip_gen: v7x
topology: tpu7x:2x2x1
jax: 0.10.2.dev20260603
libtpu: 0.0.44.dev20260713+nightly
codegen_flags: <defaults>
</compile_context>

<pallas_src>
import jax
import jax.numpy as jnp
from jax import lax
from jax.experimental import pallas as pl
from jax.experimental.pallas import tpu as pltpu
from jax.experimental.pallas import tpu_sc as plsc

VOCAB = 1000000
DIM = 64
B = 16384
K = 20

NC = 2
NS = 16
NW = NC * NS
EW = B // NW
CB = 16
NCH = EW // CB
NEG_CH = CB * K
NBUF = 2
NEG_SPLITS = [(s, min(128, NEG_CH - s)) for s in range(0, NEG_CH, 128)]


VT_FULL = VOCAB // 128
V_TAIL = VOCAB - VT_FULL * 128


def _sc_convert_kernel(in_t, out_t, cin, cout,
                       tb00, tb01, tb10, tb11,
                       ob00, ob01, ob10, ob11,
                       ttail, otail,
                       in_sem0, in_sem1, out_sem0, out_sem1):
    wid = lax.axis_index("s") * NC + lax.axis_index("c")
    ntrips = jnp.where(wid < 4, VT_FULL // 32 + 1, VT_FULL // 32)

    srcs = (in_t, out_t)
    dsts = (cin, cout)
    tbs = ((tb00, tb01), (tb10, tb11))
    obs = ((ob00, ob01), (ob10, ob11))
    in_sems = (in_sem0, in_sem1)
    out_sems = (out_sem0, out_sem1)

    iota = lax.iota(jnp.int32, 16)
    COLV = [iota + vg * 16 for vg in range(8)]
    WROW = [(vg * 16 + iota) // 2 for vg in range(8)]
    ODD64 = jnp.bitwise_and(iota, 1) * 64

    def tile_of(i):
        return wid + 32 * i

    def fire_in(i, par):
        t = tile_of(i)
        for tab in range(2):
            pltpu.make_async_copy(
                srcs[tab].at[:, pl.ds(t * 128, 128)],
                tbs[par][tab], in_sems[par]).start()

    def wait_in(par):
        for tab in range(2):
            pltpu.make_async_copy(
                srcs[tab].at[:, pl.ds(0, 128)],
                tbs[par][tab], in_sems[par]).wait()

    def fire_out(i, par):
        t = tile_of(i)
        for tab in range(2):
            pltpu.make_async_copy(
                obs[par][tab], dsts[tab].at[pl.ds(t * 64, 64), :],
                out_sems[par]).start()

    def wait_out(par):
        for tab in range(2):
            pltpu.make_async_copy(
                obs[par][tab], dsts[tab].at[pl.ds(0, 64), :],
                out_sems[par]).wait()

    def shuffle(par, ngroups=8):
        for tab in range(2):
            tb, ob = tbs[par][tab], obs[par][tab]
            _shuffle_one(tb, ob, ngroups)

    def _shuffle_one(tb, ob, ngroups):
        @plsc.parallel_loop(0, 64, unroll=8)
        def _(t):
            tspl = jnp.full((16,), t, dtype=jnp.int32)
            rot = jnp.bitwise_and(iota + tspl, 15)
            row = rot + jnp.bitwise_and(tspl, -16)
            wcol = ODD64 + row
            for vg in range(ngroups):
                vec = plsc.load_gather(tb, [row, COLV[vg]])
                plsc.store_scatter(ob, [WROW[vg], wcol], vec)

    fire_in(0, 0)
    fire_in(1, 1)

    def pair(i, c):
        j = 2 * i

        @pl.when(j >= 2)
        def _():
            wait_out(0)
        wait_in(0)
        shuffle(0)

        @pl.when(j + 2 < ntrips)
        def _():
            fire_in(j + 2, 0)
        fire_out(j, 0)

        @pl.when(j + 1 < ntrips)
        def _():
            @pl.when(j >= 1)
            def _():
                wait_out(1)
            wait_in(1)
            shuffle(1)

            @pl.when(j + 3 < ntrips)
            def _():
                fire_in(j + 3, 1)
            fire_out(j + 1, 1)
        return c

    lax.fori_loop(0, (ntrips + 1) // 2, pair, 0)
    wait_out(0)
    wait_out(1)

    @pl.when(wid == 4)
    def _():
        for tab in range(2):
            pltpu.sync_copy(srcs[tab].at[:, pl.ds(VT_FULL * 128, V_TAIL)],
                            ttail)
            _shuffle_one(ttail, otail, 4)
            pltpu.sync_copy(otail,
                            dsts[tab].at[pl.ds(VT_FULL * 64, V_TAIL // 2), :])


@jax.jit
def _sc_convert(in_t, out_t):
    mesh = plsc.VectorSubcoreMesh(core_axis_name="c", subcore_axis_name="s")
    buf = pltpu.VMEM((64, 128), jnp.float32)
    return pl.kernel(
        _sc_convert_kernel,
        out_type=(
            jax.ShapeDtypeStruct((VOCAB // 2, 128), jnp.float32),
            jax.ShapeDtypeStruct((VOCAB // 2, 128), jnp.float32),
        ),
        mesh=mesh,
        scratch_types=(buf,) * 8 + (
            pltpu.VMEM((64, V_TAIL), jnp.float32),
            pltpu.VMEM((V_TAIL // 2, 128), jnp.float32),
        ) + (pltpu.SemaphoreType.DMA,) * 4,
        compiler_params=pltpu.CompilerParams(needs_layout_passes=False,
                                             disable_bounds_checks=True),
        name="w2v_sc_convert",
    )(in_t, out_t)


def _sc_scores_kernel(center, context, neg, in_tab, out_tab,
                      pos_out, neg_out,
                      cen_idx, ctx_idx, neg_idx,
                      cen_off, ctx_off, neg_off,
                      cen_rows, pos_rows, neg_rows,
                      pos_sc, neg_sc, *sems):
    wid = lax.axis_index("s") * NC + lax.axis_index("c")
    base = wid * EW

    pltpu.sync_copy(center.at[pl.ds(base, EW)], cen_idx)
    pltpu.sync_copy(context.at[pl.ds(base, EW)], ctx_idx)
    pltpu.sync_copy(neg.at[pl.ds(base * K, EW * K)], neg_idx)

    iota = lax.iota(jnp.int32, 16)

    def split_cp(i, c):
        for idx_ref, off_ref in ((cen_idx, cen_off), (ctx_idx, ctx_off)):
            v = idx_ref[pl.ds(i * 16, 16)]
            off_ref[pl.ds(i * 16, 16)] = jnp.left_shift(
                jnp.bitwise_and(v, 1), 6)
            idx_ref[pl.ds(i * 16, 16)] = jnp.right_shift(v, 1)
        return c
    lax.fori_loop(0, EW // 16, split_cp, 0)

    stride_iota = iota * K
    for k in range(K):
        def split_neg_off(i, c, k=k):
            v = plsc.load_gather(neg_idx, [stride_iota + (i * (16 * K) + k)])
            neg_off[pl.ds(k * EW + i * 16, 16)] = jnp.left_shift(
                jnp.bitwise_and(v, 1), 6)
            return c
        lax.fori_loop(0, EW // 16, split_neg_off, 0)

    def split_neg(i, c):
        v = neg_idx[pl.ds(i * 16, 16)]
        neg_idx[pl.ds(i * 16, 16)] = jnp.right_shift(v, 1)
        return c
    lax.fori_loop(0, (EW * K) // 16, split_neg, 0)

    def fire(j, par):
        descs = [
            pltpu.make_async_copy(
                in_tab.at[cen_idx.at[pl.ds(j * CB, CB)]],
                cen_rows.at[par], sems[par]),
            pltpu.make_async_copy(
                out_tab.at[ctx_idx.at[pl.ds(j * CB, CB)]],
                pos_rows.at[par], sems[par]),
        ]
        for s, n in NEG_SPLITS:
            descs.append(pltpu.make_async_copy(
                out_tab.at[neg_idx.at[pl.ds(j * NEG_CH + s, n)]],
                neg_rows.at[par, pl.ds(s, n)], sems[par]))
        for d in descs:
            d.start()
        return descs

    def wait(j, par):
        del j
        pltpu.make_async_copy(
            in_tab.at[cen_idx.at[pl.ds(0, CB)]], cen_rows.at[par],
            sems[par]).wait()
        pltpu.make_async_copy(
            out_tab.at[ctx_idx.at[pl.ds(0, CB)]], pos_rows.at[par],
            sems[par]).wait()
        for s, n in NEG_SPLITS:
            pltpu.make_async_copy(
                out_tab.at[neg_idx.at[pl.ds(s, n)]],
                neg_rows.at[par, pl.ds(s, n)], sems[par]).wait()

    rows128 = iota * 128
    zero16 = jnp.zeros((16,), jnp.int32)

    def compute(j, par):
        crows = cen_rows.at[par]
        prows = pos_rows.at[par]
        nrows = neg_rows.at[par]
        cbase = rows128 + cen_off[pl.ds(j * CB, 16)]
        pbase = rows128 + ctx_off[pl.ds(j * CB, 16)]
        nbases = [iota * (K * 128) + k * 128 +
                  neg_off[pl.ds(k * EW + j * CB, 16)] for k in range(K)]

        def body(d, carry):
            dcol = carry[0]
            cd = plsc.load_gather(crows, [zero16, cbase + dcol])
            pd = plsc.load_gather(prows, [zero16, pbase + dcol])
            accs = [dcol + 1, carry[1] + cd * pd]
            for k in range(K):
                nd = plsc.load_gather(nrows, [zero16, nbases[k] + dcol])
                accs.append(carry[k + 2] + cd * nd)
            return tuple(accs)

        init = (zero16,) + tuple(
            jnp.zeros((16,), jnp.float32) for _ in range(K + 1))
        accs = lax.fori_loop(0, DIM, body, init)

        pos_sc[pl.ds(j * CB, 16)] = accs[1]
        for k in range(K):
            neg_sc[pl.ds(k * EW + j * CB, 16)] = accs[k + 2]

    fire(0, 0)
    fire(1, 1)

    def chunk_pair(t, c):
        j = t * 2

        @pl.when(j + 2 < NCH)
        def _():
            fire(j + 2, 0)
        wait(j, 0)
        compute(j, 0)

        @pl.when(j + 3 < NCH)
        def _():
            fire(j + 3, 1)
        wait(j + 1, 1)
        compute(j + 1, 1)
        return c

    lax.fori_loop(0, NCH // 2, chunk_pair, 0)

    pltpu.sync_copy(pos_sc, pos_out.at[pl.ds(base, EW)])
    pltpu.sync_copy(neg_sc, neg_out.at[pl.ds(base * K, EW * K)])


@jax.jit
def _sc_scores(center, context, neg_flat, in_tab2, out_tab2):
    mesh = plsc.VectorSubcoreMesh(core_axis_name="c", subcore_axis_name="s")
    return pl.kernel(
        _sc_scores_kernel,
        out_type=(
            jax.ShapeDtypeStruct((B,), jnp.float32),
            jax.ShapeDtypeStruct((B * K,), jnp.float32),
        ),
        mesh=mesh,
        scratch_types=(
            pltpu.VMEM((EW,), jnp.int32),
            pltpu.VMEM((EW,), jnp.int32),
            pltpu.VMEM((EW * K,), jnp.int32),
            pltpu.VMEM((EW,), jnp.int32),
            pltpu.VMEM((EW,), jnp.int32),
            pltpu.VMEM((K * EW,), jnp.int32),
            pltpu.VMEM((NBUF, CB, 128), jnp.float32),
            pltpu.VMEM((NBUF, CB, 128), jnp.float32),
            pltpu.VMEM((NBUF, NEG_CH, 128), jnp.float32),
            pltpu.VMEM((EW,), jnp.float32),
            pltpu.VMEM((K * EW,), jnp.float32),
        ) + (pltpu.SemaphoreType.DMA,) * NBUF,
        compiler_params=pltpu.CompilerParams(needs_layout_passes=False,
                                             disable_bounds_checks=True),
        name="w2v_sc_scores",
    )(center, context, neg_flat, in_tab2, out_tab2)


def _tc_loss_kernel(pos_ref, neg_ref, out_ref):
    def ls(x):
        return jnp.minimum(x, 0.0) - jnp.log1p(jnp.exp(-jnp.abs(x)))

    total = jnp.sum(ls(pos_ref[...])) + jnp.sum(ls(-neg_ref[...]))
    out_ref[...] = jnp.full((1, 1), -1.0 / B) * total


def _tc_loss(pos, negs):
    pos2 = pos.reshape(128, 128)
    neg2 = negs.reshape(B * K // 128, 128)
    out = pl.pallas_call(
        _tc_loss_kernel,
        out_shape=jax.ShapeDtypeStruct((1, 1), jnp.float32),
    )(pos2, neg2)
    return out.reshape(())


def kernel(center, context, negatives, input_table, output_table):
    neg_flat = negatives.reshape(B * K)
    in_tab2, out_tab2 = _sc_convert(input_table.T, output_table.T)
    pos_sc, neg_sc = _sc_scores(center.astype(jnp.int32),
                                context.astype(jnp.int32),
                                neg_flat.astype(jnp.int32),
                                in_tab2, out_tab2)
    return _tc_loss(pos_sc, neg_sc)

# --- scband reference (transcript-rebuilt; emitter-appended) ---
"""Pipeline reference for scband-word2-vec-64201171140725 (READ-ONLY COPY).

The authoritative reference and input builder live on the scoring server;
editing this copy changes nothing except your own understanding.
"""

import jax, jax.numpy as jnp
import numpy as np

VOCAB = 1000000
DIM = 64
B = 16384
K = 20

def setup_inputs(seed: int = 0) -> dict:
    key = jax.random.key(seed)
    k1, k2, k3, k4, k5 = jax.random.split(key, 5)
    bound = 0.5 / DIM
    input_table = jax.random.uniform(k1, (VOCAB, DIM), dtype=jnp.float32, minval=-bound, maxval=bound)
    output_table = jax.random.uniform(k2, (VOCAB, DIM), dtype=jnp.float32, minval=-bound, maxval=bound)
    center = jax.random.randint(k3, (B,), 0, VOCAB, dtype=jnp.int64) if jax.config.jax_enable_x64 else jax.random.randint(k3, (B,), 0, VOCAB).astype(jnp.int32)
    context = jax.random.randint(k4, (B,), 0, VOCAB).astype(center.dtype)
    negatives = jax.random.randint(k5, (B, K), 0, VOCAB).astype(center.dtype)
    return {"center": center, "context": context, "negatives": negatives,
            "input_table": input_table, "output_table": output_table}

def reference(center, context, negatives, input_table, output_table):
    center_emb = jnp.take(input_table, center, axis=0)            # (B, D)
    pos_emb = jnp.take(output_table, context, axis=0)             # (B, D)
    neg_emb = jnp.take(output_table, negatives, axis=0)           # (B, K, D)
    pos_score = jnp.sum(center_emb * pos_emb, axis=1)             # (B,)
    pos_loss = jax.nn.log_sigmoid(pos_score)                      # (B,)
    neg_score = jnp.einsum('bkd,bd->bk', neg_emb, center_emb)     # (B, K)
    neg_loss = jnp.sum(jax.nn.log_sigmoid(-neg_score), axis=1)    # (B,)
    return -jnp.mean(pos_loss + neg_loss)

if __name__ == "__main__":
    import jax
    _d = setup_inputs()
    print(jax.jit(kernel)(*tuple(_d.values())))

</pallas_src>

<mosaic_0001>
#map = affine_map<(d0, d1) -> (0, 0)>
module attributes {stable_mosaic.version = 14 : i64} {
  func.func @w2v_sc_convert(%arg0: i32, %arg1: i32, %arg2: memref<64x1000000xf32, #tpu.memory_space<hbm>>, %arg3: memref<64x1000000xf32, #tpu.memory_space<hbm>>, %arg4: memref<500000x128xf32, #tpu.memory_space<hbm>>, %arg5: memref<500000x128xf32, #tpu.memory_space<hbm>>, %arg6: memref<64x128xf32, #tpu.memory_space<vmem>>, %arg7: memref<64x128xf32, #tpu.memory_space<vmem>>, %arg8: memref<64x128xf32, #tpu.memory_space<vmem>>, %arg9: memref<64x128xf32, #tpu.memory_space<vmem>>, %arg10: memref<64x128xf32, #tpu.memory_space<vmem>>, %arg11: memref<64x128xf32, #tpu.memory_space<vmem>>, %arg12: memref<64x128xf32, #tpu.memory_space<vmem>>, %arg13: memref<64x128xf32, #tpu.memory_space<vmem>>, %arg14: memref<64x64xf32, #tpu.memory_space<vmem>>, %arg15: memref<32x128xf32, #tpu.memory_space<vmem>>, %arg16: memref<!tpu.dma_semaphore, #tpu.memory_space<semaphore_mem>>, %arg17: memref<!tpu.dma_semaphore, #tpu.memory_space<semaphore_mem>>, %arg18: memref<!tpu.dma_semaphore, #tpu.memory_space<semaphore_mem>>, %arg19: memref<!tpu.dma_semaphore, #tpu.memory_space<semaphore_mem>>) attributes {dimension_semantics = [#tpu.dimension_semantics<core_parallel>, #tpu.dimension_semantics<subcore_parallel>], iteration_bounds = array<i64: 2, 16>, scalar_prefetch = 0 : i64, scratch_operands = 14 : i64, tpu.core_type = #tpu.core_type<sc_vector_subcore>, window_params = [{transform_indices = #map}, {transform_indices = #map}, {transform_indices = #map}, {transform_indices = #map}]} {
    %mul3A = arith.constant 2 : i32
    %mul3A_0 = arith.muli %arg1, %mul3A : i32
    %add3A = arith.addi %mul3A_0, %arg0 : i32
    %lt3A = arith.constant 4 : i32
    %lt3A_1 = arith.cmpi slt, %add3A, %lt3A : i32
    %jit3A = arith.constant 245 : i32
    %jit3A_2 = arith.constant 244 : i32
    %select_n3A = arith.select %lt3A_1, %jit3A, %jit3A_2 : i32
    %iota3A = tpu.iota {dimensions = array<i32: 0>} : vector<16xi32>
    %add3A_3 = arith.constant 0 : i32
    %add3A_4 = vector.broadcast %add3A_3 : i32 to vector<16xi32>
    %add3A_5 = arith.addi %iota3A, %add3A_4 : vector<16xi32>
    %add3A_6 = arith.constant 16 : i32
    %add3A_7 = vector.broadcast %add3A_6 : i32 to vector<16xi32>
    %add3A_8 = arith.addi %iota3A, %add3A_7 : vector<16xi32>
    %add3A_9 = arith.constant 32 : i32
    %add3A_10 = vector.broadcast %add3A_9 : i32 to vector<16xi32>
    %add3A_11 = arith.addi %iota3A, %add3A_10 : vector<16xi32>
    %add3A_12 = arith.constant 48 : i32
    %add3A_13 = vector.broadcast %add3A_12 : i32 to vector<16xi32>
    %add3A_14 = arith.addi %iota3A, %add3A_13 : vector<16xi32>
    %add3A_15 = arith.constant 64 : i32
    %add3A_16 = vector.broadcast %add3A_15 : i32 to vector<16xi32>
    %add3A_17 = arith.addi %iota3A, %add3A_16 : vector<16xi32>
    %add3A_18 = arith.constant 80 : i32
    %add3A_19 = vector.broadcast %add3A_18 : i32 to vector<16xi32>
    %add3A_20 = arith.addi %iota3A, %add3A_19 : vector<16xi32>
    %add3A_21 = arith.constant 96 : i32
    %add3A_22 = vector.broadcast %add3A_21 : i32 to vector<16xi32>
    %add3A_23 = arith.addi %iota3A, %add3A_22 : vector<16xi32>
    %add3A_24 = arith.constant 112 : i32
    %add3A_25 = vector.broadcast %add3A_24 : i32 to vector<16xi32>
    %add3A_26 = arith.addi %iota3A, %add3A_25 : vector<16xi32>
    %add3A_27 = arith.constant 0 : i32
    %add3A_28 = vector.broadcast %add3A_27 : i32 to vector<16xi32>
    %add3A_29 = arith.addi %add3A_28, %iota3A : vector<16xi32>
    %jit3A_30 = arith.constant 2 : i32
    %div3A = vector.broadcast %jit3A_30 : i32 to vector<16xi32>
    %div3A_31 = arith.divsi %add3A_29, %div3A : vector<16xi32>
    %sign3A = arith.constant 0 : i32
    %sign3A_32 = vector.broadcast %sign3A : i32 to vector<16xi32>
    %sign3A_33 = arith.cmpi sgt, %add3A_29, %sign3A_32 : vector<16xi32>
    %sign3A_34 = arith.extui %sign3A_33 : vector<16xi1> to vector<16xi32>
    %sign3A_35 = arith.constant 0 : i32
    %sign3A_36 = vector.broadcast %sign3A_35 : i32 to vector<16xi32>
    %sign3A_37 = arith.cmpi slt, %add3A_29, %sign3A_36 : vector<16xi32>
    %sign3A_38 = arith.extui %sign3A_37 : vector<16xi1> to vector<16xi32>
    %sign3A_39 = arith.subi %sign3A_34, %sign3A_38 : vector<16xi32>
    %sign3A_40 = arith.constant 0 : i32
    %sign3A_41 = arith.cmpi sgt, %jit3A_30, %sign3A_40 : i32
    %sign3A_42 = arith.extui %sign3A_41 : i1 to i32
    %sign3A_43 = arith.constant 0 : i32
    %sign3A_44 = arith.cmpi slt, %jit3A_30, %sign3A_43 : i32
    %sign3A_45 = arith.extui %sign3A_44 : i1 to i32
    %sign3A_46 = arith.subi %sign3A_42, %sign3A_45 : i32
    %ne3A = vector.broadcast %sign3A_46 : i32 to vector<16xi32>
    %ne3A_47 = arith.cmpi ne, %sign3A_39, %ne3A : vector<16xi32>
    %rem3A = vector.broadcast %jit3A_30 : i32 to vector<16xi32>
    %rem3A_48 = arith.remsi %add3A_29, %rem3A : vector<16xi32>
    %ne3A_49 = arith.constant 0 : i32
    %ne3A_50 = vector.broadcast %ne3A_49 : i32 to vector<16xi32>
    %ne3A_51 = arith.cmpi ne, %rem3A_48, %ne3A_50 : vector<16xi32>
    %and3A = arith.andi %ne3A_47, %ne3A_51 : vector<16xi1>
    %sub3A = arith.constant 1 : i32
    %sub3A_52 = vector.broadcast %sub3A : i32 to vector<16xi32>
    %sub3A_53 = arith.subi %div3A_31, %sub3A_52 : vector<16xi32>
    %select_n3A_54 = arith.select %and3A, %sub3A_53, %div3A_31 : vector<16xi1>, vector<16xi32>
    %add3A_55 = arith.constant 16 : i32
    %add3A_56 = vector.broadcast %add3A_55 : i32 to vector<16xi32>
    %add3A_57 = arith.addi %add3A_56, %iota3A : vector<16xi32>
    %jit3A_58 = arith.constant 2 : i32
    %div3A_59 = vector.broadcast %jit3A_58 : i32 to vector<16xi32>
    %div3A_60 = arith.divsi %add3A_57, %div3A_59 : vector<16xi32>
    %sign3A_61 = arith.constant 0 : i32
    %sign3A_62 = vector.broadcast %sign3A_61 : i32 to vector<16xi32>
    %sign3A_63 = arith.cmpi sgt, %add3A_57, %sign3A_62 : vector<16xi32>
    %sign3A_64 = arith.extui %sign3A_63 : vector<16xi1> to vector<16xi32>
    %sign3A_65 = arith.constant 0 : i32
    %sign3A_66 = vector.broadcast %sign3A_65 : i32 to vector<16xi32>
    %sign3A_67 = arith.cmpi slt, %add3A_57, %sign3A_66 : vector<16xi32>
    %sign3A_68 = arith.extui %sign3A_67 : vector<16xi1> to vector<16xi32>
    %sign3A_69 = arith.subi %sign3A_64, %sign3A_68 : vector<16xi32>
    %sign3A_70 = arith.constant 0 : i32
    %sign3A_71 = arith.cmpi sgt, %jit3A_58, %sign3A_70 : i32
    %sign3A_72 = arith.extui %sign3A_71 : i1 to i32
    %sign3A_73 = arith.constant 0 : i32
    %sign3A_74 = arith.cmpi slt, %jit3A_58, %sign3A_73 : i32
    %sign3A_75 = arith.extui %sign3A_74 : i1 to i32
    %sign3A_76 = arith.subi %sign3A_72, %sign3A_75 : i32
    %ne3A_77 = vector.broadcast %sign3A_76 : i32 to vector<16xi32>
    %ne3A_78 = arith.cmpi ne, %sign3A_69, %ne3A_77 : vector<16xi32>
    %rem3A_79 = vector.broadcast %jit3A_58 : i32 to vector<16xi32>
    %rem3A_80 = arith.remsi %add3A_57, %rem3A_79 : vector<16xi32>
    %ne3A_81 = arith.constant 0 : i32
    %ne3A_82 = vector.broadcast %ne3A_81 : i32 to vector<16xi32>
    %ne3A_83 = arith.cmpi ne, %rem3A_80, %ne3A_82 : vector<16xi32>
    %and3A_84 = arith.andi %ne3A_78, %ne3A_83 : vector<16xi1>
    %sub3A_85 = arith.constant 1 : i32
    %sub3A_86 = vector.broadcast %sub3A_85 : i32 to vector<16xi32>
    %sub3A_87 = arith.subi %div3A_60, %sub3A_86 : vector<16xi32>
    %select_n3A_88 = arith.select %and3A_84, %sub3A_87, %div3A_60 : vector<16xi1>, vector<16xi32>
    %add3A_89 = arith.constant 32 : i32
    %add3A_90 = vector.broadcast %add3A_89 : i32 to vector<16xi32>
    %add3A_91 = arith.addi %add3A_90, %iota3A : vector<16xi32>
    %jit3A_92 = arith.constant 2 : i32
    %div3A_93 = vector.broadcast %jit3A_92 : i32 to vector<16xi32>
    %div3A_94 = arith.divsi %add3A_91, %div3A_93 : vector<16xi32>
    %sign3A_95 = arith.constant 0 : i32
    %sign3A_96 = vector.broadcast %sign3A_95 : i32 to vector<16xi32>
    %sign3A_97 = arith.cmpi sgt, %add3A_91, %sign3A_96 : vector<16xi32>
    %sign3A_98 = arith.extui %sign3A_97 : vector<16xi1> to vector<16xi32>
    %sign3A_99 = arith.constant 0 : i32
    %sign3A_100 = vector.broadcast %sign3A_99 : i32 to vector<16xi32>
    %sign3A_101 = arith.cmpi slt, %add3A_91, %sign3A_100 : vector<16xi32>
    %sign3A_102 = arith.extui %sign3A_101 : vector<16xi1> to vector<16xi32>
    %sign3A_103 = arith.subi %sign3A_98, %sign3A_102 : vector<16xi32>
    %sign3A_104 = arith.constant 0 : i32
    %sign3A_105 = arith.cmpi sgt, %jit3A_92, %sign3A_104 : i32
    %sign3A_106 = arith.extui %sign3A_105 : i1 to i32
    %sign3A_107 = arith.constant 0 : i32
    %sign3A_108 = arith.cmpi slt, %jit3A_92, %sign3A_107 : i32
    %sign3A_109 = arith.extui %sign3A_108 : i1 to i32
    %sign3A_110 = arith.subi %sign3A_106, %sign3A_109 : i32
    %ne3A_111 = vector.broadcast %sign3A_110 : i32 to vector<16xi32>
    %ne3A_112 = arith.cmpi ne, %sign3A_103, %ne3A_111 : vector<16xi32>
    %rem3A_113 = vector.broadcast %jit3A_92 : i32 to vector<16xi32>
    %rem3A_114 = arith.remsi %add3A_91, %rem3A_113 : vector<16xi32>
    %ne3A_115 = arith.constant 0 : i32
    %ne3A_116 = vector.broadcast %ne3A_115 : i32 to vector<16xi32>
    %ne3A_117 = arith.cmpi ne, %rem3A_114, %ne3A_116 : vector<16xi32>
    %and3A_118 = arith.andi %ne3A_112, %ne3A_117 : vector<16xi1>
    %sub3A_119 = arith.constant 1 : i32
    %sub3A_120 = vector.broadcast %sub3A_119 : i32 to vector<16xi32>
    %sub3A_121 = arith.subi %div3A_94, %sub3A_120 : vector<16xi32>
    %select_n3A_122 = arith.select %and3A_118, %sub3A_121, %div3A_94 : vector<16xi1>, vector<16xi32>
    %add3A_123 = arith.constant 48 : i32
    %add3A_124 = vector.broadcast %add3A_123 : i32 to vector<16xi32>
    %add3A_125 = arith.addi %add3A_124, %iota3A : vector<16xi32>
    %jit3A_126 = arith.constant 2 : i32
    %div3A_127 = vector.broadcast %jit3A_126 : i32 to vector<16xi32>
    %div3A_128 = arith.divsi %add3A_125, %div3A_127 : vector<16xi32>
    %sign3A_129 = arith.constant 0 : i32
    %sign3A_130 = vector.broadcast %sign3A_129 : i32 to vector<16xi32>
    %sign3A_131 = arith.cmpi sgt, %add3A_125, %sign3A_130 : vector<16xi32>
    %sign3A_132 = arith.extui %sign3A_131 : vector<16xi1> to vector<16xi32>
    %sign3A_133 = arith.constant 0 : i32
    %sign3A_134 = vector.broadcast %sign3A_133 : i32 to vector<16xi32>
    %sign3A_135 = arith.cmpi slt, %add3A_125, %sign3A_134 : vector<16xi32>
    %sign3A_136 = arith.extui %sign3A_135 : vector<16xi1> to vector<16xi32>
    %sign3A_137 = arith.subi %sign3A_132, %sign3A_136 : vector<16xi32>
    %sign3A_138 = arith.constant 0 : i32
    %sign3A_139 = arith.cmpi sgt, %jit3A_126, %sign3A_138 : i32
    %sign3A_140 = arith.extui %sign3A_139 : i1 to i32
    %sign3A_141 = arith.constant 0 : i32
    %sign3A_142 = arith.cmpi slt, %jit3A_126, %sign3A_141 : i32
    %sign3A_143 = arith.extui %sign3A_142 : i1 to i32
    %sign3A_144 = arith.subi %sign3A_140, %sign3A_143 : i32
    %ne3A_145 = vector.broadcast %sign3A_144 : i32 to vector<16xi32>
    %ne3A_146 = arith.cmpi ne, %sign3A_137, %ne3A_145 : vector<16xi32>
    %rem3A_147 = vector.broadcast %jit3A_126 : i32 to vector<16xi32>
    %rem3A_148 = arith.remsi %add3A_125, %rem3A_147 : vector<16xi32>
    %ne3A_149 = arith.constant 0 : i32
    %ne3A_150 = vector.broadcast %ne3A_149 : i32 to vector<16xi32>
    %ne3A_151 = arith.cmpi ne, %rem3A_148, %ne3A_150 : vector<16xi32>
    %and3A_152 = arith.andi %ne3A_146, %ne3A_151 : vector<16xi1>
    %sub3A_153 = arith.constant 1 : i32
    %sub3A_154 = vector.broadcast %sub3A_153 : i32 to vector<16xi32>
    %sub3A_155 = arith.subi %div3A_128, %sub3A_154 : vector<16xi32>
    %select_n3A_156 = arith.select %and3A_152, %sub3A_155, %div3A_128 : vector<16xi1>, vector<16xi32>
    %add3A_157 = arith.constant 64 : i32
    %add3A_158 = vector.broadcast %add3A_157 : i32 to vector<16xi32>
    %add3A_159 = arith.addi %add3A_158, %iota3A : vector<16xi32>
    %jit3A_160 = arith.constant 2 : i32
    %div3A_161 = vector.broadcast %jit3A_160 : i32 to vector<16xi32>
    %div3A_162 = arith.divsi %add3A_159, %div3A_161 : vector<16xi32>
    %sign3A_163 = arith.constant 0 : i32
    %sign3A_164 = vector.broadcast %sign3A_163 : i32 to vector<16xi32>
    %sign3A_165 = arith.cmpi sgt, %add3A_159, %sign3A_164 : vector<16xi32>
    %sign3A_166 = arith.extui %sign3A_165 : vector<16xi1> to vector<16xi32>
    %sign3A_167 = arith.constant 0 : i32
    %sign3A_168 = vector.broadcast %sign3A_167 : i32 to vector<16xi32>
    %sign3A_169 = arith.cmpi slt, %add3A_159, %sign3A_168 : vector<16xi32>
    %sign3A_170 = arith.extui %sign3A_169 : vector<16xi1> to vector<16xi32>
    %sign3A_171 = arith.subi %sign3A_166, %sign3A_170 : vector<16xi32>
    %sign3A_172 = arith.constant 0 : i32
    %sign3A_173 = arith.cmpi sgt, %jit3A_160, %sign3A_172 : i32
    %sign3A_174 = arith.extui %sign3A_173 : i1 to i32
    %sign3A_175 = arith.constant 0 : i32
    %sign3A_176 = arith.cmpi slt, %jit3A_160, %sign3A_175 : i32
    %sign3A_177 = arith.extui %sign3A_176 : i1 to i32
    %sign3A_178 = arith.subi %sign3A_174, %sign3A_177 : i32
    %ne3A_179 = vector.broadcast %sign3A_178 : i32 to vector<16xi32>
    %ne3A_180 = arith.cmpi ne, %sign3A_171, %ne3A_179 : vector<16xi32>
    %rem3A_181 = vector.broadcast %jit3A_160 : i32 to vector<16xi32>
    %rem3A_182 = arith.remsi %add3A_159, %rem3A_181 : vector<16xi32>
    %ne3A_183 = arith.constant 0 : i32
    %ne3A_184 = vector.broadcast %ne3A_183 : i32 to vector<16xi32>
    %ne3A_185 = arith.cmpi ne, %rem3A_182, %ne3A_184 : vector<16xi32>
    %and3A_186 = arith.andi %ne3A_180, %ne3A_185 : vector<16xi1>
    %sub3A_187 = arith.constant 1 : i32
    %sub3A_188 = vector.broadcast %sub3A_187 : i32 to vector<16xi32>
    %sub3A_189 = arith.subi %div3A_162, %sub3A_188 : vector<16xi32>
    %select_n3A_190 = arith.select %and3A_186, %sub3A_189, %div3A_162 : vector<16xi1>, vector<16xi32>
    %add3A_191 = arith.constant 80 : i32
    %add3A_192 = vector.broadcast %add3A_191 : i32 to vector<16xi32>
    %add3A_193 = arith.addi %add3A_192, %iota3A : vector<16xi32>
    %jit3A_194 = arith.constant 2 : i32
    %div3A_195 = vector.broadcast %jit3A_194 : i32 to vector<16xi32>
    %div3A_196 = arith.divsi %add3A_193, %div3A_195 : vector<16xi32>
    %sign3A_197 = arith.constant 0 : i32
    %sign3A_198 = vector.broadcast %sign3A_197 : i32 to vector<16xi32>
    %sign3A_199 = arith.cmpi sgt, %add3A_193, %sign3A_198 : vector<16xi32>
    %sign3A_200 = arith.extui %sign3A_199 : vector<16xi1> to vector<16xi32>
    %sign3A_201 = arith.constant 0 : i32
    %sign3A_202 = vector.broadcast %sign3A_201 : i32 to vector<16xi32>
    %sign3A_203 = arith.cmpi slt, %add3A_193, %sign3A_202 : vector<16xi32>
    %sign3A_204 = arith.extui %sign3A_203 : vector<16xi1> to vector<16xi32>
    %sign3A_205 = arith.subi %sign3A_200, %sign3A_204 : vector<16xi32>
    %sign3A_206 = arith.constant 0 : i32
    %sign3A_207 = arith.cmpi sgt, %jit3A_194, %sign3A_206 : i32
    %sign3A_208 = arith.extui %sign3A_207 : i1 to i32
    %sign3A_209 = arith.constant 0 : i32
    %sign3A_210 = arith.cmpi slt, %jit3A_194, %sign3A_209 : i32
    %sign3A_211 = arith.extui %sign3A_210 : i1 to i32
    %sign3A_212 = arith.subi %sign3A_208, %sign3A_211 : i32
    %ne3A_213 = vector.broadcast %sign3A_212 : i32 to vector<16xi32>
    %ne3A_214 = arith.cmpi ne, %sign3A_205, %ne3A_213 : vector<16xi32>
    %rem3A_215 = vector.broadcast %jit3A_194 : i32 to vector<16xi32>
    %rem3A_216 = arith.remsi %add3A_193, %rem3A_215 : vector<16xi32>
    %ne3A_217 = arith.constant 0 : i32
    %ne3A_218 = vector.broadcast %ne3A_217 : i32 to vector<16xi32>
    %ne3A_219 = arith.cmpi ne, %rem3A_216, %ne3A_218 : vector<16xi32>
    %and3A_220 = arith.andi %ne3A_214, %ne3A_219 : vector<16xi1>
    %sub3A_221 = arith.constant 1 : i32
    %sub3A_222 = vector.broadcast %sub3A_221 : i32 to vector<16xi32>
    %sub3A_223 = arith.subi %div3A_196, %sub3A_222 : vector<16xi32>
    %select_n3A_224 = arith.select %and3A_220, %sub3A_223, %div3A_196 : vector<16xi1>, vector<16xi32>
    %add3A_225 = arith.constant 96 : i32
    %add3A_226 = vector.broadcast %add3A_225 : i32 to vector<16xi32>
    %add3A_227 = arith.addi %add3A_226, %iota3A : vector<16xi32>
    %jit3A_228 = arith.constant 2 : i32
    %div3A_229 = vector.broadcast %jit3A_228 : i32 to vector<16xi32>
    %div3A_230 = arith.divsi %add3A_227, %div3A_229 : vector<16xi32>
    %sign3A_231 = arith.constant 0 : i32
    %sign3A_232 = vector.broadcast %sign3A_231 : i32 to vector<16xi32>
    %sign3A_233 = arith.cmpi sgt, %add3A_227, %sign3A_232 : vector<16xi32>
    %sign3A_234 = arith.extui %sign3A_233 : vector<16xi1> to vector<16xi32>
    %sign3A_235 = arith.constant 0 : i32
    %sign3A_236 = vector.broadcast %sign3A_235 : i32 to vector<16xi32>
    %sign3A_237 = arith.cmpi slt, %add3A_227, %sign3A_236 : vector<16xi32>
    %sign3A_238 = arith.extui %sign3A_237 : vector<16xi1> to vector<16xi32>
    %sign3A_239 = arith.subi %sign3A_234, %sign3A_238 : vector<16xi32>
    %sign3A_240 = arith.constant 0 : i32
    %sign3A_241 = arith.cmpi sgt, %jit3A_228, %sign3A_240 : i32
    %sign3A_242 = arith.extui %sign3A_241 : i1 to i32
    %sign3A_243 = arith.constant 0 : i32
    %sign3A_244 = arith.cmpi slt, %jit3A_228, %sign3A_243 : i32
    %sign3A_245 = arith.extui %sign3A_244 : i1 to i32
    %sign3A_246 = arith.subi %sign3A_242, %sign3A_245 : i32
    %ne3A_247 = vector.broadcast %sign3A_246 : i32 to vector<16xi32>
    %ne3A_248 = arith.cmpi ne, %sign3A_239, %ne3A_247 : vector<16xi32>
    %rem3A_249 = vector.broadcast %jit3A_228 : i32 to vector<16xi32>
    %rem3A_250 = arith.remsi %add3A_227, %rem3A_249 : vector<16xi32>
    %ne3A_251 = arith.constant 0 : i32
    %ne3A_252 = vector.broadcast %ne3A_251 : i32 to vector<16xi32>
    %ne3A_253 = arith.cmpi ne, %rem3A_250, %ne3A_252 : vector<16xi32>
    %and3A_254 = arith.andi %ne3A_248, %ne3A_253 : vector<16xi1>
    %sub3A_255 = arith.constant 1 : i32
    %sub3A_256 = vector.broadcast %sub3A_255 : i32 to vector<16xi32>
    %sub3A_257 = arith.subi %div3A_230, %sub3A_256 : vector<16xi32>
    %select_n3A_258 = arith.select %and3A_254, %sub3A_257, %div3A_230 : vector<16xi1>, vector<16xi32>
    %add3A_259 = arith.constant 112 : i32
    %add3A_260 = vector.broadcast %add3A_259 : i32 to vector<16xi32>
    %add3A_261 = arith.addi %add3A_260, %iota3A : vector<16xi32>
    %jit3A_262 = arith.constant 2 : i32
    %div3A_263 = vector.broadcast %jit3A_262 : i32 to vector<16xi32>
    %div3A_264 = arith.divsi %add3A_261, %div3A_263 : vector<16xi32>
    %sign3A_265 = arith.constant 0 : i32
    %sign3A_266 = vector.broadcast %sign3A_265 : i32 to vector<16xi32>
    %sign3A_267 = arith.cmpi sgt, %add3A_261, %sign3A_266 : vector<16xi32>
    %sign3A_268 = arith.extui %sign3A_267 : vector<16xi1> to vector<16xi32>
    %sign3A_269 = arith.constant 0 : i32
    %sign3A_270 = vector.broadcast %sign3A_269 : i32 to vector<16xi32>
    %sign3A_271 = arith.cmpi slt, %add3A_261, %sign3A_270 : vector<16xi32>
    %sign3A_272 = arith.extui %sign3A_271 : vector<16xi1> to vector<16xi32>
    %sign3A_273 = arith.subi %sign3A_268, %sign3A_272 : vector<16xi32>
    %sign3A_274 = arith.constant 0 : i32
    %sign3A_275 = arith.cmpi sgt, %jit3A_262, %sign3A_274 : i32
    %sign3A_276 = arith.extui %sign3A_275 : i1 to i32
    %sign3A_277 = arith.constant 0 : i32
    %sign3A_278 = arith.cmpi slt, %jit3A_262, %sign3A_277 : i32
    %sign3A_279 = arith.extui %sign3A_278 : i1 to i32
    %sign3A_280 = arith.subi %sign3A_276, %sign3A_279 : i32
    %ne3A_281 = vector.broadcast %sign3A_280 : i32 to vector<16xi32>
    %ne3A_282 = arith.cmpi ne, %sign3A_273, %ne3A_281 : vector<16xi32>
    %rem3A_283 = vector.broadcast %jit3A_262 : i32 to vector<16xi32>
    %rem3A_284 = arith.remsi %add3A_261, %rem3A_283 : vector<16xi32>
    %ne3A_285 = arith.constant 0 : i32
    %ne3A_286 = vector.broadcast %ne3A_285 : i32 to vector<16xi32>
    %ne3A_287 = arith.cmpi ne, %rem3A_284, %ne3A_286 : vector<16xi32>
    %and3A_288 = arith.andi %ne3A_282, %ne3A_287 : vector<16xi1>
    %sub3A_289 = arith.constant 1 : i32
    %sub3A_290 = vector.broadcast %sub3A_289 : i32 to vector<16xi32>
    %sub3A_291 = arith.subi %div3A_264, %sub3A_290 : vector<16xi32>
    %select_n3A_292 = arith.select %and3A_288, %sub3A_291, %div3A_264 : vector<16xi1>, vector<16xi32>
    %and3A_293 = arith.constant 1 : i32
    %and3A_294 = vector.broadcast %and3A_293 : i32 to vector<16xi32>
    %and3A_295 = arith.andi %iota3A, %and3A_294 : vector<16xi32>
    %mul3A_296 = arith.constant 64 : i32
    %mul3A_297 = vector.broadcast %mul3A_296 : i32 to vector<16xi32>
    %mul3A_298 = arith.muli %and3A_295, %mul3A_297 : vector<16xi32>
    %add3A_299 = arith.constant 0 : i32
    %add3A_300 = arith.addi %add3A, %add3A_299 : i32
    %mul3A_301 = arith.constant 128 : i32
    %mul3A_302 = arith.muli %add3A_300, %mul3A_301 : i32
    %dma_start3A = arith.constant 0 : i32
    %dma_start3A_303 = tpu.memref_slice %arg2[%dma_start3A, %mul3A_302] : memref<64x1000000xf32, #tpu.memory_space<hbm>> -> memref<64x128xf32, #tpu.memory_space<hbm>>
    %dma_start3A_304 = arith.constant 0 : i32
    %dma_start3A_305 = tpu.memref_slice %arg2[%dma_start3A_304, %mul3A_302] : memref<64x1000000xf32, #tpu.memory_space<hbm>> -> memref<64x128xf32, #tpu.memory_space<hbm>>
    tpu.enqueue_dma source(%dma_start3A_305 : memref<64x128xf32, #tpu.memory_space<hbm>>) target(%arg6 : memref<64x128xf32, #tpu.memory_space<vmem>>) target_semaphore(%arg16 : memref<!tpu.dma_semaphore, #tpu.memory_space<semaphore_mem>>)
    %mul3A_306 = arith.constant 128 : i32
    %mul3A_307 = arith.muli %add3A_300, %mul3A_306 : i32
    %dma_start3A_308 = arith.constant 0 : i32
    %dma_start3A_309 = tpu.memref_slice %arg3[%dma_start3A_308, %mul3A_307] : memref<64x1000000xf32, #tpu.memory_space<hbm>> -> memref<64x128xf32, #tpu.memory_space<hbm>>
    %dma_start3A_310 = arith.constant 0 : i32
    %dma_start3A_311 = tpu.memref_slice %arg3[%dma_start3A_310, %mul3A_307] : memref<64x1000000xf32, #tpu.memory_space<hbm>> -> memref<64x128xf32, #tpu.memory_space<hbm>>
    tpu.enqueue_dma source(%dma_start3A_311 : memref<64x128xf32, #tpu.memory_space<hbm>>) target(%arg7 : memref<64x128xf32, #tpu.memory_space<vmem>>) target_semaphore(%arg16 : memref<!tpu.dma_semaphore, #tpu.memory_space<semaphore_mem>>)
    %add3A_312 = arith.constant 32 : i32
    %add3A_313 = arith.addi %add3A, %add3A_312 : i32
    %mul3A_314 = arith.constant 128 : i32
    %mul3A_315 = arith.muli %add3A_313, %mul3A_314 : i32
    %dma_start3A_316 = arith.constant 0 : i32
    %dma_start3A_317 = tpu.memref_slice %arg2[%dma_start3A_316, %mul3A_315] : memref<64x1000000xf32, #tpu.memory_space<hbm>> -> memref<64x128xf32, #tpu.memory_space<hbm>>
    %dma_start3A_318 = arith.constant 0 : i32
    %dma_start3A_319 = tpu.memref_slice %arg2[%dma_start3A_318, %mul3A_315] : memref<64x1000000xf32, #tpu.memory_space<hbm>> -> memref<64x128xf32, #tpu.memory_space<hbm>>
    tpu.enqueue_dma source(%dma_start3A_319 : memref<64x128xf32, #tpu.memory_space<hbm>>) target(%arg8 : memref<64x128xf32, #tpu.memory_space<vmem>>) target_semaphore(%arg17 : memref<!tpu.dma_semaphore, #tpu.memory_space<semaphore_mem>>)
    %mul3A_320 = arith.constant 128 : i32
    %mul3A_321 = arith.muli %add3A_313, %mul3A_320 : i32
    %dma_start3A_322 = arith.constant 0 : i32
    %dma_start3A_323 = tpu.memref_slice %arg3[%dma_start3A_322, %mul3A_321] : memref<64x1000000xf32, #tpu.memory_space<hbm>> -> memref<64x128xf32, #tpu.memory_space<hbm>>
    %dma_start3A_324 = arith.constant 0 : i32
    %dma_start3A_325 = tpu.memref_slice %arg3[%dma_start3A_324, %mul3A_321] : memref<64x1000000xf32, #tpu.memory_space<hbm>> -> memref<64x128xf32, #tpu.memory_space<hbm>>
    tpu.enqueue_dma source(%dma_start3A_325 : memref<64x128xf32, #tpu.memory_space<hbm>>) target(%arg9 : memref<64x128xf32, #tpu.memory_space<vmem>>) target_semaphore(%arg17 : memref<!tpu.dma_semaphore, #tpu.memory_space<semaphore_mem>>)
    %add3A_326 = arith.constant 1 : i32
    %add3A_327 = arith.addi %select_n3A, %add3A_326 : i32
    %jit3A_328 = arith.constant 2 : i32
    %div3A_329 = arith.divsi %add3A_327, %jit3A_328 : i32
    %sign3A_330 = arith.constant 0 : i32
    %sign3A_331 = arith.cmpi sgt, %add3A_327, %sign3A_330 : i32
    %sign3A_332 = arith.extui %sign3A_331 : i1 to i32
    %sign3A_333 = arith.constant 0 : i32
    %sign3A_334 = arith.cmpi slt, %add3A_327, %sign3A_333 : i32
    %sign3A_335 = arith.extui %sign3A_334 : i1 to i32
    %sign3A_336 = arith.subi %sign3A_332, %sign3A_335 : i32
    %sign3A_337 = arith.constant 0 : i32
    %sign3A_338 = arith.cmpi sgt, %jit3A_328, %sign3A_337 : i32
    %sign3A_339 = arith.extui %sign3A_338 : i1 to i32
    %sign3A_340 = arith.constant 0 : i32
    %sign3A_341 = arith.cmpi slt, %jit3A_328, %sign3A_340 : i32
    %sign3A_342 = arith.extui %sign3A_341 : i1 to i32
    %sign3A_343 = arith.subi %sign3A_339, %sign3A_342 : i32
    %ne3A_344 = arith.cmpi ne, %sign3A_336, %sign3A_343 : i32
    %rem3A_345 = arith.remsi %add3A_327, %jit3A_328 : i32
    %ne3A_346 = arith.constant 0 : i32
    %ne3A_347 = arith.cmpi ne, %rem3A_345, %ne3A_346 : i32
    %and3A_348 = arith.andi %ne3A_344, %ne3A_347 : i1
    %sub3A_349 = arith.constant 1 : i32
    %sub3A_350 = arith.subi %div3A_329, %sub3A_349 : i32
    %select_n3A_351 = arith.select %and3A_348, %sub3A_350, %div3A_329 : i32
    %while3A = arith.constant 0 : i32
    %while3A_352 = arith.constant 0 : i32
    %while3A_353 = arith.subi %select_n3A_351, %while3A_352 : i32
    %while3A_354 = arith.addi %while3A_352, %while3A_353 : i32
    %while3A_355 = arith.constant 1 : i32
    %while3A_356 = arith.divsi %while3A_353, %while3A_355 : i32
    %while3A_357 = arith.muli %while3A_356, %while3A_355 : i32
    %while3A_358 = arith.addi %while3A_352, %while3A_357 : i32
    %while3A_359 = arith.constant 1 : i32
    scf.for %while3A_386 = %while3A_352 to %while3A_358 step %while3A_359  : i32 {
      %mul3A_387 = arith.constant 2 : i32
      %mul3A_388 = arith.muli %mul3A_387, %while3A_386 : i32
      %ge3A = arith.constant 2 : i32
      %ge3A_389 = arith.cmpi sge, %mul3A_388, %ge3A : i32
      %convert_element_type3A_390 = arith.extui %ge3A_389 : i1 to i32
      %cond3A_391 = arith.constant 0 : i32
      %cond3A_392 = arith.cmpi ne, %convert_element_type3A_390, %cond3A_391 : i32
      scf.if %cond3A_392 {
        %dma_wait3A_437 = arith.constant 0 : i32
        %dma_wait3A_438 = arith.constant 0 : i32
        %dma_wait3A_439 = tpu.memref_slice %arg4[%dma_wait3A_437, %dma_wait3A_438] : memref<500000x128xf32, #tpu.memory_space<hbm>> -> memref<64x128xf32, #tpu.memory_space<hbm>>
        %dma_wait3A_440 = arith.constant 0 : i32
        %dma_wait3A_441 = arith.constant 0 : i32
        %dma_wait3A_442 = tpu.memref_slice %arg4[%dma_wait3A_440, %dma_wait3A_441] : memref<500000x128xf32, #tpu.memory_space<hbm>> -> memref<64x128xf32, #tpu.memory_space<hbm>>
        tpu.wait_dma2 semaphore(%arg18 : memref<!tpu.dma_semaphore, #tpu.memory_space<semaphore_mem>>) src(%arg10 : memref<64x128xf32, #tpu.memory_space<vmem>>) dst(%dma_wait3A_442 : memref<64x128xf32, #tpu.memory_space<hbm>>)
        %dma_wait3A_443 = arith.constant 0 : i32
        %dma_wait3A_444 = arith.constant 0 : i32
        %dma_wait3A_445 = tpu.memref_slice %arg5[%dma_wait3A_443, %dma_wait3A_444] : memref<500000x128xf32, #tpu.memory_space<hbm>> -> memref<64x128xf32, #tpu.memory_space<hbm>>
        %dma_wait3A_446 = arith.constant 0 : i32
        %dma_wait3A_447 = arith.constant 0 : i32
        %dma_wait3A_448 = tpu.memref_slice %arg5[%dma_wait3A_446, %dma_wait3A_447] : memref<500000x128xf32, #tpu.memory_space<hbm>> -> memref<64x128xf32, #tpu.memory_space<hbm>>
        tpu.wait_dma2 semaphore(%arg18 : memref<!tpu.dma_semaphore, #tpu.memory_space<semaphore_mem>>) src(%arg11 : memref<64x128xf32, #tpu.memory_space<vmem>>) dst(%dma_wait3A_448 : memref<64x128xf32, #tpu.memory_space<hbm>>)
      } else {
      }
      %dma_wait3A_393 = arith.constant 0 : i32
      %dma_wait3A_394 = arith.constant 0 : i32
      %dma_wait3A_395 = tpu.memref_slice %arg2[%dma_wait3A_393, %dma_wait3A_394] : memref<64x1000000xf32, #tpu.memory_space<hbm>> -> memref<64x128xf32, #tpu.memory_space<hbm>>
      %dma_wait3A_396 = arith.constant 0 : i32
      %dma_wait3A_397 = arith.constant 0 : i32
      %dma_wait3A_398 = tpu.memref_slice %arg2[%dma_wait3A_396, %dma_wait3A_397] : memref<64x1000000xf32, #tpu.memory_space<hbm>> -> memref<64x128xf32, #tpu.memory_space<hbm>>
      tpu.wait_dma2 semaphore(%arg16 : memref<!tpu.dma_semaphore, #tpu.memory_space<semaphore_mem>>) src(%dma_wait3A_398 : memref<64x128xf32, #tpu.memory_space<hbm>>) dst(%arg6 : memref<64x128xf32, #tpu.memory_space<vmem>>)
      %dma_wait3A_399 = arith.constant 0 : i32
      %dma_wait3A_400 = arith.constant 0 : i32
      %dma_wait3A_401 = tpu.memref_slice %arg3[%dma_wait3A_399, %dma_wait3A_400] : memref<64x1000000xf32, #tpu.memory_space<hbm>> -> memref<64x128xf32, #tpu.memory_space<hbm>>
      %dma_wait3A_402 = arith.constant 0 : i32
      %dma_wait3A_403 = arith.constant 0 : i32
      %dma_wait3A_404 = tpu.memref_slice %arg3[%dma_wait3A_402, %dma_wait3A_403] : memref<64x1000000xf32, #tpu.memory_space<hbm>> -> memref<64x128xf32, #tpu.memory_space<hbm>>
      tpu.wait_dma2 semaphore(%arg16 : memref<!tpu.dma_semaphore, #tpu.memory_space<semaphore_mem>>) src(%dma_wait3A_404 : memref<64x128xf32, #tpu.memory_space<hbm>>) dst(%arg7 : memref<64x128xf32, #tpu.memory_space<vmem>>)
      %parallel_loop3A = arith.constant 0 : i32
      %parallel_loop3A_405 = arith.constant 64 : i32
      %parallel_loop3A_406 = arith.constant 1 : i32
      scf.for %parallel_loop3A_437 = %parallel_loop3A to %parallel_loop3A_405 step %parallel_loop3A_406  : i32 {
        %parallel_loop3A_438 = vector.broadcast %parallel_loop3A_437 : i32 to vector<16xi32>
        %parallel_loop3A_439 = arith.addi %iota3A, %parallel_loop3A_438 : vector<16xi32>
        %parallel_loop3A_440 = arith.constant 15 : i32
        %parallel_loop3A_441 = vector.broadcast %parallel_loop3A_440 : i32 to vector<16xi32>
        %parallel_loop3A_442 = arith.andi %parallel_loop3A_439, %parallel_loop3A_441 : vector<16xi32>
        %parallel_loop3A_443 = arith.constant -16 : i32
        %parallel_loop3A_444 = vector.broadcast %parallel_loop3A_443 : i32 to vector<16xi32>
        %parallel_loop3A_445 = arith.andi %parallel_loop3A_438, %parallel_loop3A_444 : vector<16xi32>
        %parallel_loop3A_446 = arith.addi %parallel_loop3A_442, %parallel_loop3A_445 : vector<16xi32>
        %parallel_loop3A_447 = arith.addi %mul3A_298, %parallel_loop3A_446 : vector<16xi32>
        %parallel_loop3A_448 = tpu.vector_load_idx %arg6[%parallel_loop3A_446, %add3A_5] : memref<64x128xf32, #tpu.memory_space<vmem>>[vector<16xi32>, vector<16xi32>], vector<16xf32>,
        tpu.vector_store_idx %arg10[%select_n3A_54, %parallel_loop3A_447], %parallel_loop3A_448 : memref<64x128xf32, #tpu.memory_space<vmem>>[vector<16xi32>, vector<16xi32>], vector<16xf32>,
        %parallel_loop3A_449 = tpu.vector_load_idx %arg6[%parallel_loop3A_446, %add3A_8] : memref<64x128xf32, #tpu.memory_space<vmem>>[vector<16xi32>, vector<16xi32>], vector<16xf32>,
        tpu.vector_store_idx %arg10[%select_n3A_88, %parallel_loop3A_447], %parallel_loop3A_449 : memref<64x128xf32, #tpu.memory_space<vmem>>[vector<16xi32>, vector<16xi32>], vector<16xf32>,
        %parallel_loop3A_450 = tpu.vector_load_idx %arg6[%parallel_loop3A_446, %add3A_11] : memref<64x128xf32, #tpu.memory_space<vmem>>[vector<16xi32>, vector<16xi32>], vector<16xf32>,
        tpu.vector_store_idx %arg10[%select_n3A_122, %parallel_loop3A_447], %parallel_loop3A_450 : memref<64x128xf32, #tpu.memory_space<vmem>>[vector<16xi32>, vector<16xi32>], vector<16xf32>,
        %parallel_loop3A_451 = tpu.vector_load_idx %arg6[%parallel_loop3A_446, %add3A_14] : memref<64x128xf32, #tpu.memory_space<vmem>>[vector<16xi32>, vector<16xi32>], vector<16xf32>,
        tpu.vector_store_idx %arg10[%select_n3A_156, %parallel_loop3A_447], %parallel_loop3A_451 : memref<64x128xf32, #tpu.memory_space<vmem>>[vector<16xi32>, vector<16xi32>], vector<16xf32>,
        %parallel_loop3A_452 = tpu.vector_load_idx %arg6[%parallel_loop3A_446, %add3A_17] : memref<64x128xf32, #tpu.memory_space<vmem>>[vector<16xi32>, vector<16xi32>], vector<16xf32>,
        tpu.vector_store_idx %arg10[%select_n3A_190, %parallel_loop3A_447], %parallel_loop3A_452 : memref<64x128xf32, #tpu.memory_space<vmem>>[vector<16xi32>, vector<16xi32>], vector<16xf32>,
        %parallel_loop3A_453 = tpu.vector_load_idx %arg6[%parallel_loop3A_446, %add3A_20] : memref<64x128xf32, #tpu.memory_space<vmem>>[vector<16xi32>, vector<16xi32>], vector<16xf32>,
        tpu.vector_store_idx %arg10[%select_n3A_224, %parallel_loop3A_447], %parallel_loop3A_453 : memref<64x128xf32, #tpu.memory_space<vmem>>[vector<16xi32>, vector<16xi32>], vector<16xf32>,
        %parallel_loop3A_454 = tpu.vector_load_idx %arg6[%parallel_loop3A_446, %add3A_23] : memref<64x128xf32, #tpu.memory_space<vmem>>[vector<16xi32>, vector<16xi32>], vector<16xf32>,
        tpu.vector_store_idx %arg10[%select_n3A_258, %parallel_loop3A_447], %parallel_loop3A_454 : memref<64x128xf32, #tpu.memory_space<vmem>>[vector<16xi32>, vector<16xi32>], vector<16xf32>,
        %parallel_loop3A_455 = tpu.vector_load_idx %arg6[%parallel_loop3A_446, %add3A_26] : memref<64x128xf32, #tpu.memory_space<vmem>>[vector<16xi32>, vector<16xi32>], vector<16xf32>,
        tpu.vector_store_idx %arg10[%select_n3A_292, %parallel_loop3A_447], %parallel_loop3A_455 : memref<64x128xf32, #tpu.memory_space<vmem>>[vector<16xi32>, vector<16xi32>], vector<16xf32>,
      } {sc.loop_unroll_factor = 8 : i64, sc.parallel_access}
      %parallel_loop3A_407 = arith.constant 0 : i32
      %parallel_loop3A_408 = arith.constant 64 : i32
      %parallel_loop3A_409 = arith.constant 1 : i32
      scf.for %parallel_loop3A_437 = %parallel_loop3A_407 to %parallel_loop3A_408 step %parallel_loop3A_409  : i32 {
        %parallel_loop3A_438 = vector.broadcast %parallel_loop3A_437 : i32 to vector<16xi32>
        %parallel_loop3A_439 = arith.addi %iota3A, %parallel_loop3A_438 : vector<16xi32>
        %parallel_loop3A_440 = arith.constant 15 : i32
        %parallel_loop3A_441 = vector.broadcast %parallel_loop3A_440 : i32 to vector<16xi32>
        %parallel_loop3A_442 = arith.andi %parallel_loop3A_439, %parallel_loop3A_441 : vector<16xi32>
        %parallel_loop3A_443 = arith.constant -16 : i32
        %parallel_loop3A_444 = vector.broadcast %parallel_loop3A_443 : i32 to vector<16xi32>
        %parallel_loop3A_445 = arith.andi %parallel_loop3A_438, %parallel_loop3A_444 : vector<16xi32>
        %parallel_loop3A_446 = arith.addi %parallel_loop3A_442, %parallel_loop3A_445 : vector<16xi32>
        %parallel_loop3A_447 = arith.addi %mul3A_298, %parallel_loop3A_446 : vector<16xi32>
        %parallel_loop3A_448 = tpu.vector_load_idx %arg7[%parallel_loop3A_446, %add3A_5] : memref<64x128xf32, #tpu.memory_space<vmem>>[vector<16xi32>, vector<16xi32>], vector<16xf32>,
        tpu.vector_store_idx %arg11[%select_n3A_54, %parallel_loop3A_447], %parallel_loop3A_448 : memref<64x128xf32, #tpu.memory_space<vmem>>[vector<16xi32>, vector<16xi32>], vector<16xf32>,
        %parallel_loop3A_449 = tpu.vector_load_idx %arg7[%parallel_loop3A_446, %add3A_8] : memref<64x128xf32, #tpu.memory_space<vmem>>[vector<16xi32>, vector<16xi32>], vector<16xf32>,
        tpu.vector_store_idx %arg11[%select_n3A_88, %parallel_loop3A_447], %parallel_loop3A_449 : memref<64x128xf32, #tpu.memory_space<vmem>>[vector<16xi32>, vector<16xi32>], vector<16xf32>,
        %parallel_loop3A_450 = tpu.vector_load_idx %arg7[%parallel_loop3A_446, %add3A_11] : memref<64x128xf32, #tpu.memory_space<vmem>>[vector<16xi32>, vector<16xi32>], vector<16xf32>,
        tpu.vector_store_idx %arg11[%select_n3A_122, %parallel_loop3A_447], %parallel_loop3A_450 : memref<64x128xf32, #tpu.memory_space<vmem>>[vector<16xi32>, vector<16xi32>], vector<16xf32>,
        %parallel_loop3A_451 = tpu.vector_load_idx %arg7[%parallel_loop3A_446, %add3A_14] : memref<64x128xf32, #tpu.memory_space<vmem>>[vector<16xi32>, vector<16xi32>], vector<16xf32>,
        tpu.vector_store_idx %arg11[%select_n3A_156, %parallel_loop3A_447], %parallel_loop3A_451 : memref<64x128xf32, #tpu.memory_space<vmem>>[vector<16xi32>, vector<16xi32>], vector<16xf32>,
        %parallel_loop3A_452 = tpu.vector_load_idx %arg7[%parallel_loop3A_446, %add3A_17] : memref<64x128xf32, #tpu.memory_space<vmem>>[vector<16xi32>, vector<16xi32>], vector<16xf32>,
        tpu.vector_store_idx %arg11[%select_n3A_190, %parallel_loop3A_447], %parallel_loop3A_452 : memref<64x128xf32, #tpu.memory_space<vmem>>[vector<16xi32>, vector<16xi32>], vector<16xf32>,
        %parallel_loop3A_453 = tpu.vector_load_idx %arg7[%parallel_loop3A_446, %add3A_20] : memref<64x128xf32, #tpu.memory_space<vmem>>[vector<16xi32>, vector<16xi32>], vector<16xf32>,
        tpu.vector_store_idx %arg11[%select_n3A_224, %parallel_loop3A_447], %parallel_loop3A_453 : memref<64x128xf32, #tpu.memory_space<vmem>>[vector<16xi32>, vector<16xi32>], vector<16xf32>,
        %parallel_loop3A_454 = tpu.vector_load_idx %arg7[%parallel_loop3A_446, %add3A_23] : memref<64x128xf32, #tpu.memory_space<vmem>>[vector<16xi32>, vector<16xi32>], vector<16xf32>,
        tpu.vector_store_idx %arg11[%select_n3A_258, %parallel_loop3A_447], %parallel_loop3A_454 : memref<64x128xf32, #tpu.memory_space<vmem>>[vector<16xi32>, vector<16xi32>], vector<16xf32>,
        %parallel_loop3A_455 = tpu.vector_load_idx %arg7[%parallel_loop3A_446, %add3A_26] : memref<64x128xf32, #tpu.memory_space<vmem>>[vector<16xi32>, vector<16xi32>], vector<16xf32>,
        tpu.vector_store_idx %arg11[%select_n3A_292, %parallel_loop3A_447], %parallel_loop3A_455 : memref<64x128xf32, #tpu.memory_space<vmem>>[vector<16xi32>, vector<16xi32>], vector<16xf32>,
      } {sc.loop_unroll_factor = 8 : i64, sc.parallel_access}
      %add3A_410 = arith.constant 2 : i32
      %add3A_411 = arith.addi %mul3A_388, %add3A_410 : i32
      %lt3A_412 = arith.cmpi slt, %add3A_411, %select_n3A : i32
      %convert_element_type3A_413 = arith.extui %lt3A_412 : i1 to i32
      %cond3A_414 = arith.constant 0 : i32
      %cond3A_415 = arith.cmpi ne, %convert_element_type3A_413, %cond3A_414 : i32
      scf.if %cond3A_415 {
        %add3A_437 = arith.constant 2 : i32
        %add3A_438 = arith.addi %mul3A_388, %add3A_437 : i32
        %mul3A_439 = arith.constant 32 : i32
        %mul3A_440 = arith.muli %mul3A_439, %add3A_438 : i32
        %add3A_441 = arith.addi %add3A, %mul3A_440 : i32
        %mul3A_442 = arith.constant 128 : i32
        %mul3A_443 = arith.muli %add3A_441, %mul3A_442 : i32
        %dma_start3A_444 = arith.constant 0 : i32
        %dma_start3A_445 = tpu.memref_slice %arg2[%dma_start3A_444, %mul3A_443] : memref<64x1000000xf32, #tpu.memory_space<hbm>> -> memref<64x128xf32, #tpu.memory_space<hbm>>
        %dma_start3A_446 = arith.constant 0 : i32
        %dma_start3A_447 = tpu.memref_slice %arg2[%dma_start3A_446, %mul3A_443] : memref<64x1000000xf32, #tpu.memory_space<hbm>> -> memref<64x128xf32, #tpu.memory_space<hbm>>
        tpu.enqueue_dma source(%dma_start3A_447 : memref<64x128xf32, #tpu.memory_space<hbm>>) target(%arg6 : memref<64x128xf32, #tpu.memory_space<vmem>>) target_semaphore(%arg16 : memref<!tpu.dma_semaphore, #tpu.memory_space<semaphore_mem>>)
        %mul3A_448 = arith.constant 128 : i32
        %mul3A_449 = arith.muli %add3A_441, %mul3A_448 : i32
        %dma_start3A_450 = arith.constant 0 : i32
        %dma_start3A_451 = tpu.memref_slice %arg3[%dma_start3A_450, %mul3A_449] : memref<64x1000000xf32, #tpu.memory_space<hbm>> -> memref<64x128xf32, #tpu.memory_space<hbm>>
        %dma_start3A_452 = arith.constant 0 : i32
        %dma_start3A_453 = tpu.memref_slice %arg3[%dma_start3A_452, %mul3A_449] : memref<64x1000000xf32, #tpu.memory_space<hbm>> -> memref<64x128xf32, #tpu.memory_space<hbm>>
        tpu.enqueue_dma source(%dma_start3A_453 : memref<64x128xf32, #tpu.memory_space<hbm>>) target(%arg7 : memref<64x128xf32, #tpu.memory_space<vmem>>) target_semaphore(%arg16 : memref<!tpu.dma_semaphore, #tpu.memory_space<semaphore_mem>>)
      } else {
      }
      %mul3A_416 = arith.constant 32 : i32
      %mul3A_417 = arith.muli %mul3A_416, %mul3A_388 : i32
      %add3A_418 = arith.addi %add3A, %mul3A_417 : i32
      %mul3A_419 = arith.constant 64 : i32
      %mul3A_420 = arith.muli %add3A_418, %mul3A_419 : i32
      %dma_start3A_421 = arith.constant 0 : i32
      %dma_start3A_422 = tpu.memref_slice %arg4[%mul3A_420, %dma_start3A_421] : memref<500000x128xf32, #tpu.memory_space<hbm>> -> memref<64x128xf32, #tpu.memory_space<hbm>>
      %dma_start3A_423 = arith.constant 0 : i32
      %dma_start3A_424 = tpu.memref_slice %arg4[%mul3A_420, %dma_start3A_423] : memref<500000x128xf32, #tpu.memory_space<hbm>> -> memref<64x128xf32, #tpu.memory_space<hbm>>
      tpu.enqueue_dma source(%arg10 : memref<64x128xf32, #tpu.memory_space<vmem>>) target(%dma_start3A_424 : memref<64x128xf32, #tpu.memory_space<hbm>>) target_semaphore(%arg18 : memref<!tpu.dma_semaphore, #tpu.memory_space<semaphore_mem>>)
      %mul3A_425 = arith.constant 64 : i32
      %mul3A_426 = arith.muli %add3A_418, %mul3A_425 : i32
      %dma_start3A_427 = arith.constant 0 : i32
      %dma_start3A_428 = tpu.memref_slice %arg5[%mul3A_426, %dma_start3A_427] : memref<500000x128xf32, #tpu.memory_space<hbm>> -> memref<64x128xf32, #tpu.memory_space<hbm>>
      %dma_start3A_429 = arith.constant 0 : i32
      %dma_start3A_430 = tpu.memref_slice %arg5[%mul3A_426, %dma_start3A_429] : memref<500000x128xf32, #tpu.memory_space<hbm>> -> memref<64x128xf32, #tpu.memory_space<hbm>>
      tpu.enqueue_dma source(%arg11 : memref<64x128xf32, #tpu.memory_space<vmem>>) target(%dma_start3A_430 : memref<64x128xf32, #tpu.memory_space<hbm>>) target_semaphore(%arg18 : memref<!tpu.dma_semaphore, #tpu.memory_space<semaphore_mem>>)
      %add3A_431 = arith.constant 1 : i32
      %add3A_432 = arith.addi %mul3A_388, %add3A_431 : i32
      %lt3A_433 = arith.cmpi slt, %add3A_432, %select_n3A : i32
      %convert_element_type3A_434 = arith.extui %lt3A_433 : i1 to i32
      %cond3A_435 = arith.constant 0 : i32
      %cond3A_436 = arith.cmpi ne, %convert_element_type3A_434, %cond3A_435 : i32
      scf.if %cond3A_436 {
        %ge3A_437 = arith.constant 1 : i32
        %ge3A_438 = arith.cmpi sge, %mul3A_388, %ge3A_437 : i32
        %convert_element_type3A_439 = arith.extui %ge3A_438 : i1 to i32
        %cond3A_440 = arith.constant 0 : i32
        %cond3A_441 = arith.cmpi ne, %convert_element_type3A_439, %cond3A_440 : i32
        scf.if %cond3A_441 {
          %dma_wait3A_483 = arith.constant 0 : i32
          %dma_wait3A_484 = arith.constant 0 : i32
          %dma_wait3A_485 = tpu.memref_slice %arg4[%dma_wait3A_483, %dma_wait3A_484] : memref<500000x128xf32, #tpu.memory_space<hbm>> -> memref<64x128xf32, #tpu.memory_space<hbm>>
          %dma_wait3A_486 = arith.constant 0 : i32
          %dma_wait3A_487 = arith.constant 0 : i32
          %dma_wait3A_488 = tpu.memref_slice %arg4[%dma_wait3A_486, %dma_wait3A_487] : memref<500000x128xf32, #tpu.memory_space<hbm>> -> memref<64x128xf32, #tpu.memory_space<hbm>>
          tpu.wait_dma2 semaphore(%arg19 : memref<!tpu.dma_semaphore, #tpu.memory_space<semaphore_mem>>) src(%arg12 : memref<64x128xf32, #tpu.memory_space<vmem>>) dst(%dma_wait3A_488 : memref<64x128xf32, #tpu.memory_space<hbm>>)
          %dma_wait3A_489 = arith.constant 0 : i32
          %dma_wait3A_490 = arith.constant 0 : i32
          %dma_wait3A_491 = tpu.memref_slice %arg5[%dma_wait3A_489, %dma_wait3A_490] : memref<500000x128xf32, #tpu.memory_space<hbm>> -> memref<64x128xf32, #tpu.memory_space<hbm>>
          %dma_wait3A_492 = arith.constant 0 : i32
          %dma_wait3A_493 = arith.constant 0 : i32
          %dma_wait3A_494 = tpu.memref_slice %arg5[%dma_wait3A_492, %dma_wait3A_493] : memref<500000x128xf32, #tpu.memory_space<hbm>> -> memref<64x128xf32, #tpu.memory_space<hbm>>
          tpu.wait_dma2 semaphore(%arg19 : memref<!tpu.dma_semaphore, #tpu.memory_space<semaphore_mem>>) src(%arg13 : memref<64x128xf32, #tpu.memory_space<vmem>>) dst(%dma_wait3A_494 : memref<64x128xf32, #tpu.memory_space<hbm>>)
        } else {
        }
        %dma_wait3A_442 = arith.constant 0 : i32
        %dma_wait3A_443 = arith.constant 0 : i32
        %dma_wait3A_444 = tpu.memref_slice %arg2[%dma_wait3A_442, %dma_wait3A_443] : memref<64x1000000xf32, #tpu.memory_space<hbm>> -> memref<64x128xf32, #tpu.memory_space<hbm>>
        %dma_wait3A_445 = arith.constant 0 : i32
        %dma_wait3A_446 = arith.constant 0 : i32
        %dma_wait3A_447 = tpu.memref_slice %arg2[%dma_wait3A_445, %dma_wait3A_446] : memref<64x1000000xf32, #tpu.memory_space<hbm>> -> memref<64x128xf32, #tpu.memory_space<hbm>>
        tpu.wait_dma2 semaphore(%arg17 : memref<!tpu.dma_semaphore, #tpu.memory_space<semaphore_mem>>) src(%dma_wait3A_447 : memref<64x128xf32, #tpu.memory_space<hbm>>) dst(%arg8 : memref<64x128xf32, #tpu.memory_space<vmem>>)
        %dma_wait3A_448 = arith.constant 0 : i32
        %dma_wait3A_449 = arith.constant 0 : i32
        %dma_wait3A_450 = tpu.memref_slice %arg3[%dma_wait3A_448, %dma_wait3A_449] : memref<64x1000000xf32, #tpu.memory_space<hbm>> -> memref<64x128xf32, #tpu.memory_space<hbm>>
        %dma_wait3A_451 = arith.constant 0 : i32
        %dma_wait3A_452 = arith.constant 0 : i32
        %dma_wait3A_453 = tpu.memref_slice %arg3[%dma_wait3A_451, %dma_wait3A_452] : memref<64x1000000xf32, #tpu.memory_space<hbm>> -> memref<64x128xf32, #tpu.memory_space<hbm>>
        tpu.wait_dma2 semaphore(%arg17 : memref<!tpu.dma_semaphore, #tpu.memory_space<semaphore_mem>>) src(%dma_wait3A_453 : memref<64x128xf32, #tpu.memory_space<hbm>>) dst(%arg9 : memref<64x128xf32, #tpu.memory_space<vmem>>)
        %parallel_loop3A_454 = arith.constant 0 : i32
        %parallel_loop3A_455 = arith.constant 64 : i32
        %parallel_loop3A_456 = arith.constant 1 : i32
        scf.for %parallel_loop3A_483 = %parallel_loop3A_454 to %parallel_loop3A_455 step %parallel_loop3A_456  : i32 {
          %parallel_loop3A_484 = vector.broadcast %parallel_loop3A_483 : i32 to vector<16xi32>
          %parallel_loop3A_485 = arith.addi %iota3A, %parallel_loop3A_484 : vector<16xi32>
          %parallel_loop3A_486 = arith.constant 15 : i32
          %parallel_loop3A_487 = vector.broadcast %parallel_loop3A_486 : i32 to vector<16xi32>
          %parallel_loop3A_488 = arith.andi %parallel_loop3A_485, %parallel_loop3A_487 : vector<16xi32>
          %parallel_loop3A_489 = arith.constant -16 : i32
          %parallel_loop3A_490 = vector.broadcast %parallel_loop3A_489 : i32 to vector<16xi32>
          %parallel_loop3A_491 = arith.andi %parallel_loop3A_484, %parallel_loop3A_490 : vector<16xi32>
          %parallel_loop3A_492 = arith.addi %parallel_loop3A_488, %parallel_loop3A_491 : vector<16xi32>
          %parallel_loop3A_493 = arith.addi %mul3A_298, %parallel_loop3A_492 : vector<16xi32>
          %parallel_loop3A_494 = tpu.vector_load_idx %arg8[%parallel_loop3A_492, %add3A_5] : memref<64x128xf32, #tpu.memory_space<vmem>>[vector<16xi32>, vector<16xi32>], vector<16xf32>,
          tpu.vector_store_idx %arg12[%select_n3A_54, %parallel_loop3A_493], %parallel_loop3A_494 : memref<64x128xf32, #tpu.memory_space<vmem>>[vector<16xi32>, vector<16xi32>], vector<16xf32>,
          %parallel_loop3A_495 = tpu.vector_load_idx %arg8[%parallel_loop3A_492, %add3A_8] : memref<64x128xf32, #tpu.memory_space<vmem>>[vector<16xi32>, vector<16xi32>], vector<16xf32>,
          tpu.vector_store_idx %arg12[%select_n3A_88, %parallel_loop3A_493], %parallel_loop3A_495 : memref<64x128xf32, #tpu.memory_space<vmem>>[vector<16xi32>, vector<16xi32>], vector<16xf32>,
          %parallel_loop3A_496 = tpu.vector_load_idx %arg8[%parallel_loop3A_492, %add3A_11] : memref<64x128xf32, #tpu.memory_space<vmem>>[vector<16xi32>, vector<16xi32>], vector<16xf32>,
          tpu.vector_store_idx %arg12[%select_n3A_122, %parallel_loop3A_493], %parallel_loop3A_496 : memref<64x128xf32, #tpu.memory_space<vmem>>[vector<16xi32>, vector<16xi32>], vector<16xf32>,
          %parallel_loop3A_497 = tpu.vector_load_idx %arg8[%parallel_loop3A_492, %add3A_14] : memref<64x128xf32, #tpu.memory_space<vmem>>[vector<16xi32>, vector<16xi32>], vector<16xf32>,
          tpu.vector_store_idx %arg12[%select_n3A_156, %parallel_loop3A_493], %parallel_loop3A_497 : memref<64x128xf32, #tpu.memory_space<vmem>>[vector<16xi32>, vector<16xi32>], vector<16xf32>,
          %parallel_loop3A_498 = tpu.vector_load_idx %arg8[%parallel_loop3A_492, %add3A_17] : memref<64x128xf32, #tpu.memory_space<vmem>>[vector<16xi32>, vector<16xi32>], vector<16xf32>,
          tpu.vector_store_idx %arg12[%select_n3A_190, %parallel_loop3A_493], %parallel_loop3A_498 : memref<64x128xf32, #tpu.memory_space<vmem>>[vector<16xi32>, vector<16xi32>], vector<16xf32>,
          %parallel_loop3A_499 = tpu.vector_load_idx %arg8[%parallel_loop3A_492, %add3A_20] : memref<64x128xf32, #tpu.memory_space<vmem>>[vector<16xi32>, vector<16xi32>], vector<16xf32>,
          tpu.vector_store_idx %arg12[%select_n3A_224, %parallel_loop3A_493], %parallel_loop3A_499 : memref<64x128xf32, #tpu.memory_space<vmem>>[vector<16xi32>, vector<16xi32>], vector<16xf32>,
          %parallel_loop3A_500 = tpu.vector_load_idx %arg8[%parallel_loop3A_492, %add3A_23] : memref<64x128xf32, #tpu.memory_space<vmem>>[vector<16xi32>, vector<16xi32>], vector<16xf32>,
          tpu.vector_store_idx %arg12[%select_n3A_258, %parallel_loop3A_493], %parallel_loop3A_500 : memref<64x128xf32, #tpu.memory_space<vmem>>[vector<16xi32>, vector<16xi32>], vector<16xf32>,
          %parallel_loop3A_501 = tpu.vector_load_idx %arg8[%parallel_loop3A_492, %add3A_26] : memref<64x128xf32, #tpu.memory_space<vmem>>[vector<16xi32>, vector<16xi32>], vector<16xf32>,
          tpu.vector_store_idx %arg12[%select_n3A_292, %parallel_loop3A_493], %parallel_loop3A_501 : memref<64x128xf32, #tpu.memory_space<vmem>>[vector<16xi32>, vector<16xi32>], vector<16xf32>,
        } {sc.loop_unroll_factor = 8 : i64, sc.parallel_access}
        %parallel_loop3A_457 = arith.constant 0 : i32
        %parallel_loop3A_458 = arith.constant 64 : i32
        %parallel_loop3A_459 = arith.constant 1 : i32
        scf.for %parallel_loop3A_483 = %parallel_loop3A_457 to %parallel_loop3A_458 step %parallel_loop3A_459  : i32 {
          %parallel_loop3A_484 = vector.broadcast %parallel_loop3A_483 : i32 to vector<16xi32>
          %parallel_loop3A_485 = arith.addi %iota3A, %parallel_loop3A_484 : vector<16xi32>
          %parallel_loop3A_486 = arith.constant 15 : i32
          %parallel_loop3A_487 = vector.broadcast %parallel_loop3A_486 : i32 to vector<16xi32>
          %parallel_loop3A_488 = arith.andi %parallel_loop3A_485, %parallel_loop3A_487 : vector<16xi32>
          %parallel_loop3A_489 = arith.constant -16 : i32
          %parallel_loop3A_490 = vector.broadcast %parallel_loop3A_489 : i32 to vector<16xi32>
          %parallel_loop3A_491 = arith.andi %parallel_loop3A_484, %parallel_loop3A_490 : vector<16xi32>
          %parallel_loop3A_492 = arith.addi %parallel_loop3A_488, %parallel_loop3A_491 : vector<16xi32>
          %parallel_loop3A_493 = arith.addi %mul3A_298, %parallel_loop3A_492 : vector<16xi32>
          %parallel_loop3A_494 = tpu.vector_load_idx %arg9[%parallel_loop3A_492, %add3A_5] : memref<64x128xf32, #tpu.memory_space<vmem>>[vector<16xi32>, vector<16xi32>], vector<16xf32>,
          tpu.vector_store_idx %arg13[%select_n3A_54, %parallel_loop3A_493], %parallel_loop3A_494 : memref<64x128xf32, #tpu.memory_space<vmem>>[vector<16xi32>, vector<16xi32>], vector<16xf32>,
          %parallel_loop3A_495 = tpu.vector_load_idx %arg9[%parallel_loop3A_492, %add3A_8] : memref<64x128xf32, #tpu.memory_space<vmem>>[vector<16xi32>, vector<16xi32>], vector<16xf32>,
          tpu.vector_store_idx %arg13[%select_n3A_88, %parallel_loop3A_493], %parallel_loop3A_495 : memref<64x128xf32, #tpu.memory_space<vmem>>[vector<16xi32>, vector<16xi32>], vector<16xf32>,
          %parallel_loop3A_496 = tpu.vector_load_idx %arg9[%parallel_loop3A_492, %add3A_11] : memref<64x128xf32, #tpu.memory_space<vmem>>[vector<16xi32>, vector<16xi32>], vector<16xf32>,
          tpu.vector_store_idx %arg13[%select_n3A_122, %parallel_loop3A_493], %parallel_loop3A_496 : memref<64x128xf32, #tpu.memory_space<vmem>>[vector<16xi32>, vector<16xi32>], vector<16xf32>,
          %parallel_loop3A_497 = tpu.vector_load_idx %arg9[%parallel_loop3A_492, %add3A_14] : memref<64x128xf32, #tpu.memory_space<vmem>>[vector<16xi32>, vector<16xi32>], vector<16xf32>,
          tpu.vector_store_idx %arg13[%select_n3A_156, %parallel_loop3A_493], %parallel_loop3A_497 : memref<64x128xf32, #tpu.memory_space<vmem>>[vector<16xi32>, vector<16xi32>], vector<16xf32>,
          %parallel_loop3A_498 = tpu.vector_load_idx %arg9[%parallel_loop3A_492, %add3A_17] : memref<64x128xf32, #tpu.memory_space<vmem>>[vector<16xi32>, vector<16xi32>], vector<16xf32>,
          tpu.vector_store_idx %arg13[%select_n3A_190, %parallel_loop3A_493], %parallel_loop3A_498 : memref<64x128xf32, #tpu.memory_space<vmem>>[vector<16xi32>, vector<16xi32>], vector<16xf32>,
          %parallel_loop3A_499 = tpu.vector_load_idx %arg9[%parallel_loop3A_492, %add3A_20] : memref<64x128xf32, #tpu.memory_space<vmem>>[vector<16xi32>, vector<16xi32>], vector<16xf32>,
          tpu.vector_store_idx %arg13[%select_n3A_224, %parallel_loop3A_493], %parallel_loop3A_499 : memref<64x128xf32, #tpu.memory_space<vmem>>[vector<16xi32>, vector<16xi32>], vector<16xf32>,
          %parallel_loop3A_500 = tpu.vector_load_idx %arg9[%parallel_loop3A_492, %add3A_23] : memref<64x128xf32, #tpu.memory_space<vmem>>[vector<16xi32>, vector<16xi32>], vector<16xf32>,
          tpu.vector_store_idx %arg13[%select_n3A_258, %parallel_loop3A_493], %parallel_loop3A_500 : memref<64x128xf32, #tpu.memory_space<vmem>>[vector<16xi32>, vector<16xi32>], vector<16xf32>,
          %parallel_loop3A_501 = tpu.vector_load_idx %arg9[%parallel_loop3A_492, %add3A_26] : memref<64x128xf32, #tpu.memory_space<vmem>>[vector<16xi32>, vector<16xi32>], vector<16xf32>,
          tpu.vector_store_idx %arg13[%select_n3A_292, %parallel_loop3A_493], %parallel_loop3A_501 : memref<64x128xf32, #tpu.memory_space<vmem>>[vector<16xi32>, vector<16xi32>], vector<16xf32>,
        } {sc.loop_unroll_factor = 8 : i64, sc.parallel_access}
        %add3A_460 = arith.constant 3 : i32
        %add3A_461 = arith.addi %mul3A_388, %add3A_460 : i32
        %lt3A_462 = arith.cmpi slt, %add3A_461, %select_n3A : i32
        %convert_element_type3A_463 = arith.extui %lt3A_462 : i1 to i32
        %cond3A_464 = arith.constant 0 : i32
        %cond3A_465 = arith.cmpi ne, %convert_element_type3A_463, %cond3A_464 : i32
        scf.if %cond3A_465 {
          %add3A_483 = arith.constant 3 : i32
          %add3A_484 = arith.addi %mul3A_388, %add3A_483 : i32
          %mul3A_485 = arith.constant 32 : i32
          %mul3A_486 = arith.muli %mul3A_485, %add3A_484 : i32
          %add3A_487 = arith.addi %add3A, %mul3A_486 : i32
          %mul3A_488 = arith.constant 128 : i32
          %mul3A_489 = arith.muli %add3A_487, %mul3A_488 : i32
          %dma_start3A_490 = arith.constant 0 : i32
          %dma_start3A_491 = tpu.memref_slice %arg2[%dma_start3A_490, %mul3A_489] : memref<64x1000000xf32, #tpu.memory_space<hbm>> -> memref<64x128xf32, #tpu.memory_space<hbm>>
          %dma_start3A_492 = arith.constant 0 : i32
          %dma_start3A_493 = tpu.memref_slice %arg2[%dma_start3A_492, %mul3A_489] : memref<64x1000000xf32, #tpu.memory_space<hbm>> -> memref<64x128xf32, #tpu.memory_space<hbm>>
          tpu.enqueue_dma source(%dma_start3A_493 : memref<64x128xf32, #tpu.memory_space<hbm>>) target(%arg8 : memref<64x128xf32, #tpu.memory_space<vmem>>) target_semaphore(%arg17 : memref<!tpu.dma_semaphore, #tpu.memory_space<semaphore_mem>>)
          %mul3A_494 = arith.constant 128 : i32
          %mul3A_495 = arith.muli %add3A_487, %mul3A_494 : i32
          %dma_start3A_496 = arith.constant 0 : i32
          %dma_start3A_497 = tpu.memref_slice %arg3[%dma_start3A_496, %mul3A_495] : memref<64x1000000xf32, #tpu.memory_space<hbm>> -> memref<64x128xf32, #tpu.memory_space<hbm>>
          %dma_start3A_498 = arith.constant 0 : i32
          %dma_start3A_499 = tpu.memref_slice %arg3[%dma_start3A_498, %mul3A_495] : memref<64x1000000xf32, #tpu.memory_space<hbm>> -> memref<64x128xf32, #tpu.memory_space<hbm>>
          tpu.enqueue_dma source(%dma_start3A_499 : memref<64x128xf32, #tpu.memory_space<hbm>>) target(%arg9 : memref<64x128xf32, #tpu.memory_space<vmem>>) target_semaphore(%arg17 : memref<!tpu.dma_semaphore, #tpu.memory_space<semaphore_mem>>)
        } else {
        }
        %add3A_466 = arith.constant 1 : i32
        %add3A_467 = arith.addi %mul3A_388, %add3A_466 : i32
        %mul3A_468 = arith.constant 32 : i32
        %mul3A_469 = arith.muli %mul3A_468, %add3A_467 : i32
        %add3A_470 = arith.addi %add3A, %mul3A_469 : i32
        %mul3A_471 = arith.constant 64 : i32
        %mul3A_472 = arith.muli %add3A_470, %mul3A_471 : i32
        %dma_start3A_473 = arith.constant 0 : i32
        %dma_start3A_474 = tpu.memref_slice %arg4[%mul3A_472, %dma_start3A_473] : memref<500000x128xf32, #tpu.memory_space<hbm>> -> memref<64x128xf32, #tpu.memory_space<hbm>>
        %dma_start3A_475 = arith.constant 0 : i32
        %dma_start3A_476 = tpu.memref_slice %arg4[%mul3A_472, %dma_start3A_475] : memref<500000x128xf32, #tpu.memory_space<hbm>> -> memref<64x128xf32, #tpu.memory_space<hbm>>
        tpu.enqueue_dma source(%arg12 : memref<64x128xf32, #tpu.memory_space<vmem>>) target(%dma_start3A_476 : memref<64x128xf32, #tpu.memory_space<hbm>>) target_semaphore(%arg19 : memref<!tpu.dma_semaphore, #tpu.memory_space<semaphore_mem>>)
        %mul3A_477 = arith.constant 64 : i32
        %mul3A_478 = arith.muli %add3A_470, %mul3A_477 : i32
        %dma_start3A_479 = arith.constant 0 : i32
        %dma_start3A_480 = tpu.memref_slice %arg5[%mul3A_478, %dma_start3A_479] : memref<500000x128xf32, #tpu.memory_space<hbm>> -> memref<64x128xf32, #tpu.memory_space<hbm>>
        %dma_start3A_481 = arith.constant 0 : i32
        %dma_start3A_482 = tpu.memref_slice %arg5[%mul3A_478, %dma_start3A_481] : memref<500000x128xf32, #tpu.memory_space<hbm>> -> memref<64x128xf32, #tpu.memory_space<hbm>>
        tpu.enqueue_dma source(%arg13 : memref<64x128xf32, #tpu.memory_space<vmem>>) target(%dma_start3A_482 : memref<64x128xf32, #tpu.memory_space<hbm>>) target_semaphore(%arg19 : memref<!tpu.dma_semaphore, #tpu.memory_space<semaphore_mem>>)
      } else {
      }
    }
    %while3A_360 = arith.constant 1 : i32
    scf.for %while3A_386 = %while3A_358 to %while3A_354 step %while3A_360  : i32 {
      %mul3A_387 = arith.constant 2 : i32
      %mul3A_388 = arith.muli %mul3A_387, %while3A_386 : i32
      %ge3A = arith.constant 2 : i32
      %ge3A_389 = arith.cmpi sge, %mul3A_388, %ge3A : i32
      %convert_element_type3A_390 = arith.extui %ge3A_389 : i1 to i32
      %cond3A_391 = arith.constant 0 : i32
      %cond3A_392 = arith.cmpi ne, %convert_element_type3A_390, %cond3A_391 : i32
      scf.if %cond3A_392 {
        %dma_wait3A_437 = arith.constant 0 : i32
        %dma_wait3A_438 = arith.constant 0 : i32
        %dma_wait3A_439 = tpu.memref_slice %arg4[%dma_wait3A_437, %dma_wait3A_438] : memref<500000x128xf32, #tpu.memory_space<hbm>> -> memref<64x128xf32, #tpu.memory_space<hbm>>
        %dma_wait3A_440 = arith.constant 0 : i32
        %dma_wait3A_441 = arith.constant 0 : i32
        %dma_wait3A_442 = tpu.memref_slice %arg4[%dma_wait3A_440, %dma_wait3A_441] : memref<500000x128xf32, #tpu.memory_space<hbm>> -> memref<64x128xf32, #tpu.memory_space<hbm>>
        tpu.wait_dma2 semaphore(%arg18 : memref<!tpu.dma_semaphore, #tpu.memory_space<semaphore_mem>>) src(%arg10 : memref<64x128xf32, #tpu.memory_space<vmem>>) dst(%dma_wait3A_442 : memref<64x128xf32, #tpu.memory_space<hbm>>)
        %dma_wait3A_443 = arith.constant 0 : i32
        %dma_wait3A_444 = arith.constant 0 : i32
        %dma_wait3A_445 = tpu.memref_slice %arg5[%dma_wait3A_443, %dma_wait3A_444] : memref<500000x128xf32, #tpu.memory_space<hbm>> -> memref<64x128xf32, #tpu.memory_space<hbm>>
        %dma_wait3A_446 = arith.constant 0 : i32
        %dma_wait3A_447 = arith.constant 0 : i32
        %dma_wait3A_448 = tpu.memref_slice %arg5[%dma_wait3A_446, %dma_wait3A_447] : memref<500000x128xf32, #tpu.memory_space<hbm>> -> memref<64x128xf32, #tpu.memory_space<hbm>>
        tpu.wait_dma2 semaphore(%arg18 : memref<!tpu.dma_semaphore, #tpu.memory_space<semaphore_mem>>) src(%arg11 : memref<64x128xf32, #tpu.memory_space<vmem>>) dst(%dma_wait3A_448 : memref<64x128xf32, #tpu.memory_space<hbm>>)
      } else {
      }
      %dma_wait3A_393 = arith.constant 0 : i32
      %dma_wait3A_394 = arith.constant 0 : i32
      %dma_wait3A_395 = tpu.memref_slice %arg2[%dma_wait3A_393, %dma_wait3A_394] : memref<64x1000000xf32, #tpu.memory_space<hbm>> -> memref<64x128xf32, #tpu.memory_space<hbm>>
      %dma_wait3A_396 = arith.constant 0 : i32
      %dma_wait3A_397 = arith.constant 0 : i32
      %dma_wait3A_398 = tpu.memref_slice %arg2[%dma_wait3A_396, %dma_wait3A_397] : memref<64x1000000xf32, #tpu.memory_space<hbm>> -> memref<64x128xf32, #tpu.memory_space<hbm>>
      tpu.wait_dma2 semaphore(%arg16 : memref<!tpu.dma_semaphore, #tpu.memory_space<semaphore_mem>>) src(%dma_wait3A_398 : memref<64x128xf32, #tpu.memory_space<hbm>>) dst(%arg6 : memref<64x128xf32, #tpu.memory_space<vmem>>)
      %dma_wait3A_399 = arith.constant 0 : i32
      %dma_wait3A_400 = arith.constant 0 : i32
      %dma_wait3A_401 = tpu.memref_slice %arg3[%dma_wait3A_399, %dma_wait3A_400] : memref<64x1000000xf32, #tpu.memory_space<hbm>> -> memref<64x128xf32, #tpu.memory_space<hbm>>
      %dma_wait3A_402 = arith.constant 0 : i32
      %dma_wait3A_403 = arith.constant 0 : i32
      %dma_wait3A_404 = tpu.memref_slice %arg3[%dma_wait3A_402, %dma_wait3A_403] : memref<64x1000000xf32, #tpu.memory_space<hbm>> -> memref<64x128xf32, #tpu.memory_space<hbm>>
      tpu.wait_dma2 semaphore(%arg16 : memref<!tpu.dma_semaphore, #tpu.memory_space<semaphore_mem>>) src(%dma_wait3A_404 : memref<64x128xf32, #tpu.memory_space<hbm>>) dst(%arg7 : memref<64x128xf32, #tpu.memory_space<vmem>>)
      %parallel_loop3A = arith.constant 0 : i32
      %parallel_loop3A_405 = arith.constant 64 : i32
      %parallel_loop3A_406 = arith.constant 1 : i32
      scf.for %parallel_loop3A_437 = %parallel_loop3A to %parallel_loop3A_405 step %parallel_loop3A_406  : i32 {
        %parallel_loop3A_438 = vector.broadcast %parallel_loop3A_437 : i32 to vector<16xi32>
        %parallel_loop3A_439 = arith.addi %iota3A, %parallel_loop3A_438 : vector<16xi32>
        %parallel_loop3A_440 = arith.constant 15 : i32
        %parallel_loop3A_441 = vector.broadcast %parallel_loop3A_440 : i32 to vector<16xi32>
        %parallel_loop3A_442 = arith.andi %parallel_loop3A_439, %parallel_loop3A_441 : vector<16xi32>
        %parallel_loop3A_443 = arith.constant -16 : i32
        %parallel_loop3A_444 = vector.broadcast %parallel_loop3A_443 : i32 to vector<16xi32>
        %parallel_loop3A_445 = arith.andi %parallel_loop3A_438, %parallel_loop3A_444 : vector<16xi32>
        %parallel_loop3A_446 = arith.addi %parallel_loop3A_442, %parallel_loop3A_445 : vector<16xi32>
        %parallel_loop3A_447 = arith.addi %mul3A_298, %parallel_loop3A_446 : vector<16xi32>
        %parallel_loop3A_448 = tpu.vector_load_idx %arg6[%parallel_loop3A_446, %add3A_5] : memref<64x128xf32, #tpu.memory_space<vmem>>[vector<16xi32>, vector<16xi32>], vector<16xf32>,
        tpu.vector_store_idx %arg10[%select_n3A_54, %parallel_loop3A_447], %parallel_loop3A_448 : memref<64x128xf32, #tpu.memory_space<vmem>>[vector<16xi32>, vector<16xi32>], vector<16xf32>,
        %parallel_loop3A_449 = tpu.vector_load_idx %arg6[%parallel_loop3A_446, %add3A_8] : memref<64x128xf32, #tpu.memory_space<vmem>>[vector<16xi32>, vector<16xi32>], vector<16xf32>,
        tpu.vector_store_idx %arg10[%select_n3A_88, %parallel_loop3A_447], %parallel_loop3A_449 : memref<64x128xf32, #tpu.memory_space<vmem>>[vector<16xi32>, vector<16xi32>], vector<16xf32>,
        %parallel_loop3A_450 = tpu.vector_load_idx %arg6[%parallel_loop3A_446, %add3A_11] : memref<64x128xf32, #tpu.memory_space<vmem>>[vector<16xi32>, vector<16xi32>], vector<16xf32>,
        tpu.vector_store_idx %arg10[%select_n3A_122, %parallel_loop3A_447], %parallel_loop3A_450 : memref<64x128xf32, #tpu.memory_space<vmem>>[vector<16xi32>, vector<16xi32>], vector<16xf32>,
        %parallel_loop3A_451 = tpu.vector_load_idx %arg6[%parallel_loop3A_446, %add3A_14] : memref<64x128xf32, #tpu.memory_space<vmem>>[vector<16xi32>, vector<16xi32>], vector<16xf32>,
        tpu.vector_store_idx %arg10[%select_n3A_156, %parallel_loop3A_447], %parallel_loop3A_451 : memref<64x128xf32, #tpu.memory_space<vmem>>[vector<16xi32>, vector<16xi32>], vector<16xf32>,
        %parallel_loop3A_452 = tpu.vector_load_idx %arg6[%parallel_loop3A_446, %add3A_17] : memref<64x128xf32, #tpu.memory_space<vmem>>[vector<16xi32>, vector<16xi32>], vector<16xf32>,
        tpu.vector_store_idx %arg10[%select_n3A_190, %parallel_loop3A_447], %parallel_loop3A_452 : memref<64x128xf32, #tpu.memory_space<vmem>>[vector<16xi32>, vector<16xi32>], vector<16xf32>,
        %parallel_loop3A_453 = tpu.vector_load_idx %arg6[%parallel_loop3A_446, %add3A_20] : memref<64x128xf32, #tpu.memory_space<vmem>>[vector<16xi32>, vector<16xi32>], vector<16xf32>,
        tpu.vector_store_idx %arg10[%select_n3A_224, %parallel_loop3A_447], %parallel_loop3A_453 : memref<64x128xf32, #tpu.memory_space<vmem>>[vector<16xi32>, vector<16xi32>], vector<16xf32>,
        %parallel_loop3A_454 = tpu.vector_load_idx %arg6[%parallel_loop3A_446, %add3A_23] : memref<64x128xf32, #tpu.memory_space<vmem>>[vector<16xi32>, vector<16xi32>], vector<16xf32>,
        tpu.vector_store_idx %arg10[%select_n3A_258, %parallel_loop3A_447], %parallel_loop3A_454 : memref<64x128xf32, #tpu.memory_space<vmem>>[vector<16xi32>, vector<16xi32>], vector<16xf32>,
        %parallel_loop3A_455 = tpu.vector_load_idx %arg6[%parallel_loop3A_446, %add3A_26] : memref<64x128xf32, #tpu.memory_space<vmem>>[vector<16xi32>, vector<16xi32>], vector<16xf32>,
        tpu.vector_store_idx %arg10[%select_n3A_292, %parallel_loop3A_447], %parallel_loop3A_455 : memref<64x128xf32, #tpu.memory_space<vmem>>[vector<16xi32>, vector<16xi32>], vector<16xf32>,
      } {sc.loop_unroll_factor = 8 : i64, sc.parallel_access}
      %parallel_loop3A_407 = arith.constant 0 : i32
      %parallel_loop3A_408 = arith.constant 64 : i32
      %parallel_loop3A_409 = arith.constant 1 : i32
      scf.for %parallel_loop3A_437 = %parallel_loop3A_407 to %parallel_loop3A_408 step %parallel_loop3A_409  : i32 {
        %parallel_loop3A_438 = vector.broadcast %parallel_loop3A_437 : i32 to vector<16xi32>
        %parallel_loop3A_439 = arith.addi %iota3A, %parallel_loop3A_438 : vector<16xi32>
        %parallel_loop3A_440 = arith.constant 15 : i32
        %parallel_loop3A_441 = vector.broadcast %parallel_loop3A_440 : i32 to vector<16xi32>
        %parallel_loop3A_442 = arith.andi %parallel_loop3A_439, %parallel_loop3A_441 : vector<16xi32>
        %parallel_loop3A_443 = arith.constant -16 : i32
        %parallel_loop3A_444 = vector.broadcast %parallel_loop3A_443 : i32 to vector<16xi32>
        %parallel_loop3A_445 = arith.andi %parallel_loop3A_438, %parallel_loop3A_444 : vector<16xi32>
        %parallel_loop3A_446 = arith.addi %parallel_loop3A_442, %parallel_loop3A_445 : vector<16xi32>
        %parallel_loop3A_447 = arith.addi %mul3A_298, %parallel_loop3A_446 : vector<16xi32>
        %parallel_loop3A_448 = tpu.vector_load_idx %arg7[%parallel_loop3A_446, %add3A_5] : memref<64x128xf32, #tpu.memory_space<vmem>>[vector<16xi32>, vector<16xi32>], vector<16xf32>,
        tpu.vector_store_idx %arg11[%select_n3A_54, %parallel_loop3A_447], %parallel_loop3A_448 : memref<64x128xf32, #tpu.memory_space<vmem>>[vector<16xi32>, vector<16xi32>], vector<16xf32>,
        %parallel_loop3A_449 = tpu.vector_load_idx %arg7[%parallel_loop3A_446, %add3A_8] : memref<64x128xf32, #tpu.memory_space<vmem>>[vector<16xi32>, vector<16xi32>], vector<16xf32>,
        tpu.vector_store_idx %arg11[%select_n3A_88, %parallel_loop3A_447], %parallel_loop3A_449 : memref<64x128xf32, #tpu.memory_space<vmem>>[vector<16xi32>, vector<16xi32>], vector<16xf32>,
        %parallel_loop3A_450 = tpu.vector_load_idx %arg7[%parallel_loop3A_446, %add3A_11] : memref<64x128xf32, #tpu.memory_space<vmem>>[vector<16xi32>, vector<16xi32>], vector<16xf32>,
        tpu.vector_store_idx %arg11[%select_n3A_122, %parallel_loop3A_447], %parallel_loop3A_450 : memref<64x128xf32, #tpu.memory_space<vmem>>[vector<16xi32>, vector<16xi32>], vector<16xf32>,
        %parallel_loop3A_451 = tpu.vector_load_idx %arg7[%parallel_loop3A_446, %add3A_14] : memref<64x128xf32, #tpu.memory_space<vmem>>[vector<16xi32>, vector<16xi32>], vector<16xf32>,
        tpu.vector_store_idx %arg11[%select_n3A_156, %parallel_loop3A_447], %parallel_loop3A_451 : memref<64x128xf32, #tpu.memory_space<vmem>>[vector<16xi32>, vector<16xi32>], vector<16xf32>,
        %parallel_loop3A_452 = tpu.vector_load_idx %arg7[%parallel_loop3A_446, %add3A_17] : memref<64x128xf32, #tpu.memory_space<vmem>>[vector<16xi32>, vector<16xi32>], vector<16xf32>,
        tpu.vector_store_idx %arg11[%select_n3A_190, %parallel_loop3A_447], %parallel_loop3A_452 : memref<64x128xf32, #tpu.memory_space<vmem>>[vector<16xi32>, vector<16xi32>], vector<16xf32>,
        %parallel_loop3A_453 = tpu.vector_load_idx %arg7[%parallel_loop3A_446, %add3A_20] : memref<64x128xf32, #tpu.memory_space<vmem>>[vector<16xi32>, vector<16xi32>], vector<16xf32>,
        tpu.vector_store_idx %arg11[%select_n3A_224, %parallel_loop3A_447], %parallel_loop3A_453 : memref<64x128xf32, #tpu.memory_space<vmem>>[vector<16xi32>, vector<16xi32>], vector<16xf32>,
        %parallel_loop3A_454 = tpu.vector_load_idx %arg7[%parallel_loop3A_446, %add3A_23] : memref<64x128xf32, #tpu.memory_space<vmem>>[vector<16xi32>, vector<16xi32>], vector<16xf32>,
        tpu.vector_store_idx %arg11[%select_n3A_258, %parallel_loop3A_447], %parallel_loop3A_454 : memref<64x128xf32, #tpu.memory_space<vmem>>[vector<16xi32>, vector<16xi32>], vector<16xf32>,
        %parallel_loop3A_455 = tpu.vector_load_idx %arg7[%parallel_loop3A_446, %add3A_26] : memref<64x128xf32, #tpu.memory_space<vmem>>[vector<16xi32>, vector<16xi32>], vector<16xf32>,
        tpu.vector_store_idx %arg11[%select_n3A_292, %parallel_loop3A_447], %parallel_loop3A_455 : memref<64x128xf32, #tpu.memory_space<vmem>>[vector<16xi32>, vector<16xi32>], vector<16xf32>,
      } {sc.loop_unroll_factor = 8 : i64, sc.parallel_access}
      %add3A_410 = arith.constant 2 : i32
      %add3A_411 = arith.addi %mul3A_388, %add3A_410 : i32
      %lt3A_412 = arith.cmpi slt, %add3A_411, %select_n3A : i32
      %convert_element_type3A_413 = arith.extui %lt3A_412 : i1 to i32
      %cond3A_414 = arith.constant 0 : i32
      %cond3A_415 = arith.cmpi ne, %convert_element_type3A_413, %cond3A_414 : i32
      scf.if %cond3A_415 {
        %add3A_437 = arith.constant 2 : i32
        %add3A_438 = arith.addi %mul3A_388, %add3A_437 : i32
        %mul3A_439 = arith.constant 32 : i32
        %mul3A_440 = arith.muli %mul3A_439, %add3A_438 : i32
        %add3A_441 = arith.addi %add3A, %mul3A_440 : i32
        %mul3A_442 = arith.constant 128 : i32
        %mul3A_443 = arith.muli %add3A_441, %mul3A_442 : i32
        %dma_start3A_444 = arith.constant 0 : i32
        %dma_start3A_445 = tpu.memref_slice %arg2[%dma_start3A_444, %mul3A_443] : memref<64x1000000xf32, #tpu.memory_space<hbm>> -> memref<64x128xf32, #tpu.memory_space<hbm>>
        %dma_start3A_446 = arith.constant 0 : i32
        %dma_start3A_447 = tpu.memref_slice %arg2[%dma_start3A_446, %mul3A_443] : memref<64x1000000xf32, #tpu.memory_space<hbm>> -> memref<64x128xf32, #tpu.memory_space<hbm>>
        tpu.enqueue_dma source(%dma_start3A_447 : memref<64x128xf32, #tpu.memory_space<hbm>>) target(%arg6 : memref<64x128xf32, #tpu.memory_space<vmem>>) target_semaphore(%arg16 : memref<!tpu.dma_semaphore, #tpu.memory_space<semaphore_mem>>)
        %mul3A_448 = arith.constant 128 : i32
        %mul3A_449 = arith.muli %add3A_441, %mul3A_448 : i32
        %dma_start3A_450 = arith.constant 0 : i32
        %dma_start3A_451 = tpu.memref_slice %arg3[%dma_start3A_450, %mul3A_449] : memref<64x1000000xf32, #tpu.memory_space<hbm>> -> memref<64x128xf32, #tpu.memory_space<hbm>>
        %dma_start3A_452 = arith.constant 0 : i32
        %dma_start3A_453 = tpu.memref_slice %arg3[%dma_start3A_452, %mul3A_449] : memref<64x1000000xf32, #tpu.memory_space<hbm>> -> memref<64x128xf32, #tpu.memory_space<hbm>>
        tpu.enqueue_dma source(%dma_start3A_453 : memref<64x128xf32, #tpu.memory_space<hbm>>) target(%arg7 : memref<64x128xf32, #tpu.memory_space<vmem>>) target_semaphore(%arg16 : memref<!tpu.dma_semaphore, #tpu.memory_space<semaphore_mem>>)
      } else {
      }
      %mul3A_416 = arith.constant 32 : i32
      %mul3A_417 = arith.muli %mul3A_416, %mul3A_388 : i32
      %add3A_418 = arith.addi %add3A, %mul3A_417 : i32
      %mul3A_419 = arith.constant 64 : i32
      %mul3A_420 = arith.muli %add3A_418, %mul3A_419 : i32
      %dma_start3A_421 = arith.constant 0 : i32
      %dma_start3A_422 = tpu.memref_slice %arg4[%mul3A_420, %dma_start3A_421] : memref<500000x128xf32, #tpu.memory_space<hbm>> -> memref<64x128xf32, #tpu.memory_space<hbm>>
      %dma_start3A_423 = arith.constant 0 : i32
      %dma_start3A_424 = tpu.memref_slice %arg4[%mul3A_420, %dma_start3A_423] : memref<500000x128xf32, #tpu.memory_space<hbm>> -> memref<64x128xf32, #tpu.memory_space<hbm>>
      tpu.enqueue_dma source(%arg10 : memref<64x128xf32, #tpu.memory_space<vmem>>) target(%dma_start3A_424 : memref<64x128xf32, #tpu.memory_space<hbm>>) target_semaphore(%arg18 : memref<!tpu.dma_semaphore, #tpu.memory_space<semaphore_mem>>)
      %mul3A_425 = arith.constant 64 : i32
      %mul3A_426 = arith.muli %add3A_418, %mul3A_425 : i32
      %dma_start3A_427 = arith.constant 0 : i32
      %dma_start3A_428 = tpu.memref_slice %arg5[%mul3A_426, %dma_start3A_427] : memref<500000x128xf32, #tpu.memory_space<hbm>> -> memref<64x128xf32, #tpu.memory_space<hbm>>
      %dma_start3A_429 = arith.constant 0 : i32
      %dma_start3A_430 = tpu.memref_slice %arg5[%mul3A_426, %dma_start3A_429] : memref<500000x128xf32, #tpu.memory_space<hbm>> -> memref<64x128xf32, #tpu.memory_space<hbm>>
      tpu.enqueue_dma source(%arg11 : memref<64x128xf32, #tpu.memory_space<vmem>>) target(%dma_start3A_430 : memref<64x128xf32, #tpu.memory_space<hbm>>) target_semaphore(%arg18 : memref<!tpu.dma_semaphore, #tpu.memory_space<semaphore_mem>>)
      %add3A_431 = arith.constant 1 : i32
      %add3A_432 = arith.addi %mul3A_388, %add3A_431 : i32
      %lt3A_433 = arith.cmpi slt, %add3A_432, %select_n3A : i32
      %convert_element_type3A_434 = arith.extui %lt3A_433 : i1 to i32
      %cond3A_435 = arith.constant 0 : i32
      %cond3A_436 = arith.cmpi ne, %convert_element_type3A_434, %cond3A_435 : i32
      scf.if %cond3A_436 {
        %ge3A_437 = arith.constant 1 : i32
        %ge3A_438 = arith.cmpi sge, %mul3A_388, %ge3A_437 : i32
        %convert_element_type3A_439 = arith.extui %ge3A_438 : i1 to i32
        %cond3A_440 = arith.constant 0 : i32
        %cond3A_441 = arith.cmpi ne, %convert_element_type3A_439, %cond3A_440 : i32
        scf.if %cond3A_441 {
          %dma_wait3A_483 = arith.constant 0 : i32
          %dma_wait3A_484 = arith.constant 0 : i32
          %dma_wait3A_485 = tpu.memref_slice %arg4[%dma_wait3A_483, %dma_wait3A_484] : memref<500000x128xf32, #tpu.memory_space<hbm>> -> memref<64x128xf32, #tpu.memory_space<hbm>>
          %dma_wait3A_486 = arith.constant 0 : i32
          %dma_wait3A_487 = arith.constant 0 : i32
          %dma_wait3A_488 = tpu.memref_slice %arg4[%dma_wait3A_486, %dma_wait3A_487] : memref<500000x128xf32, #tpu.memory_space<hbm>> -> memref<64x128xf32, #tpu.memory_space<hbm>>
          tpu.wait_dma2 semaphore(%arg19 : memref<!tpu.dma_semaphore, #tpu.memory_space<semaphore_mem>>) src(%arg12 : memref<64x128xf32, #tpu.memory_space<vmem>>) dst(%dma_wait3A_488 : memref<64x128xf32, #tpu.memory_space<hbm>>)
          %dma_wait3A_489 = arith.constant 0 : i32
          %dma_wait3A_490 = arith.constant 0 : i32
          %dma_wait3A_491 = tpu.memref_slice %arg5[%dma_wait3A_489, %dma_wait3A_490] : memref<500000x128xf32, #tpu.memory_space<hbm>> -> memref<64x128xf32, #tpu.memory_space<hbm>>
          %dma_wait3A_492 = arith.constant 0 : i32
          %dma_wait3A_493 = arith.constant 0 : i32
          %dma_wait3A_494 = tpu.memref_slice %arg5[%dma_wait3A_492, %dma_wait3A_493] : memref<500000x128xf32, #tpu.memory_space<hbm>> -> memref<64x128xf32, #tpu.memory_space<hbm>>
          tpu.wait_dma2 semaphore(%arg19 : memref<!tpu.dma_semaphore, #tpu.memory_space<semaphore_mem>>) src(%arg13 : memref<64x128xf32, #tpu.memory_space<vmem>>) dst(%dma_wait3A_494 : memref<64x128xf32, #tpu.memory_space<hbm>>)
        } else {
        }
        %dma_wait3A_442 = arith.constant 0 : i32
        %dma_wait3A_443 = arith.constant 0 : i32
        %dma_wait3A_444 = tpu.memref_slice %arg2[%dma_wait3A_442, %dma_wait3A_443] : memref<64x1000000xf32, #tpu.memory_space<hbm>> -> memref<64x128xf32, #tpu.memory_space<hbm>>
        %dma_wait3A_445 = arith.constant 0 : i32
        %dma_wait3A_446 = arith.constant 0 : i32
        %dma_wait3A_447 = tpu.memref_slice %arg2[%dma_wait3A_445, %dma_wait3A_446] : memref<64x1000000xf32, #tpu.memory_space<hbm>> -> memref<64x128xf32, #tpu.memory_space<hbm>>
        tpu.wait_dma2 semaphore(%arg17 : memref<!tpu.dma_semaphore, #tpu.memory_space<semaphore_mem>>) src(%dma_wait3A_447 : memref<64x128xf32, #tpu.memory_space<hbm>>) dst(%arg8 : memref<64x128xf32, #tpu.memory_space<vmem>>)
        %dma_wait3A_448 = arith.constant 0 : i32
        %dma_wait3A_449 = arith.constant 0 : i32
        %dma_wait3A_450 = tpu.memref_slice %arg3[%dma_wait3A_448, %dma_wait3A_449] : memref<64x1000000xf32, #tpu.memory_space<hbm>> -> memref<64x128xf32, #tpu.memory_space<hbm>>
        %dma_wait3A_451 = arith.constant 0 : i32
        %dma_wait3A_452 = arith.constant 0 : i32
        %dma_wait3A_453 = tpu.memref_slice %arg3[%dma_wait3A_451, %dma_wait3A_452] : memref<64x1000000xf32, #tpu.memory_space<hbm>> -> memref<64x128xf32, #tpu.memory_space<hbm>>
        tpu.wait_dma2 semaphore(%arg17 : memref<!tpu.dma_semaphore, #tpu.memory_space<semaphore_mem>>) src(%dma_wait3A_453 : memref<64x128xf32, #tpu.memory_space<hbm>>) dst(%arg9 : memref<64x128xf32, #tpu.memory_space<vmem>>)
        %parallel_loop3A_454 = arith.constant 0 : i32
        %parallel_loop3A_455 = arith.constant 64 : i32
        %parallel_loop3A_456 = arith.constant 1 : i32
        scf.for %parallel_loop3A_483 = %parallel_loop3A_454 to %parallel_loop3A_455 step %parallel_loop3A_456  : i32 {
          %parallel_loop3A_484 = vector.broadcast %parallel_loop3A_483 : i32 to vector<16xi32>
          %parallel_loop3A_485 = arith.addi %iota3A, %parallel_loop3A_484 : vector<16xi32>
          %parallel_loop3A_486 = arith.constant 15 : i32
          %parallel_loop3A_487 = vector.broadcast %parallel_loop3A_486 : i32 to vector<16xi32>
          %parallel_loop3A_488 = arith.andi %parallel_loop3A_485, %parallel_loop3A_487 : vector<16xi32>
          %parallel_loop3A_489 = arith.constant -16 : i32
          %parallel_loop3A_490 = vector.broadcast %parallel_loop3A_489 : i32 to vector<16xi32>
          %parallel_loop3A_491 = arith.andi %parallel_loop3A_484, %parallel_loop3A_490 : vector<16xi32>
          %parallel_loop3A_492 = arith.addi %parallel_loop3A_488, %parallel_loop3A_491 : vector<16xi32>
          %parallel_loop3A_493 = arith.addi %mul3A_298, %parallel_loop3A_492 : vector<16xi32>
          %parallel_loop3A_494 = tpu.vector_load_idx %arg8[%parallel_loop3A_492, %add3A_5] : memref<64x128xf32, #tpu.memory_space<vmem>>[vector<16xi32>, vector<16xi32>], vector<16xf32>,
          tpu.vector_store_idx %arg12[%select_n3A_54, %parallel_loop3A_493], %parallel_loop3A_494 : memref<64x128xf32, #tpu.memory_space<vmem>>[vector<16xi32>, vector<16xi32>], vector<16xf32>,
          %parallel_loop3A_495 = tpu.vector_load_idx %arg8[%parallel_loop3A_492, %add3A_8] : memref<64x128xf32, #tpu.memory_space<vmem>>[vector<16xi32>, vector<16xi32>], vector<16xf32>,
          tpu.vector_store_idx %arg12[%select_n3A_88, %parallel_loop3A_493], %parallel_loop3A_495 : memref<64x128xf32, #tpu.memory_space<vmem>>[vector<16xi32>, vector<16xi32>], vector<16xf32>,
          %parallel_loop3A_496 = tpu.vector_load_idx %arg8[%parallel_loop3A_492, %add3A_11] : memref<64x128xf32, #tpu.memory_space<vmem>>[vector<16xi32>, vector<16xi32>], vector<16xf32>,
          tpu.vector_store_idx %arg12[%select_n3A_122, %parallel_loop3A_493], %parallel_loop3A_496 : memref<64x128xf32, #tpu.memory_space<vmem>>[vector<16xi32>, vector<16xi32>], vector<16xf32>,
          %parallel_loop3A_497 = tpu.vector_load_idx %arg8[%parallel_loop3A_492, %add3A_14] : memref<64x128xf32, #tpu.memory_space<vmem>>[vector<16xi32>, vector<16xi32>], vector<16xf32>,
          tpu.vector_store_idx %arg12[%select_n3A_156, %parallel_loop3A_493], %parallel_loop3A_497 : memref<64x128xf32, #tpu.memory_space<vmem>>[vector<16xi32>, vector<16xi32>], vector<16xf32>,
          %parallel_loop3A_498 = tpu.vector_load_idx %arg8[%parallel_loop3A_492, %add3A_17] : memref<64x128xf32, #tpu.memory_space<vmem>>[vector<16xi32>, vector<16xi32>], vector<16xf32>,
          tpu.vector_store_idx %arg12[%select_n3A_190, %parallel_loop3A_493], %parallel_loop3A_498 : memref<64x128xf32, #tpu.memory_space<vmem>>[vector<16xi32>, vector<16xi32>], vector<16xf32>,
          %parallel_loop3A_499 = tpu.vector_load_idx %arg8[%parallel_loop3A_492, %add3A_20] : memref<64x128xf32, #tpu.memory_space<vmem>>[vector<16xi32>, vector<16xi32>], vector<16xf32>,
          tpu.vector_store_idx %arg12[%select_n3A_224, %parallel_loop3A_493], %parallel_loop3A_499 : memref<64x128xf32, #tpu.memory_space<vmem>>[vector<16xi32>, vector<16xi32>], vector<16xf32>,
          %parallel_loop3A_500 = tpu.vector_load_idx %arg8[%parallel_loop3A_492, %add3A_23] : memref<64x128xf32, #tpu.memory_space<vmem>>[vector<16xi32>, vector<16xi32>], vector<16xf32>,
          tpu.vector_store_idx %arg12[%select_n3A_258, %parallel_loop3A_493], %parallel_loop3A_500 : memref<64x128xf32, #tpu.memory_space<vmem>>[vector<16xi32>, vector<16xi32>], vector<16xf32>,
          %parallel_loop3A_501 = tpu.vector_load_idx %arg8[%parallel_loop3A_492, %add3A_26] : memref<64x128xf32, #tpu.memory_space<vmem>>[vector<16xi32>, vector<16xi32>], vector<16xf32>,
          tpu.vector_store_idx %arg12[%select_n3A_292, %parallel_loop3A_493], %parallel_loop3A_501 : memref<64x128xf32, #tpu.memory_space<vmem>>[vector<16xi32>, vector<16xi32>], vector<16xf32>,
        } {sc.loop_unroll_factor = 8 : i64, sc.parallel_access}
        %parallel_loop3A_457 = arith.constant 0 : i32
        %parallel_loop3A_458 = arith.constant 64 : i32
        %parallel_loop3A_459 = arith.constant 1 : i32
        scf.for %parallel_loop3A_483 = %parallel_loop3A_457 to %parallel_loop3A_458 step %parallel_loop3A_459  : i32 {
          %parallel_loop3A_484 = vector.broadcast %parallel_loop3A_483 : i32 to vector<16xi32>
          %parallel_loop3A_485 = arith.addi %iota3A, %parallel_loop3A_484 : vector<16xi32>
          %parallel_loop3A_486 = arith.constant 15 : i32
          %parallel_loop3A_487 = vector.broadcast %parallel_loop3A_486 : i32 to vector<16xi32>
          %parallel_loop3A_488 = arith.andi %parallel_loop3A_485, %parallel_loop3A_487 : vector<16xi32>
          %parallel_loop3A_489 = arith.constant -16 : i32
          %parallel_loop3A_490 = vector.broadcast %parallel_loop3A_489 : i32 to vector<16xi32>
          %parallel_loop3A_491 = arith.andi %parallel_loop3A_484, %parallel_loop3A_490 : vector<16xi32>
          %parallel_loop3A_492 = arith.addi %parallel_loop3A_488, %parallel_loop3A_491 : vector<16xi32>
          %parallel_loop3A_493 = arith.addi %mul3A_298, %parallel_loop3A_492 : vector<16xi32>
          %parallel_loop3A_494 = tpu.vector_load_idx %arg9[%parallel_loop3A_492, %add3A_5] : memref<64x128xf32, #tpu.memory_space<vmem>>[vector<16xi32>, vector<16xi32>], vector<16xf32>,
          tpu.vector_store_idx %arg13[%select_n3A_54, %parallel_loop3A_493], %parallel_loop3A_494 : memref<64x128xf32, #tpu.memory_space<vmem>>[vector<16xi32>, vector<16xi32>], vector<16xf32>,
          %parallel_loop3A_495 = tpu.vector_load_idx %arg9[%parallel_loop3A_492, %add3A_8] : memref<64x128xf32, #tpu.memory_space<vmem>>[vector<16xi32>, vector<16xi32>], vector<16xf32>,
          tpu.vector_store_idx %arg13[%select_n3A_88, %parallel_loop3A_493], %parallel_loop3A_495 : memref<64x128xf32, #tpu.memory_space<vmem>>[vector<16xi32>, vector<16xi32>], vector<16xf32>,
          %parallel_loop3A_496 = tpu.vector_load_idx %arg9[%parallel_loop3A_492, %add3A_11] : memref<64x128xf32, #tpu.memory_space<vmem>>[vector<16xi32>, vector<16xi32>], vector<16xf32>,
          tpu.vector_store_idx %arg13[%select_n3A_122, %parallel_loop3A_493], %parallel_loop3A_496 : memref<64x128xf32, #tpu.memory_space<vmem>>[vector<16xi32>, vector<16xi32>], vector<16xf32>,
          %parallel_loop3A_497 = tpu.vector_load_idx %arg9[%parallel_loop3A_492, %add3A_14] : memref<64x128xf32, #tpu.memory_space<vmem>>[vector<16xi32>, vector<16xi32>], vector<16xf32>,
          tpu.vector_store_idx %arg13[%select_n3A_156, %parallel_loop3A_493], %parallel_loop3A_497 : memref<64x128xf32, #tpu.memory_space<vmem>>[vector<16xi32>, vector<16xi32>], vector<16xf32>,
          %parallel_loop3A_498 = tpu.vector_load_idx %arg9[%parallel_loop3A_492, %add3A_17] : memref<64x128xf32, #tpu.memory_space<vmem>>[vector<16xi32>, vector<16xi32>], vector<16xf32>,
          tpu.vector_store_idx %arg13[%select_n3A_190, %parallel_loop3A_493], %parallel_loop3A_498 : memref<64x128xf32, #tpu.memory_space<vmem>>[vector<16xi32>, vector<16xi32>], vector<16xf32>,
          %parallel_loop3A_499 = tpu.vector_load_idx %arg9[%parallel_loop3A_492, %add3A_20] : memref<64x128xf32, #tpu.memory_space<vmem>>[vector<16xi32>, vector<16xi32>], vector<16xf32>,
          tpu.vector_store_idx %arg13[%select_n3A_224, %parallel_loop3A_493], %parallel_loop3A_499 : memref<64x128xf32, #tpu.memory_space<vmem>>[vector<16xi32>, vector<16xi32>], vector<16xf32>,
          %parallel_loop3A_500 = tpu.vector_load_idx %arg9[%parallel_loop3A_492, %add3A_23] : memref<64x128xf32, #tpu.memory_space<vmem>>[vector<16xi32>, vector<16xi32>], vector<16xf32>,
          tpu.vector_store_idx %arg13[%select_n3A_258, %parallel_loop3A_493], %parallel_loop3A_500 : memref<64x128xf32, #tpu.memory_space<vmem>>[vector<16xi32>, vector<16xi32>], vector<16xf32>,
          %parallel_loop3A_501 = tpu.vector_load_idx %arg9[%parallel_loop3A_492, %add3A_26] : memref<64x128xf32, #tpu.memory_space<vmem>>[vector<16xi32>, vector<16xi32>], vector<16xf32>,
          tpu.vector_store_idx %arg13[%select_n3A_292, %parallel_loop3A_493], %parallel_loop3A_501 : memref<64x128xf32, #tpu.memory_space<vmem>>[vector<16xi32>, vector<16xi32>], vector<16xf32>,
        } {sc.loop_unroll_factor = 8 : i64, sc.parallel_access}
        %add3A_460 = arith.constant 3 : i32
        %add3A_461 = arith.addi %mul3A_388, %add3A_460 : i32
        %lt3A_462 = arith.cmpi slt, %add3A_461, %select_n3A : i32
        %convert_element_type3A_463 = arith.extui %lt3A_462 : i1 to i32
        %cond3A_464 = arith.constant 0 : i32
        %cond3A_465 = arith.cmpi ne, %convert_element_type3A_463, %cond3A_464 : i32
        scf.if %cond3A_465 {
          %add3A_483 = arith.constant 3 : i32
          %add3A_484 = arith.addi %mul3A_388, %add3A_483 : i32
          %mul3A_485 = arith.constant 32 : i32
          %mul3A_486 = arith.muli %mul3A_485, %add3A_484 : i32
          %add3A_487 = arith.addi %add3A, %mul3A_486 : i32
          %mul3A_488 = arith.constant 128 : i32
          %mul3A_489 = arith.muli %add3A_487, %mul3A_488 : i32
          %dma_start3A_490 = arith.constant 0 : i32
          %dma_start3A_491 = tpu.memref_slice %arg2[%dma_start3A_490, %mul3A_489] : memref<64x1000000xf32, #tpu.memory_space<hbm>> -> memref<64x128xf32, #tpu.memory_space<hbm>>
          %dma_start3A_492 = arith.constant 0 : i32
          %dma_start3A_493 = tpu.memref_slice %arg2[%dma_start3A_492, %mul3A_489] : memref<64x1000000xf32, #tpu.memory_space<hbm>> -> memref<64x128xf32, #tpu.memory_space<hbm>>
          tpu.enqueue_dma source(%dma_start3A_493 : memref<64x128xf32, #tpu.memory_space<hbm>>) target(%arg8 : memref<64x128xf32, #tpu.memory_space<vmem>>) target_semaphore(%arg17 : memref<!tpu.dma_semaphore, #tpu.memory_space<semaphore_mem>>)
          %mul3A_494 = arith.constant 128 : i32
          %mul3A_495 = arith.muli %add3A_487, %mul3A_494 : i32
          %dma_start3A_496 = arith.constant 0 : i32
          %dma_start3A_497 = tpu.memref_slice %arg3[%dma_start3A_496, %mul3A_495] : memref<64x1000000xf32, #tpu.memory_space<hbm>> -> memref<64x128xf32, #tpu.memory_space<hbm>>
          %dma_start3A_498 = arith.constant 0 : i32
          %dma_start3A_499 = tpu.memref_slice %arg3[%dma_start3A_498, %mul3A_495] : memref<64x1000000xf32, #tpu.memory_space<hbm>> -> memref<64x128xf32, #tpu.memory_space<hbm>>
          tpu.enqueue_dma source(%dma_start3A_499 : memref<64x128xf32, #tpu.memory_space<hbm>>) target(%arg9 : memref<64x128xf32, #tpu.memory_space<vmem>>) target_semaphore(%arg17 : memref<!tpu.dma_semaphore, #tpu.memory_space<semaphore_mem>>)
        } else {
        }
        %add3A_466 = arith.constant 1 : i32
        %add3A_467 = arith.addi %mul3A_388, %add3A_466 : i32
        %mul3A_468 = arith.constant 32 : i32
        %mul3A_469 = arith.muli %mul3A_468, %add3A_467 : i32
        %add3A_470 = arith.addi %add3A, %mul3A_469 : i32
        %mul3A_471 = arith.constant 64 : i32
        %mul3A_472 = arith.muli %add3A_470, %mul3A_471 : i32
        %dma_start3A_473 = arith.constant 0 : i32
        %dma_start3A_474 = tpu.memref_slice %arg4[%mul3A_472, %dma_start3A_473] : memref<500000x128xf32, #tpu.memory_space<hbm>> -> memref<64x128xf32, #tpu.memory_space<hbm>>
        %dma_start3A_475 = arith.constant 0 : i32
        %dma_start3A_476 = tpu.memref_slice %arg4[%mul3A_472, %dma_start3A_475] : memref<500000x128xf32, #tpu.memory_space<hbm>> -> memref<64x128xf32, #tpu.memory_space<hbm>>
        tpu.enqueue_dma source(%arg12 : memref<64x128xf32, #tpu.memory_space<vmem>>) target(%dma_start3A_476 : memref<64x128xf32, #tpu.memory_space<hbm>>) target_semaphore(%arg19 : memref<!tpu.dma_semaphore, #tpu.memory_space<semaphore_mem>>)
        %mul3A_477 = arith.constant 64 : i32
        %mul3A_478 = arith.muli %add3A_470, %mul3A_477 : i32
        %dma_start3A_479 = arith.constant 0 : i32
        %dma_start3A_480 = tpu.memref_slice %arg5[%mul3A_478, %dma_start3A_479] : memref<500000x128xf32, #tpu.memory_space<hbm>> -> memref<64x128xf32, #tpu.memory_space<hbm>>
        %dma_start3A_481 = arith.constant 0 : i32
        %dma_start3A_482 = tpu.memref_slice %arg5[%mul3A_478, %dma_start3A_481] : memref<500000x128xf32, #tpu.memory_space<hbm>> -> memref<64x128xf32, #tpu.memory_space<hbm>>
        tpu.enqueue_dma source(%arg13 : memref<64x128xf32, #tpu.memory_space<vmem>>) target(%dma_start3A_482 : memref<64x128xf32, #tpu.memory_space<hbm>>) target_semaphore(%arg19 : memref<!tpu.dma_semaphore, #tpu.memory_space<semaphore_mem>>)
      } else {
      }
    }
    %dma_wait3A = arith.constant 0 : i32
    %dma_wait3A_361 = arith.constant 0 : i32
    %dma_wait3A_362 = tpu.memref_slice %arg4[%dma_wait3A, %dma_wait3A_361] : memref<500000x128xf32, #tpu.memory_space<hbm>> -> memref<64x128xf32, #tpu.memory_space<hbm>>
    %dma_wait3A_363 = arith.constant 0 : i32
    %dma_wait3A_364 = arith.constant 0 : i32
    %dma_wait3A_365 = tpu.memref_slice %arg4[%dma_wait3A_363, %dma_wait3A_364] : memref<500000x128xf32, #tpu.memory_space<hbm>> -> memref<64x128xf32, #tpu.memory_space<hbm>>
    tpu.wait_dma2 semaphore(%arg18 : memref<!tpu.dma_semaphore, #tpu.memory_space<semaphore_mem>>) src(%arg10 : memref<64x128xf32, #tpu.memory_space<vmem>>) dst(%dma_wait3A_365 : memref<64x128xf32, #tpu.memory_space<hbm>>)
    %dma_wait3A_366 = arith.constant 0 : i32
    %dma_wait3A_367 = arith.constant 0 : i32
    %dma_wait3A_368 = tpu.memref_slice %arg5[%dma_wait3A_366, %dma_wait3A_367] : memref<500000x128xf32, #tpu.memory_space<hbm>> -> memref<64x128xf32, #tpu.memory_space<hbm>>
    %dma_wait3A_369 = arith.constant 0 : i32
    %dma_wait3A_370 = arith.constant 0 : i32
    %dma_wait3A_371 = tpu.memref_slice %arg5[%dma_wait3A_369, %dma_wait3A_370] : memref<500000x128xf32, #tpu.memory_space<hbm>> -> memref<64x128xf32, #tpu.memory_space<hbm>>
    tpu.wait_dma2 semaphore(%arg18 : memref<!tpu.dma_semaphore, #tpu.memory_space<semaphore_mem>>) src(%arg11 : memref<64x128xf32, #tpu.memory_space<vmem>>) dst(%dma_wait3A_371 : memref<64x128xf32, #tpu.memory_space<hbm>>)
    %dma_wait3A_372 = arith.constant 0 : i32
    %dma_wait3A_373 = arith.constant 0 : i32
    %dma_wait3A_374 = tpu.memref_slice %arg4[%dma_wait3A_372, %dma_wait3A_373] : memref<500000x128xf32, #tpu.memory_space<hbm>> -> memref<64x128xf32, #tpu.memory_space<hbm>>
    %dma_wait3A_375 = arith.constant 0 : i32
    %dma_wait3A_376 = arith.constant 0 : i32
    %dma_wait3A_377 = tpu.memref_slice %arg4[%dma_wait3A_375, %dma_wait3A_376] : memref<500000x128xf32, #tpu.memory_space<hbm>> -> memref<64x128xf32, #tpu.memory_space<hbm>>
    tpu.wait_dma2 semaphore(%arg19 : memref<!tpu.dma_semaphore, #tpu.memory_space<semaphore_mem>>) src(%arg12 : memref<64x128xf32, #tpu.memory_space<vmem>>) dst(%dma_wait3A_377 : memref<64x128xf32, #tpu.memory_space<hbm>>)
    %dma_wait3A_378 = arith.constant 0 : i32
    %dma_wait3A_379 = arith.constant 0 : i32
    %dma_wait3A_380 = tpu.memref_slice %arg5[%dma_wait3A_378, %dma_wait3A_379] : memref<500000x128xf32, #tpu.memory_space<hbm>> -> memref<64x128xf32, #tpu.memory_space<hbm>>
    %dma_wait3A_381 = arith.constant 0 : i32
    %dma_wait3A_382 = arith.constant 0 : i32
    %dma_wait3A_383 = tpu.memref_slice %arg5[%dma_wait3A_381, %dma_wait3A_382] : memref<500000x128xf32, #tpu.memory_space<hbm>> -> memref<64x128xf32, #tpu.memory_space<hbm>>
    tpu.wait_dma2 semaphore(%arg19 : memref<!tpu.dma_semaphore, #tpu.memory_space<semaphore_mem>>) src(%arg13 : memref<64x128xf32, #tpu.memory_space<vmem>>) dst(%dma_wait3A_383 : memref<64x128xf32, #tpu.memory_space<hbm>>)
    %eq3A = arith.constant 4 : i32
    %eq3A_384 = arith.cmpi eq, %add3A, %eq3A : i32
    %convert_element_type3A = arith.extui %eq3A_384 : i1 to i32
    %cond3A = arith.constant 0 : i32
    %cond3A_385 = arith.cmpi ne, %convert_element_type3A, %cond3A : i32
    scf.if %cond3A_385 {
      "tpu.region"() ({
        %run_scoped3A = tpu.sem_alloc : memref<!tpu.dma_semaphore, #tpu.memory_space<semaphore_mem>>
        %dma_start3A_391 = arith.constant 0 : i32
        %dma_start3A_392 = arith.constant 999936 : i32
        %dma_start3A_393 = tpu.memref_slice %arg2[%dma_start3A_391, %dma_start3A_392] : memref<64x1000000xf32, #tpu.memory_space<hbm>> -> memref<64x64xf32, #tpu.memory_space<hbm>>
        %dma_start3A_394 = arith.constant 0 : i32
        %dma_start3A_395 = arith.constant 999936 : i32
        %dma_start3A_396 = tpu.memref_slice %arg2[%dma_start3A_394, %dma_start3A_395] : memref<64x1000000xf32, #tpu.memory_space<hbm>> -> memref<64x64xf32, #tpu.memory_space<hbm>>
        tpu.enqueue_dma source(%dma_start3A_396 : memref<64x64xf32, #tpu.memory_space<hbm>>) target(%arg14 : memref<64x64xf32, #tpu.memory_space<vmem>>) target_semaphore(%run_scoped3A : memref<!tpu.dma_semaphore, #tpu.memory_space<semaphore_mem>>)
        %dma_wait3A_397 = arith.constant 0 : i32
        %dma_wait3A_398 = arith.constant 999936 : i32
        %dma_wait3A_399 = tpu.memref_slice %arg2[%dma_wait3A_397, %dma_wait3A_398] : memref<64x1000000xf32, #tpu.memory_space<hbm>> -> memref<64x64xf32, #tpu.memory_space<hbm>>
        %dma_wait3A_400 = arith.constant 0 : i32
        %dma_wait3A_401 = arith.constant 999936 : i32
        %dma_wait3A_402 = tpu.memref_slice %arg2[%dma_wait3A_400, %dma_wait3A_401] : memref<64x1000000xf32, #tpu.memory_space<hbm>> -> memref<64x64xf32, #tpu.memory_space<hbm>>
        tpu.wait_dma2 semaphore(%run_scoped3A : memref<!tpu.dma_semaphore, #tpu.memory_space<semaphore_mem>>) src(%dma_wait3A_402 : memref<64x64xf32, #tpu.memory_space<hbm>>) dst(%arg14 : memref<64x64xf32, #tpu.memory_space<vmem>>)
        tpu.yield
      }) : () -> ()
      %parallel_loop3A = arith.constant 0 : i32
      %parallel_loop3A_386 = arith.constant 64 : i32
      %parallel_loop3A_387 = arith.constant 1 : i32
      scf.for %parallel_loop3A_391 = %parallel_loop3A to %parallel_loop3A_386 step %parallel_loop3A_387  : i32 {
        %parallel_loop3A_392 = vector.broadcast %parallel_loop3A_391 : i32 to vector<16xi32>
        %parallel_loop3A_393 = arith.addi %iota3A, %parallel_loop3A_392 : vector<16xi32>
        %parallel_loop3A_394 = arith.constant 15 : i32
        %parallel_loop3A_395 = vector.broadcast %parallel_loop3A_394 : i32 to vector<16xi32>
        %parallel_loop3A_396 = arith.andi %parallel_loop3A_393, %parallel_loop3A_395 : vector<16xi32>
        %parallel_loop3A_397 = arith.constant -16 : i32
        %parallel_loop3A_398 = vector.broadcast %parallel_loop3A_397 : i32 to vector<16xi32>
        %parallel_loop3A_399 = arith.andi %parallel_loop3A_392, %parallel_loop3A_398 : vector<16xi32>
        %parallel_loop3A_400 = arith.addi %parallel_loop3A_396, %parallel_loop3A_399 : vector<16xi32>
        %parallel_loop3A_401 = arith.addi %mul3A_298, %parallel_loop3A_400 : vector<16xi32>
        %parallel_loop3A_402 = tpu.vector_load_idx %arg14[%parallel_loop3A_400, %add3A_5] : memref<64x64xf32, #tpu.memory_space<vmem>>[vector<16xi32>, vector<16xi32>], vector<16xf32>,
        tpu.vector_store_idx %arg15[%select_n3A_54, %parallel_loop3A_401], %parallel_loop3A_402 : memref<32x128xf32, #tpu.memory_space<vmem>>[vector<16xi32>, vector<16xi32>], vector<16xf32>,
        %parallel_loop3A_403 = tpu.vector_load_idx %arg14[%parallel_loop3A_400, %add3A_8] : memref<64x64xf32, #tpu.memory_space<vmem>>[vector<16xi32>, vector<16xi32>], vector<16xf32>,
        tpu.vector_store_idx %arg15[%select_n3A_88, %parallel_loop3A_401], %parallel_loop3A_403 : memref<32x128xf32, #tpu.memory_space<vmem>>[vector<16xi32>, vector<16xi32>], vector<16xf32>,
        %parallel_loop3A_404 = tpu.vector_load_idx %arg14[%parallel_loop3A_400, %add3A_11] : memref<64x64xf32, #tpu.memory_space<vmem>>[vector<16xi32>, vector<16xi32>], vector<16xf32>,
        tpu.vector_store_idx %arg15[%select_n3A_122, %parallel_loop3A_401], %parallel_loop3A_404 : memref<32x128xf32, #tpu.memory_space<vmem>>[vector<16xi32>, vector<16xi32>], vector<16xf32>,
        %parallel_loop3A_405 = tpu.vector_load_idx %arg14[%parallel_loop3A_400, %add3A_14] : memref<64x64xf32, #tpu.memory_space<vmem>>[vector<16xi32>, vector<16xi32>], vector<16xf32>,
        tpu.vector_store_idx %arg15[%select_n3A_156, %parallel_loop3A_401], %parallel_loop3A_405 : memref<32x128xf32, #tpu.memory_space<vmem>>[vector<16xi32>, vector<16xi32>], vector<16xf32>,
      } {sc.loop_unroll_factor = 8 : i64, sc.parallel_access}
      "tpu.region"() ({
        %run_scoped3A = tpu.sem_alloc : memref<!tpu.dma_semaphore, #tpu.memory_space<semaphore_mem>>
        %dma_start3A_391 = arith.constant 499968 : i32
        %dma_start3A_392 = arith.constant 0 : i32
        %dma_start3A_393 = tpu.memref_slice %arg4[%dma_start3A_391, %dma_start3A_392] : memref<500000x128xf32, #tpu.memory_space<hbm>> -> memref<32x128xf32, #tpu.memory_space<hbm>>
        %dma_start3A_394 = arith.constant 499968 : i32
        %dma_start3A_395 = arith.constant 0 : i32
        %dma_start3A_396 = tpu.memref_slice %arg4[%dma_start3A_394, %dma_start3A_395] : memref<500000x128xf32, #tpu.memory_space<hbm>> -> memref<32x128xf32, #tpu.memory_space<hbm>>
        tpu.enqueue_dma source(%arg15 : memref<32x128xf32, #tpu.memory_space<vmem>>) target(%dma_start3A_396 : memref<32x128xf32, #tpu.memory_space<hbm>>) target_semaphore(%run_scoped3A : memref<!tpu.dma_semaphore, #tpu.memory_space<semaphore_mem>>)
        %dma_wait3A_397 = arith.constant 499968 : i32
        %dma_wait3A_398 = arith.constant 0 : i32
        %dma_wait3A_399 = tpu.memref_slice %arg4[%dma_wait3A_397, %dma_wait3A_398] : memref<500000x128xf32, #tpu.memory_space<hbm>> -> memref<32x128xf32, #tpu.memory_space<hbm>>
        %dma_wait3A_400 = arith.constant 499968 : i32
        %dma_wait3A_401 = arith.constant 0 : i32
        %dma_wait3A_402 = tpu.memref_slice %arg4[%dma_wait3A_400, %dma_wait3A_401] : memref<500000x128xf32, #tpu.memory_space<hbm>> -> memref<32x128xf32, #tpu.memory_space<hbm>>
        tpu.wait_dma2 semaphore(%run_scoped3A : memref<!tpu.dma_semaphore, #tpu.memory_space<semaphore_mem>>) src(%arg15 : memref<32x128xf32, #tpu.memory_space<vmem>>) dst(%dma_wait3A_402 : memref<32x128xf32, #tpu.memory_space<hbm>>)
        tpu.yield
      }) : () -> ()
      "tpu.region"() ({
        %run_scoped3A = tpu.sem_alloc : memref<!tpu.dma_semaphore, #tpu.memory_space<semaphore_mem>>
        %dma_start3A_391 = arith.constant 0 : i32
        %dma_start3A_392 = arith.constant 999936 : i32
        %dma_start3A_393 = tpu.memref_slice %arg3[%dma_start3A_391, %dma_start3A_392] : memref<64x1000000xf32, #tpu.memory_space<hbm>> -> memref<64x64xf32, #tpu.memory_space<hbm>>
        %dma_start3A_394 = arith.constant 0 : i32
        %dma_start3A_395 = arith.constant 999936 : i32
        %dma_start3A_396 = tpu.memref_slice %arg3[%dma_start3A_394, %dma_start3A_395] : memref<64x1000000xf32, #tpu.memory_space<hbm>> -> memref<64x64xf32, #tpu.memory_space<hbm>>
        tpu.enqueue_dma source(%dma_start3A_396 : memref<64x64xf32, #tpu.memory_space<hbm>>) target(%arg14 : memref<64x64xf32, #tpu.memory_space<vmem>>) target_semaphore(%run_scoped3A : memref<!tpu.dma_semaphore, #tpu.memory_space<semaphore_mem>>)
        %dma_wait3A_397 = arith.constant 0 : i32
        %dma_wait3A_398 = arith.constant 999936 : i32
        %dma_wait3A_399 = tpu.memref_slice %arg3[%dma_wait3A_397, %dma_wait3A_398] : memref<64x1000000xf32, #tpu.memory_space<hbm>> -> memref<64x64xf32, #tpu.memory_space<hbm>>
        %dma_wait3A_400 = arith.constant 0 : i32
        %dma_wait3A_401 = arith.constant 999936 : i32
        %dma_wait3A_402 = tpu.memref_slice %arg3[%dma_wait3A_400, %dma_wait3A_401] : memref<64x1000000xf32, #tpu.memory_space<hbm>> -> memref<64x64xf32, #tpu.memory_space<hbm>>
        tpu.wait_dma2 semaphore(%run_scoped3A : memref<!tpu.dma_semaphore, #tpu.memory_space<semaphore_mem>>) src(%dma_wait3A_402 : memref<64x64xf32, #tpu.memory_space<hbm>>) dst(%arg14 : memref<64x64xf32, #tpu.memory_space<vmem>>)
        tpu.yield
      }) : () -> ()
      %parallel_loop3A_388 = arith.constant 0 : i32
      %parallel_loop3A_389 = arith.constant 64 : i32
      %parallel_loop3A_390 = arith.constant 1 : i32
      scf.for %parallel_loop3A_391 = %parallel_loop3A_388 to %parallel_loop3A_389 step %parallel_loop3A_390  : i32 {
        %parallel_loop3A_392 = vector.broadcast %parallel_loop3A_391 : i32 to vector<16xi32>
        %parallel_loop3A_393 = arith.addi %iota3A, %parallel_loop3A_392 : vector<16xi32>
        %parallel_loop3A_394 = arith.constant 15 : i32
        %parallel_loop3A_395 = vector.broadcast %parallel_loop3A_394 : i32 to vector<16xi32>
        %parallel_loop3A_396 = arith.andi %parallel_loop3A_393, %parallel_loop3A_395 : vector<16xi32>
        %parallel_loop3A_397 = arith.constant -16 : i32
        %parallel_loop3A_398 = vector.broadcast %parallel_loop3A_397 : i32 to vector<16xi32>
        %parallel_loop3A_399 = arith.andi %parallel_loop3A_392, %parallel_loop3A_398 : vector<16xi32>
        %parallel_loop3A_400 = arith.addi %parallel_loop3A_396, %parallel_loop3A_399 : vector<16xi32>
        %parallel_loop3A_401 = arith.addi %mul3A_298, %parallel_loop3A_400 : vector<16xi32>
        %parallel_loop3A_402 = tpu.vector_load_idx %arg14[%parallel_loop3A_400, %add3A_5] : memref<64x64xf32, #tpu.memory_space<vmem>>[vector<16xi32>, vector<16xi32>], vector<16xf32>,
        tpu.vector_store_idx %arg15[%select_n3A_54, %parallel_loop3A_401], %parallel_loop3A_402 : memref<32x128xf32, #tpu.memory_space<vmem>>[vector<16xi32>, vector<16xi32>], vector<16xf32>,
        %parallel_loop3A_403 = tpu.vector_load_idx %arg14[%parallel_loop3A_400, %add3A_8] : memref<64x64xf32, #tpu.memory_space<vmem>>[vector<16xi32>, vector<16xi32>], vector<16xf32>,
        tpu.vector_store_idx %arg15[%select_n3A_88, %parallel_loop3A_401], %parallel_loop3A_403 : memref<32x128xf32, #tpu.memory_space<vmem>>[vector<16xi32>, vector<16xi32>], vector<16xf32>,
        %parallel_loop3A_404 = tpu.vector_load_idx %arg14[%parallel_loop3A_400, %add3A_11] : memref<64x64xf32, #tpu.memory_space<vmem>>[vector<16xi32>, vector<16xi32>], vector<16xf32>,
        tpu.vector_store_idx %arg15[%select_n3A_122, %parallel_loop3A_401], %parallel_loop3A_404 : memref<32x128xf32, #tpu.memory_space<vmem>>[vector<16xi32>, vector<16xi32>], vector<16xf32>,
        %parallel_loop3A_405 = tpu.vector_load_idx %arg14[%parallel_loop3A_400, %add3A_14] : memref<64x64xf32, #tpu.memory_space<vmem>>[vector<16xi32>, vector<16xi32>], vector<16xf32>,
        tpu.vector_store_idx %arg15[%select_n3A_156, %parallel_loop3A_401], %parallel_loop3A_405 : memref<32x128xf32, #tpu.memory_space<vmem>>[vector<16xi32>, vector<16xi32>], vector<16xf32>,
      } {sc.loop_unroll_factor = 8 : i64, sc.parallel_access}
      "tpu.region"() ({
        %run_scoped3A = tpu.sem_alloc : memref<!tpu.dma_semaphore, #tpu.memory_space<semaphore_mem>>
        %dma_start3A_391 = arith.constant 499968 : i32
        %dma_start3A_392 = arith.constant 0 : i32
        %dma_start3A_393 = tpu.memref_slice %arg5[%dma_start3A_391, %dma_start3A_392] : memref<500000x128xf32, #tpu.memory_space<hbm>> -> memref<32x128xf32, #tpu.memory_space<hbm>>
        %dma_start3A_394 = arith.constant 499968 : i32
        %dma_start3A_395 = arith.constant 0 : i32
        %dma_start3A_396 = tpu.memref_slice %arg5[%dma_start3A_394, %dma_start3A_395] : memref<500000x128xf32, #tpu.memory_space<hbm>> -> memref<32x128xf32, #tpu.memory_space<hbm>>
        tpu.enqueue_dma source(%arg15 : memref<32x128xf32, #tpu.memory_space<vmem>>) target(%dma_start3A_396 : memref<32x128xf32, #tpu.memory_space<hbm>>) target_semaphore(%run_scoped3A : memref<!tpu.dma_semaphore, #tpu.memory_space<semaphore_mem>>)
        %dma_wait3A_397 = arith.constant 499968 : i32
        %dma_wait3A_398 = arith.constant 0 : i32
        %dma_wait3A_399 = tpu.memref_slice %arg5[%dma_wait3A_397, %dma_wait3A_398] : memref<500000x128xf32, #tpu.memory_space<hbm>> -> memref<32x128xf32, #tpu.memory_space<hbm>>
        %dma_wait3A_400 = arith.constant 499968 : i32
        %dma_wait3A_401 = arith.constant 0 : i32
        %dma_wait3A_402 = tpu.memref_slice %arg5[%dma_wait3A_400, %dma_wait3A_401] : memref<500000x128xf32, #tpu.memory_space<hbm>> -> memref<32x128xf32, #tpu.memory_space<hbm>>
        tpu.wait_dma2 semaphore(%run_scoped3A : memref<!tpu.dma_semaphore, #tpu.memory_space<semaphore_mem>>) src(%arg15 : memref<32x128xf32, #tpu.memory_space<vmem>>) dst(%dma_wait3A_402 : memref<32x128xf32, #tpu.memory_space<hbm>>)
        tpu.yield
      }) : () -> ()
    } else {
    }
    return
  }
}

</mosaic_0001>

<sc_bundles>
// kernel: w2v_sc_convert.3.cloned.1.call-start
scs
__scs_entry_jumppad:
0x0: {  	(pc) =	sbr.rel $0x88, $3  }
0x1: {  	(tag) =	ssettag $0x0;
	lr =	simm.s32 $0x1  }
0x2: {  	[smem:$0x3F9F] =	sst lr;
	_ =	strace $0xD0000000  }
0x3: {  	_ = 	snop  }
0x4: {  	_ = 	snop  }
0x5: {  	_ = 	snop  }
0x6: {  	_ = 	snop  }
0x7: {  	_ = 	snop  }
__scs_overlays_trampoline_lowered:
0x8: {  	[smem:$0x3FAE] =	sst s0  }
0x9: {  	[smem:$0x3FAF] =	sst s1  }
0xa: {  	[smem:$0x3FB0] =	sst s2  }
0xb: {  	[smem:$0x3FB1] =	sst s3  }
0xc: {  	[smem:$0x3FB2] =	sst s4  }
0xd: {  	[smem:$0x3FB3] =	sst s5  }
0xe: {  	[smem:$0x3FB4] =	sst s6  }
0xf: {  	[smem:$0x3FB5] =	sst s7  }
0x10: {  	[smem:$0x3FB6] =	sst s8  }
0x11: {  	[smem:$0x3FB7] =	sst s9;
	s0 =	simm.s32 @!p0 $0x0  }
0x12: {  	s1 =	sld [smem:$0x3F9D];
	s0 =	simm.s32 @p0 $0x1  }
0x13: {  	[smem:$0x3FB8] =	sst s0;
	s0 =	simm.s32 @!p1 $0x0  }
0x14: {  	s2 =	sld [smem:$0x3F9C];
	s0 =	simm.s32 @p1 $0x1  }
0x15: {  	[smem:$0x3FB9] =	sst s0;
	s0 =	simm.s32 @!p2 $0x0  }
0x16: {  	s3 =	sld [smem:$0x3FDB];
	s0 =	simm.s32 @p2 $0x1  }
0x17: {  	s4 =	simm.s32 $0x1BF5;
	[smem:$0x3FBB] =	sst s0  }
0x18: {  	s0 =	sld [smem:$0x3F9E];
	_ =	swait.ge [sflag:s4], $0x0  }
0x19: {  	s7 =	sld [smem:$0x3F9F]  }
0x1a: {  	s8 =	sadd.s32 $0xFFFFE003, lr  }
0x1b: {  	s9 =	sadd.s32 $0xFFFFFEF7, lr;
	s5 =	simm.s32 $0xFFFFFFFF;
	p2 =	slt.u32 s8, $0xFFFFF086  }
0x1c: {  	p1 =	slt.u32 s9, $0xF7A;
	s5 =	simm.s32 @!p2 $0x0  }
0x1d: {  	s5 =	simm.s32 @p1 $0x1;
	p0 =	seq.s32 s7, s2  }
0x1e: {  	s7 =	smul.u32 @!p0 $0xF7A, s2;
	p2 =	seq.s32 @!p0 s5, $0x0  }
0x1f: {  	s9 =	smul.u32 $0xF7A, s1;
	s8 =	simm.s32 @!p0 $0x1BF5;
	p2 =	por !p2, p0  }
0x20: {  	[sflag:s8] =	ssyncset.s32 @!p0 $0xFFFFF086;
	s6 =	sadd.s32 @!p0 s3, s7;
	s7 =	simm.s32 @!p0 $0x108  }
0x21: {  	s3 =	sadd.s32 s3, s9;
	s6 =	sadd.s32 @!p0 $0x88, s6;
	s7 =	simm.s32 @p2 $0x1082  }
0x22: {  	[simem:s7], [sflag:s8] =	dma.local @!p0 [hbm:s6], $0xF7A  }
0x23: {  	s9 =	sor.u32 $0xD0000000, s2;
	s6 =	simm.s32 $0x108;
	_ =	swait.ge @!p0 [sflag:s8], $0x0  }
0x24: {  	s3 =	sadd.s32 $0x88, s3;
	s6 =	simm.s32 @!p1 $0x1082;
	[sflag:s4] =	ssyncset.s32 $0xFFFFF086  }
0x25: {  	[simem:s6], [sflag:s4] =	dma.local [hbm:s3], $0xF7A  }
0x26: {  	[smem:$0x3F9F] =	sst s1;
	(tag) =	ssettag s2;
	_ =	strace s9  }
0x27: {  	s1 =	sld [smem:$0x3FAF]  }
0x28: {  	s2 =	sld [smem:$0x3FB0]  }
0x29: {  	s4 =	sld [smem:$0x3FB2]  }
0x2a: {  	p0 =	seq.s32 s5, $0x0;
	s5 =	sld [smem:$0x3FB3]  }
0x2b: {  	s6 =	sld [smem:$0x3FB4]  }
0x2c: {  	s7 =	sld [smem:$0x3FB5]  }
0x2d: {  	s3 =	simm.s32 $0x108;
	s8 =	sld [smem:$0x3FB6]  }
0x2e: {  	s3 =	simm.s32 @!p0 $0x1082;
	s9 =	sld [smem:$0x3FB7]  }
0x2f: {  	lr =	sadd.s32 s0, s3;
	s0 =	sld [smem:$0x3FAE]  }
0x30: {  	s3 =	sld [smem:$0x3FB1]  }
0x31: {  	[smem:$0x3FBA] =	sst s10  }
0x32: {  	s10 =	sld [smem:$0x3FB8];
	_ =	sdelay $0x3  }
0x33: {  	p0 =	seq.s32 s10, $0x1;
	s10 =	sld [smem:$0x3FBA];
	_ =	sdelay $0x3  }
0x34: {  	[smem:$0x3FBA] =	sst s10  }
0x35: {  	s10 =	sld [smem:$0x3FB9];
	_ =	sdelay $0x3  }
0x36: {  	p1 =	seq.s32 s10, $0x1;
	s10 =	sld [smem:$0x3FBA];
	_ =	sdelay $0x3  }
0x37: {  	[smem:$0x3FBA] =	sst s10  }
0x38: {  	s10 =	sld [smem:$0x3FBB]  }
0x39: {  	_ = 	snop;
	(pc) =	sbr.ind lr, $3  }
0x3a: {  	_ = 	snop  }
0x3b: {  	_ = 	snop  }
0x3c: {  	p2 =	seq.s32 s10, $0x1;
	s10 =	sld [smem:$0x3FBA]  }
0x3d: {  	_ =	shalt  }
0x3e: {  	_ =	shalt  }
0x3f: {  	_ =	shalt  }
0x40: {  	_ =	shalt  }
0x41: {  	_ =	shalt  }
0x42: {  	_ =	shalt  }
0x43: {  	_ =	shalt  }
0x44: {  	_ =	shalt  }
0x45: {  	_ =	shalt  }
0x46: {  	_ =	shalt  }
0x47: {  	_ =	shalt  }
0x48: {  	_ =	shalt  }
0x49: {  	_ =	shalt  }
0x4a: {  	_ =	shalt  }
0x4b: {  	_ =	shalt  }
0x4c: {  	_ =	shalt  }
0x4d: {  	_ =	shalt  }
0x4e: {  	_ =	shalt  }
0x4f: {  	_ =	shalt  }
0x50: {  	_ =	shalt  }
0x51: {  	_ =	shalt  }
0x52: {  	_ =	shalt  }
0x53: {  	_ =	shalt  }
0x54: {  	_ =	shalt  }
0x55: {  	_ =	shalt  }
0x56: {  	_ =	shalt  }
0x57: {  	_ =	shalt  }
0x58: {  	_ =	shalt  }
0x59: {  	_ =	shalt  }
0x5a: {  	_ =	shalt  }
0x5b: {  	_ =	shalt  }
0x5c: {  	_ =	shalt  }
0x5d: {  	_ =	shalt  }
0x5e: {  	_ =	shalt  }
0x5f: {  	_ =	shalt  }
0x60: {  	_ =	shalt  }
0x61: {  	_ =	shalt  }
0x62: {  	_ =	shalt  }
0x63: {  	_ =	shalt  }
0x64: {  	_ =	shalt  }
0x65: {  	_ =	shalt  }
0x66: {  	_ =	shalt  }
0x67: {  	_ =	shalt  }
0x68: {  	_ =	shalt  }
0x69: {  	_ =	shalt  }
0x6a: {  	_ =	shalt  }
0x6b: {  	_ =	shalt  }
0x6c: {  	_ =	shalt  }
0x6d: {  	_ =	shalt  }
0x6e: {  	_ =	shalt  }
0x6f: {  	_ =	shalt  }
0x70: {  	_ =	shalt  }
0x71: {  	_ =	shalt  }
0x72: {  	_ =	shalt  }
0x73: {  	_ =	shalt  }
0x74: {  	_ =	shalt  }
0x75: {  	_ =	shalt  }
0x76: {  	_ =	shalt  }
0x77: {  	_ =	shalt  }
0x78: {  	_ =	shalt  }
0x79: {  	_ =	shalt  }
0x7a: {  	_ =	shalt  }
0x7b: {  	_ =	shalt  }
0x7c: {  	_ =	shalt  }
0x7d: {  	_ =	shalt  }
0x7e: {  	_ =	shalt  }
0x7f: {  	_ =	shalt  }
0x80: {  	_ =	shalt  }
0x81: {  	_ =	shalt  }
0x82: {  	_ =	shalt  }
0x83: {  	_ =	shalt  }
0x84: {  	_ =	shalt  }
0x85: {  	_ =	shalt  }
0x86: {  	_ =	shalt  }
0x87: {  	_ =	shalt  }
.Lfunc_end0:
.L_simem_size_0:
called_computation_lowered:
.L_overlay_start_0:
0x88: {  	s2 =	sld [smem:$0x3FD9]  }
0x89: {  	s3 =	sld [smem:$0x3FFE];
	_ =	sdelay $0x1  }
0x8a: {  	s1 =	srdreg.scid  }
0x8b: {  	s0 =	sand.u32 $0x1, s1  }
0x8c: {  	s15 =	sshll.u32 s0, $0xA;
	s2 =	sadd.s32 s3, s2  }
0x8d: {  	s2 =	sadd.s32 s2, s15  }
0x8e: {  	[smem:$0x3FC6] =	sst s2  }
0x8f: {  	_ = 	snop  }
0x90: {  	s2 =	sld [smem:$0x3FD0];
	_ =	sdelay $0x1  }
0x91: {  	s16 =	sld [smem:$0x3FC9]  }
0x92: {  	s5 =	simm.s32 $0xA;
	s6 =	simm.s32 $0x10;
	s4 =	sld [smem:$0x3FC8]  }
0x93: {  	[smem:s6], [sflag:s5] =	dma.local [hbm:s2], $0x1  }
0x94: {  	_ =	swait.eq [sflag:s5], $0x1  }
0x95: {  	[sflag:s5] =	ssyncset.done $0x0  }
0x96: {  	s17 =	sld [smem:$0x10];
	[sflag:s5] =	ssyncadd.s32 $0xFFFFFFFF  }
0x97: {  	s18 =	sld [smem:$0x11];
	(tm) =	ssettm $0x1  }
0x98: {  	s19 =	sld [smem:$0x3FFB];
	_ =	sdelay $0x3  }
0x99: {  	_ =	strace s19  }
0x9a: {  	s6 =	sld [smem:$0x3FFC];
	_ =	sdelay $0x3  }
0x9b: {  	_ =	strace s6  }
0x9c: {  	s6 =	sld [smem:$0x3FFD];
	_ =	sdelay $0x3  }
0x9d: {  	_ =	strace s6  }
0x9e: {  	_ =	strace $0x8FFFFFFF  }
0x9f: {  	s20 =	sld [smem:$0x3FDB];
	_ =	sdelay $0x1  }
0xa0: {  	s7 =	simm.s32 $_scs_section_size  }
0xa1: {  	s8 =	simm.s32 $_size__tile_overlayer_lowered;
	s9 =	simm.s32 $_tile_overlayer_lowered  }
0xa2: {  	s23 =	simm.s32 $0x1BFF;
	s22 =	sshll.u32 s9, $0x1;
	s6 =	sadd.s32 s7, s20  }
0xa3: {  	s10 =	simm.s32 $0x0;
	s21 =	sshll.u32 s8, $0x1;
	s8 =	sadd.s32 s22, s6  }
0xa4: {  	[timem:s10], [sflag:s23] =	dma.local [hbm:s8], s21  }
0xa5: {  	_ =	swait.ge [sflag:s23], s21  }
0xa6: {  	s7 =	ssub.s32 $0x0, s21;
	[sflag:s23] =	ssyncset.done $0x0  }
0xa7: {  	[sflag:s23] =	ssyncadd.s32 s7;
	_ =	sdelay $0x1  }
0xa8: {  	s24 =	simm.s32 $0x1B8B  }
0xa9: {  	_ =	swait.ge [sflag:s24], $0x1  }
0xaa: {  	[sflag:s24] =	ssyncset.done $0x0  }
0xab: {  	s25 =	simm.s32 $0x1B8E;
	[sflag:s24] =	ssyncadd.s32 $0xFFFFFFFF  }
0xac: {  	s26 =	simm.s32 $execute0_lowered;
	[smem:$0x3FD2] =	sst s25  }
0xad: {  	s7 =	sshll.u32 s26, $0x1;
	_ =	strace $0x80000046;
	[dreg:$0x1] =	wrdreg $0xFFFFFFFF  }
0xae: {  	s28 =	simm.s32 $_size_execute0_lowered;
	s6 =	sadd.s32 s6, s7;
	[dreg:$0x0] =	wrdreg $0x0  }
0xaf: {  	s7 =	sshll.u32 s28, $0x1;
	[dreg:$0x2] =	wrdreg s6  }
0xb0: {  	[dreg:$0x3] =	wrdreg s7  }
0xb1: {  	[dreg:$0x4] =	wrdreg $0xC0  }
0xb2: {  	_ =	task [dreg:s10], $0x5FFFF  }
0xb3: {  	[dreg:$0x1] =	wrdreg $0xFFFFFFFF  }
0xb4: {  	[dreg:$0x0] =	wrdreg $0x60  }
0xb5: {  	[dreg:$0x2] =	wrdreg s16  }
0xb6: {  	[dreg:$0x3] =	wrdreg s4  }
0xb7: {  	[dreg:$0x4] =	wrdreg s17  }
0xb8: {  	[dreg:$0x5] =	wrdreg s18  }
0xb9: {  	[dreg:$0x6] =	wrdreg $0x9  }
0xba: {  	_ =	task.clear_ibuf [dreg:s10], $0x7FFFF;
	_ =	strace $0x90000046  }
0xbb: {  	s29 =	simm.s32 $0x9;
	_ =	strace $0x80000048  }
0xbc: {  	_ =	swait.ge [sflag:s29], $0x1  }
0xbd: {  	[sflag:s29] =	ssyncadd.s32 $0xFFFFFFFF  }
0xbe: {  	_ =	strace $0x90000048  }
0xbf: {  	_ =	sfence  }
0xc0: {  	s30 =	sld [smem:$0x0];
	_ =	sdelay $0x2  }
0xc1: {  	s31 =	sshll.u32 s1, $0xD;
	s1 =	sshrl.u32 s1, $0x2  }
0xc2: {  	s3 =	sand.u32 $0x4000, s31;
	s1 =	sadd.s32 s1, s30  }
0xc3: {  	s0 =	sor.u32 s3, s0;
	s1 =	sshll.u32 s1, $0x11  }
0xc4: {  	s0 =	sor.u32 s1, s0  }
0xc5: {  	s0 =	sadd.s32 $0x8F2B, s0  }
0xc6: {  	[sflag:s0] =	ssyncadd.remote.s32 $0x1  }
0xc7: {  	_ =	sfence.sel $0xFFFF  }
0xc8: {  	[dreg:$0x0] =	wrdreg $0xFFFFFFFF;
	(pc) =	sbr.abs _section_cstart, $3  }
0xc9: {  	[dreg:$0x1] =	wrdreg $0xFFFFFFFF  }
0xca: {  	_ =	task.clear_ibuf [dreg:s10], $0x2FFFF;
	_ =	strace $0x9FFFFFFF  }
0xcb: {  	(tm) =	ssettm $0x7FFFFFFF  }
tec
execute0_lowered:
.L_overlay_start_1:
0x0: {  	(tag) =	ssettag $0x1  }
0x1: {  	s1 =	rddreg [dreg:$0x0]  }
0x2: {  	s2 =	rddreg [dreg:$0x1]  }
0x3: {  	s3 =	rddreg [dreg:$0x2]  }
0x4: {  	s4 =	rddreg [dreg:$0x3]  }
0x5: {  	s0 =	srdreg.scid;
	s6 =	simm.s32 $0x0;
	s9 =	stileid.u32  }
0x6: {  	s28 =	simm.s32 $0xA000;
	s29 =	simm.s32 $0x2;
	s30 =	simm.s32 $0xC000  }
0x7: {  	s31 =	simm.s32 $0xE000;
	s15 =	simm.s32 $0x10000;
	s17 =	simm.s32 $0x12000  }
0x8: {  	s18 =	simm.s32 $0x0;
	s0 =	sand.u32 $0x1, s0;
	[smem:$0x7FF] =	sst s6  }
0x9: {  	s8 =	sshll.u32 s9, $0x1;
	p0 =	slt.u32 s9, $0x2;
	s23 =	sadd.s32 $0xF4200, s1  }
0xa: {  	s24 =	sadd.s32 $0x7A1000, s3;
	_ =	strace $0x80000047;
	[dreg:$0x9] =	wrdreg s23  }
0xb: {  	s25 =	sadd.s32 $0xF4200, s2;
	s26 =	sadd.s32 $0x7A1000, s4;
	[dreg:$0xa] =	wrdreg s24  }
0xc: {  	s5 =	ssub.s32 $0x2, s0;
	s0 =	sor.u32 s0, s8;
	[dreg:$0xb] =	wrdreg s25  }
0xd: {  	[dreg:$0xc] =	wrdreg s26;
	s23 =	simm.s32 $0x4000;
	s24 =	simm.s32 $0x6000  }
0xe: {  	s25 =	simm.s32 $0x1;
	s26 =	simm.s32 $0x8000;
	s7 =	sshrl.u32 s5, $0x1  }
0xf: {  	s8 =	sshll.u32 s0, $0x7;
	s10 =	sshll.u32 s0, $0xA;
	s14 =	sshll.u32 s0, $0xD  }
0x10: {  	s5 =	ssub.s32 s5, s7;
	s7 =	simm.s32 $0xF5;
	s20 =	sadd.s32 s1, s8  }
0x11: {  	v0 =	vlaneseq.u32;
	s21 =	sadd.s32 s2, s8;
	s8 =	sor.u32 $0x1000, s8;
	[dreg:$0x5] =	wrdreg s20  }
.Ltmp0:
0x12: {  	v1 =	vmul.u32 $0x40, v0;
	v2 =	vor.u32 $0x10, v0;
	v4 =	vor.u32 $0x20, v0;
	s7 =	simm.s32 @!p0 $0xF4;
	[dreg:$0x6] =	wrdreg s21;
	(pc) =	sbr.rel .LBB2_1-.Ltmp0, $4  }
0x13: {  	v6 =	vor.u32 $0x30, v0;
	v8 =	vor.u32 $0x40, v0;
	v10 =	vor.u32 $0x50, v0;
	s11 =	sadd.s32 s1, s8;
	s8 =	sadd.s32 s2, s8;
	s5 =	smax.u32 s5, $0x1  }
0x14: {  	v12 =	vor.u32 $0x60, v0;
	v14 =	vor.u32 $0x70, v0;
	v3 =	vor.u32 $0x400, v1;
	s20 =	simm.s32 $0x400;
	s21 =	simm.s32 $0x7A1400;
	[dreg:$0x7] =	wrdreg s11  }
0x15: {  	v5 =	vor.u32 $0x800, v1;
	v7 =	vor.u32 $0xC00, v1;
	v9 =	vor.u32 $0x1000, v1;
	p0 =	sne.s32 s0, $0x4;
	s22 =	sadd.s32 $0x1, s7;
	[dreg:$0x8] =	wrdreg s8  }
0x16: {  	v11 =	vor.u32 $0x1400, v1;
	v13 =	vor.u32 $0x1800, v1;
	v15 =	vor.u32 $0x1C00, v1;
	[dreg:$0xd] =	wrdreg s5;
	s13 =	sshrl.u32 s22, $0x1;
	s22 =	simm.s32 $0x2000  }
.LBB2_19:
0x17: {  	s18 =	sadd.s32 $0x1, s18;
	s0 =	rddreg [dreg:$0xd]  }
0x18: {  	p1 =	sne.s32 s18, s0  }
.Ltmp1:
0x19: {  	_ = 	snop;
	(pc) =	sbr.rel @!p1 .LBB2_20-.Ltmp1, $1  }
0x1a: {  	_ =	sdelay $0x3  }
.LBB2_1:
0x1b: {  	s0 =	rddreg [dreg:$0x5]  }
0x1c: {  	[tilespmem:s6], [sflag:$0x1] =	stream.strided.gather [hbm4b:s0+s20], $0x2000, s21, s20, $0x38;
	[tilespmem:$0x13000] =	vst v63  }
0x1d: {  	s12 =	rddreg [dreg:$0x6]  }
0x1e: {  	[tilespmem:s22], [sflag:$0x1] =	stream.strided.gather [hbm4b:s12+s20], $0x2000, s21, s20, $0x38;
	[tilespmem:$0x13000] =	vst v63  }
.Ltmp2:
0x1f: {  	_ = 	snop;
	(pc) =	sbr.rel .LBB2_2-.Ltmp2, $4  }
0x20: {  	s16 =	rddreg [dreg:$0x7]  }
0x21: {  	[tilespmem:s23], [sflag:$0x2] =	stream.strided.gather [hbm4b:s16+s20], $0x2000, s21, s20, $0x38;
	[tilespmem:$0x13000] =	vst v63  }
0x22: {  	s19 =	rddreg [dreg:$0x8];
	s8 =	simm.s32 $0x0  }
0x23: {  	[tilespmem:s24], [sflag:$0x2] =	stream.strided.gather [hbm4b:s19+s20], $0x2000, s21, s20, $0x38;
	[tilespmem:$0x13000] =	vst v63  }
.LBB2_12:
0x24: {  	s8 =	sadd.s32 $0x1, s8  }
0x25: {  	p1 =	sne.s32 s8, s13  }
.Ltmp3:
0x26: {  	_ = 	snop;
	(pc) =	sbr.rel @!p1 .LBB2_13-.Ltmp3, $1  }
0x27: {  	_ =	sdelay $0x3  }
.LBB2_2:
0x28: {  	s11 =	simm.s32 $0x0  }
0x29: {  	s9 =	simm.s32 $0x7;
	p1 =	seq.s32 s8, $0x0;
	s12 =	simm.s32 $0x4;
	v16 =	vmov s11  }
0x2a: {  	s5 =	simm.s32 $0x1;
	s20 =	simm.s32 $0x2;
	v17 =	vadd.s32 s11, v0;
	v18 =	vadd.s32 s9, v0;
	s19 =	simm.s32 @!p1 $0x3;
	v27 =	vadd.s32 s12, v0  }
0x2b: {  	s21 =	simm.s32 $0x3;
	v19 =	vadd.s32 s5, v0;
	v22 =	vadd.s32 s20, v0;
	v20 =	vand.u32 $0x30, v16;
	_ =	swait.ge @!p1 [sflag:s19], $0x2000  }
0x2c: {  	s16 =	simm.s32 $0x6;
	v23 =	vmov s21;
	v16 =	vmov s9;
	v21 =	vand.u32 $0xF, v17;
	[tilespmem:$0x1FF30] =	vst v20;
	[sflag:s19] =	ssyncset.done @!p1 $0x0  }
0x2d: {  	v31 =	vadd.s32 s16, v0;
	v28 =	vadd.s32 s21, v0;
	v24 =	vand.u32 $0x30, v16;
	[tilespmem:$0x1FF40] =	vst v21;
	[sflag:s19] =	ssyncadd.s32 @!p1 $0xFFFFE000  }
0x2e: {  	v32 =	vor.u32 v20, v21;
	v16 =	vmov s5;
	v20 =	vand.u32 $0xF, v19;
	_ =	swait.ge @!p1 [sflag:s19], $0x2000  }
0x2f: {  	v17 =	vmov s12;
	v22 =	vand.u32 $0xF, v22;
	v25 =	vand.u32 $0x30, v16;
	[sflag:s19] =	ssyncset.done @!p1 $0x0;
	[tilespmem:$0x1FF50] =	vst v20  }
0x30: {  	v18 =	vand.u32 $0xF, v18;
	v29 =	vand.u32 $0xF, v27;
	v19 =	vmov s20;
	[tilespmem:$0x1FF60] =	vst v25;
	[sflag:s19] =	ssyncadd.s32 @!p1 $0xFFFFE000  }
0x31: {  	s20 =	simm.s32 $0x5;
	v17 =	vand.u32 $0x30, v17;
	v62 =	vand.u32 $0x30, v19;
	v19 =	vand.u32 $0x30, v23;
	_ =	swait.ge [sflag:s25], $0x2000  }
0x32: {  	v63 =	vmov s20;
	v16 =	vadd.s32 s20, v0;
	v37 =	vor.u32 v24, v18;
	[tilespmem:$0x1FF70] =	vst v62  }
0x33: {  	v40 =	vor.u32 v17, v29;
	v33 =	vor.u32 v25, v20;
	v38 =	vor.u32 v62, v22;
	[tilespmem:$0x1FF80] =	vst v22  }
0x34: {  	v39 =	vshll.u32 v40, $0x7;
	v30 =	vand.u32 $0xF, v16;
	v34 =	vshll.u32 v33, $0x7;
	[tilespmem:$0x1FF90] =	vst v24  }
0x35: {  	v20 =	vand.u32 $0x30, v63;
	v50 =	vshll.u32 v38, $0x7;
	[tilespmem:$0x1FFA0] =	vst v18;
	v18 =	vor.u32 v0, v34;
	[sflag:s25] =	ssyncset.done $0x0  }
0x36: {  	v41 =	vor.u32 v20, v30;
	v24 =	vand.u32 $0xF, v28;
	[tilespmem:$0x1FFB0] =	vst v17;
	v17 =	vor.u32 v0, v50;
	[sflag:s25] =	ssyncadd.s32 $0xFFFFE000  }
0x37: {  	v43 =	vor.u32 v0, v39;
	v44 =	vshll.u32 v41, $0x7;
	v35 =	vor.u32 v19, v24;
	_ =	swait.ge [sflag:s25], $0x2000  }
0x38: {  	v42 =	vmov s16;
	v51 =	vor.u32 v0, v44;
	v36 =	vshll.u32 v35, $0x7;
	[tilespmem:$0x1FFC0] =	vst v19;
	[sflag:s25] =	ssyncset.done $0x0  }
0x39: {  	v45 =	vshll.u32 v32, $0x7;
	v47 =	vshll.u32 v37, $0x7;
	[tilespmem:$0x1FFD0] =	vst v24;
	v46 =	vor.u32 v0, v36;
	[sflag:s25] =	ssyncadd.s32 $0xFFFFE000  }
0x3a: {  	v48 =	vor.u32 v0, v47;
	v19 =	vand.u32 $0xF, v31;
	v16 =	vld.idx.msk [tilespmem:v18+s11+$0x0], $0xffff;
	v18 =	vor.u32 v1, v33;
	[tilespmem:$0x1FFE0] =	vst v20  }
0x3b: {  	v52 =	vor.u32 v0, v45;
	v31 =	vand.u32 $0x30, v42;
	v17 =	vld.idx.msk [tilespmem:v17+s11+$0x0], $0xffff;
	[tilespmem:$0x1FFF0] =	vst v19  }
0x3c: {  	v54 =	vor.u32 v1, v38;
	v49 =	vor.u32 v2, v34;
	v42 =	vor.u32 v31, v19;
	v53 =	vld.idx.msk [tilespmem:v43+s11+$0x0], $0xffff  }
0x3d: {  	v59 =	vor.u32 v1, v40;
	v56 =	vor.u32 v2, v50;
	v43 =	vshll.u32 v42, $0x7;
	v51 =	vld.idx.msk [tilespmem:v51+s11+$0x0], $0xffff  }
0x3e: {  	v55 =	vor.u32 v1, v35;
	v57 =	vld.idx.msk [tilespmem:v46+s11+$0x0], $0xffff;
	v58 =	vor.u32 v0, v43  }
0x3f: {  	v25 =	vor.u32 v2, v36;
	[tilespmem:v18+s26+$0x0] =	vst.idx.msk $0xffff, v16;
	v16 =	vld.idx.msk [tilespmem:v48+s11+$0x0], $0xffff;
	v18 =	vor.u32 v1, v37  }
0x40: {  	v60 =	vor.u32 v2, v47;
	v63 =	vor.u32 v1, v32;
	v61 =	vor.u32 v1, v41;
	v52 =	vld.idx.msk [tilespmem:v52+s11+$0x0], $0xffff  }
0x41: {  	v62 =	vor.u32 v2, v39;
	v49 =	vld.idx.msk [tilespmem:v49+s11+$0x0], $0xffff;
	[tilespmem:v54+s26+$0x0] =	vst.idx.msk $0xffff, v17;
	v17 =	vor.u32 v3, v33  }
0x42: {  	v21 =	vor.u32 v3, v38;
	v54 =	vld.idx.msk [tilespmem:v56+s11+$0x0], $0xffff;
	v56 =	vor.u32 v2, v44;
	[tilespmem:v59+s26+$0x0] =	vst.idx.msk $0xffff, v53  }
0x43: {  	v27 =	vor.u32 v12, v47;
	v26 =	vor.u32 v4, v34;
	[tilespmem:v55+s26+$0x0] =	vst.idx.msk $0xffff, v57;
	v57 =	vld.idx.msk [tilespmem:v58+s11+$0x0], $0xffff  }
0x44: {  	v23 =	vor.u32 v4, v50;
	v22 =	vor.u32 v1, v42;
	[tilespmem:v18+s26+$0x0] =	vst.idx.msk $0xffff, v16;
	v18 =	vld.idx.msk [tilespmem:v25+s11+$0x0], $0xffff  }
0x45: {  	v24 =	vor.u32 v3, v37;
	[tilespmem:v61+s26+$0x0] =	vst.idx.msk $0xffff, v51;
	v16 =	vor.u32 v2, v45;
	v59 =	vld.idx.msk [tilespmem:v60+s11+$0x0], $0xffff  }
0x46: {  	v25 =	vor.u32 v2, v43;
	v60 =	vld.idx.msk [tilespmem:v62+s11+$0x0], $0xffff;
	[tilespmem:v17+s26+$0x0] =	vst.idx.msk $0xffff, v49;
	v17 =	vor.u32 v3, v40  }
0x47: {  	[tilespmem:v63+s26+$0x0] =	vst.idx.msk $0xffff, v52;
	v49 =	vor.u32 v3, v35;
	v62 =	vor.u32 v4, v47;
	v56 =	vld.idx.msk [tilespmem:v56+s11+$0x0], $0xffff  }
0x48: {  	v52 =	vld.idx.msk [tilespmem:v26+s11+$0x0], $0xffff;
	v26 =	vor.u32 v5, v33;
	[tilespmem:v21+s26+$0x0] =	vst.idx.msk $0xffff, v54;
	v54 =	vor.u32 v4, v36  }
0x49: {  	[tilespmem:v22+s26+$0x0] =	vst.idx.msk $0xffff, v57;
	v22 =	vor.u32 v6, v34;
	v53 =	vld.idx.msk [tilespmem:v23+s11+$0x0], $0xffff;
	v23 =	vor.u32 v3, v41  }
0x4a: {  	v55 =	vor.u32 v4, v39;
	v21 =	vor.u32 v3, v32;
	v16 =	vld.idx.msk [tilespmem:v16+s11+$0x0], $0xffff;
	[tilespmem:v24+s26+$0x0] =	vst.idx.msk $0xffff, v59  }
0x4b: {  	v24 =	vor.u32 v4, v45;
	v59 =	vld.idx.msk [tilespmem:v25+s11+$0x0], $0xffff;
	v25 =	vor.u32 v5, v38;
	[tilespmem:v17+s26+$0x0] =	vst.idx.msk $0xffff, v60  }
0x4c: {  	v17 =	vor.u32 v4, v44;
	[tilespmem:v49+s26+$0x0] =	vst.idx.msk $0xffff, v18;
	v18 =	vor.u32 v3, v42;
	v60 =	vld.idx.msk [tilespmem:v62+s11+$0x0], $0xffff  }
0x4d: {  	v49 =	vor.u32 v6, v50;
	[tilespmem:v26+s26+$0x0] =	vst.idx.msk $0xffff, v52;
	v26 =	vor.u32 v5, v37;
	v54 =	vld.idx.msk [tilespmem:v54+s11+$0x0], $0xffff  }
0x4e: {  	v62 =	vor.u32 v4, v43;
	v48 =	vld.idx.msk [tilespmem:v22+s11+$0x0], $0xffff;
	v22 =	vor.u32 v5, v35;
	[tilespmem:v23+s26+$0x0] =	vst.idx.msk $0xffff, v56  }
0x4f: {  	v55 =	vld.idx.msk [tilespmem:v55+s11+$0x0], $0xffff;
	[tilespmem:v21+s26+$0x0] =	vst.idx.msk $0xffff, v16;
	v16 =	vor.u32 v5, v40;
	v21 =	vor.u32 v6, v47  }
0x50: {  	v56 =	vor.u32 v6, v39;
	v23 =	vor.u32 v7, v33;
	v51 =	vld.idx.msk [tilespmem:v24+s11+$0x0], $0xffff;
	[tilespmem:v25+s26+$0x0] =	vst.idx.msk $0xffff, v53  }
0x51: {  	v24 =	vor.u32 v6, v36;
	v17 =	vld.idx.msk [tilespmem:v17+s11+$0x0], $0xffff;
	v25 =	vor.u32 v5, v32;
	[tilespmem:v18+s26+$0x0] =	vst.idx.msk $0xffff, v59  }
0x52: {  	v18 =	vor.u32 v8, v34;
	v59 =	vor.u32 v5, v41;
	v49 =	vld.idx.msk [tilespmem:v49+s11+$0x0], $0xffff;
	[tilespmem:v26+s26+$0x0] =	vst.idx.msk $0xffff, v60  }
0x53: {  	v19 =	vor.u32 v7, v38;
	v26 =	vor.u32 v6, v45;
	v62 =	vld.idx.msk [tilespmem:v62+s11+$0x0], $0xffff;
	[tilespmem:v22+s26+$0x0] =	vst.idx.msk $0xffff, v54  }
0x54: {  	[tilespmem:v16+s26+$0x0] =	vst.idx.msk $0xffff, v55;
	v16 =	vor.u32 v6, v44;
	v55 =	vld.idx.msk [tilespmem:v21+s11+$0x0], $0xffff;
	v21 =	vor.u32 v7, v37  }
0x55: {  	v22 =	vor.u32 v8, v50;
	[tilespmem:v23+s26+$0x0] =	vst.idx.msk $0xffff, v48;
	v23 =	vor.u32 v7, v40;
	v56 =	vld.idx.msk [tilespmem:v56+s11+$0x0], $0xffff  }
0x56: {  	v53 =	vld.idx.msk [tilespmem:v24+s11+$0x0], $0xffff;
	v24 =	vor.u32 v8, v47;
	[tilespmem:v25+s26+$0x0] =	vst.idx.msk $0xffff, v51;
	v25 =	vor.u32 v7, v35  }
0x57: {  	v52 =	vld.idx.msk [tilespmem:v18+s11+$0x0], $0xffff;
	v18 =	vor.u32 v8, v39;
	[tilespmem:v59+s26+$0x0] =	vst.idx.msk $0xffff, v17;
	v17 =	vor.u32 v5, v42  }
0x58: {  	v61 =	vor.u32 v7, v32;
	v59 =	vld.idx.msk [tilespmem:v26+s11+$0x0], $0xffff;
	v26 =	vor.u32 v8, v36;
	[tilespmem:v19+s26+$0x0] =	vst.idx.msk $0xffff, v49  }
0x59: {  	v63 =	vor.u32 v7, v41;
	v19 =	vor.u32 v6, v43;
	v16 =	vld.idx.msk [tilespmem:v16+s11+$0x0], $0xffff;
	[tilespmem:v21+s26+$0x0] =	vst.idx.msk $0xffff, v55  }
0x5a: {  	v54 =	vor.u32 v8, v45;
	v21 =	vld.idx.msk [tilespmem:v22+s11+$0x0], $0xffff;
	v22 =	vor.u32 v9, v38;
	[tilespmem:v23+s26+$0x0] =	vst.idx.msk $0xffff, v56  }
0x5b: {  	v51 =	vor.u32 v9, v37;
	v23 =	vor.u32 v8, v44;
	v56 =	vld.idx.msk [tilespmem:v24+s11+$0x0], $0xffff;
	[tilespmem:v25+s26+$0x0] =	vst.idx.msk $0xffff, v53  }
0x5c: {  	v24 =	vor.u32 v10, v50;
	v25 =	vor.u32 v9, v40;
	[tilespmem:v17+s26+$0x0] =	vst.idx.msk $0xffff, v62;
	v18 =	vld.idx.msk [tilespmem:v18+s11+$0x0], $0xffff  }
0x5d: {  	v17 =	vld.idx.msk [tilespmem:v26+s11+$0x0], $0xffff;
	v26 =	vor.u32 v10, v47;
	[tilespmem:v61+s26+$0x0] =	vst.idx.msk $0xffff, v59;
	v59 =	vor.u32 v9, v35  }
0x5e: {  	v62 =	vor.u32 v7, v42;
	v61 =	vor.u32 v10, v39;
	v19 =	vld.idx.msk [tilespmem:v19+s11+$0x0], $0xffff;
	[tilespmem:v63+s26+$0x0] =	vst.idx.msk $0xffff, v16  }
0x5f: {  	v46 =	vor.u32 v14, v50;
	v20 =	vor.u32 v8, v43;
	v16 =	vld.idx.msk [tilespmem:v54+s11+$0x0], $0xffff;
	[tilespmem:v22+s26+$0x0] =	vst.idx.msk $0xffff, v21  }
0x60: {  	v55 =	vor.u32 v9, v32;
	v54 =	vor.u32 v10, v36;
	v63 =	vld.idx.msk [tilespmem:v23+s11+$0x0], $0xffff;
	[tilespmem:v51+s26+$0x0] =	vst.idx.msk $0xffff, v56  }
0x61: {  	v22 =	vor.u32 v9, v41;
	v56 =	vor.u32 v10, v45;
	v21 =	vld.idx.msk [tilespmem:v24+s11+$0x0], $0xffff;
	[tilespmem:v25+s26+$0x0] =	vst.idx.msk $0xffff, v18  }
0x62: {  	v57 =	vor.u32 v11, v38;
	v23 =	vor.u32 v10, v44;
	v24 =	vld.idx.msk [tilespmem:v26+s11+$0x0], $0xffff;
	[tilespmem:v59+s26+$0x0] =	vst.idx.msk $0xffff, v17  }
0x63: {  	v17 =	vor.u32 v12, v50;
	v26 =	vor.u32 v11, v37;
	[tilespmem:v62+s26+$0x0] =	vst.idx.msk $0xffff, v19;
	v25 =	vld.idx.msk [tilespmem:v61+s11+$0x0], $0xffff  }
0x64: {  	v58 =	vor.u32 v9, v33;
	v60 =	vor.u32 v11, v32;
	v19 =	vor.u32 v11, v40;
	v53 =	vld.idx.msk [tilespmem:v20+s11+$0x0], $0xffff  }
0x65: {  	v48 =	vor.u32 v15, v35;
	v49 =	vor.u32 v13, v37;
	v51 =	vld.idx.msk [tilespmem:v54+s11+$0x0], $0xffff;
	[tilespmem:v55+s26+$0x0] =	vst.idx.msk $0xffff, v16  }
0x66: {  	v59 =	vor.u32 v10, v34;
	v18 =	vor.u32 v9, v42;
	v54 =	vld.idx.msk [tilespmem:v56+s11+$0x0], $0xffff;
	[tilespmem:v22+s26+$0x0] =	vst.idx.msk $0xffff, v63  }
0x67: {  	v50 =	vor.u32 v15, v40;
	v61 =	vor.u32 v10, v43;
	[tilespmem:v57+s26+$0x0] =	vst.idx.msk $0xffff, v21;
	v55 =	vld.idx.msk [tilespmem:v23+s11+$0x0], $0xffff  }
0x68: {  	v62 =	vor.u32 v12, v45;
	v63 =	vor.u32 v11, v41;
	[tilespmem:v26+s26+$0x0] =	vst.idx.msk $0xffff, v24;
	v56 =	vld.idx.msk [tilespmem:v17+s11+$0x0], $0xffff  }
0x69: {  	s9 =	sshll.u32 s8, $0x1;
	s12 =	simm.s32 $0x8;
	v16 =	vor.u32 v13, v38;
	v17 =	vor.u32 v12, v44;
	[tilespmem:v19+s26+$0x0] =	vst.idx.msk $0xffff, v25;
	v57 =	vld.idx.msk [tilespmem:v27+s11+$0x0], $0xffff  }
.LBB2_3:
0x6a: {  	p2 =	slt.u32 s12, $0x38;
	v19 =	vor.u32 v15, v32;
	[tilespmem:v58+s26+$0x0] =	vst.idx.msk $0xffff, v52;
	v52 =	vor.u32 v15, v33;
	s19 =	smov.u32 s12;
	s12 =	sadd.s32 $0x8, s12  }
0x6b: {  	v20 =	vld.idx.msk [tilespmem:v59+s11+$0x0], $0xffff;
	[tilespmem:v18+s26+$0x0] =	vst.idx.msk $0xffff, v53;
	v53 =	vor.u32 v15, v42;
	v18 =	vor.u32 v14, v47  }
0x6c: {  	v21 =	vor.u32 v11, v33;
	v22 =	vor.u32 v14, v36;
	[tilespmem:v60+s26+$0x0] =	vst.idx.msk $0xffff, v54;
	v23 =	vld.idx.msk [tilespmem:v61+s11+$0x0], $0xffff  }
0x6d: {  	v25 =	vor.u32 v12, v34;
	v26 =	vor.u32 v11, v42;
	v24 =	vld.idx.msk [tilespmem:v62+s11+$0x0], $0xffff;
	[tilespmem:v63+s26+$0x0] =	vst.idx.msk $0xffff, v55  }
0x6e: {  	v27 =	vor.u32 v13, v32;
	[tilespmem:v16+s26+$0x0] =	vst.idx.msk $0xffff, v56;
	v16 =	vld.idx.msk [tilespmem:v17+s11+$0x0], $0xffff;
	v17 =	vor.u32 v12, v43  }
0x6f: {  	v32 =	vor.u32 v14, v45;
	v45 =	vld.idx.msk [tilespmem:v46+s11+$0x0], $0xffff;
	v46 =	vor.u32 v13, v41;
	[tilespmem:v49+s26+$0x0] =	vst.idx.msk $0xffff, v57  }
0x70: {  	v38 =	vor.u32 v15, v38;
	v44 =	vor.u32 v14, v44;
	v47 =	vor.u32 v13, v35;
	v18 =	vld.idx.msk [tilespmem:v18+s11+$0x0], $0xffff  }
0x71: {  	[tilespmem:v21+s26+$0x0] =	vst.idx.msk $0xffff, v20;
	v20 =	vor.u32 v13, v40;
	v21 =	vor.u32 v15, v37  }
0x72: {  	v34 =	vor.u32 v14, v34;
	v40 =	vor.u32 v14, v39;
	v25 =	vld.idx.msk [tilespmem:v25+s11+$0x0], $0xffff;
	[tilespmem:v26+s26+$0x0] =	vst.idx.msk $0xffff, v23  }
0x73: {  	v23 =	vor.u32 v13, v33;
	[tilespmem:v27+s26+$0x0] =	vst.idx.msk $0xffff, v24;
	v17 =	vld.idx.msk [tilespmem:v17+s11+$0x0], $0xffff;
	v24 =	vor.u32 v14, v43  }
0x74: {  	v27 =	vor.u32 v11, v35;
	v26 =	vld.idx.msk [tilespmem:v32+s11+$0x0], $0xffff;
	v32 =	vor.u32 v12, v39;
	[tilespmem:v46+s26+$0x0] =	vst.idx.msk $0xffff, v16  }
0x75: {  	v35 =	vor.u32 v13, v42;
	v16 =	vor.u32 v12, v36;
	[tilespmem:v38+s26+$0x0] =	vst.idx.msk $0xffff, v45;
	v33 =	vld.idx.msk [tilespmem:v44+s11+$0x0], $0xffff  }
0x76: {  	s20 =	sadd.s32 $0x7, s19;
	v37 =	vadd.s32 s19, v0;
	v36 =	vmov s19;
	v38 =	vor.u32 v15, v41;
	[tilespmem:v21+s26+$0x0] =	vst.idx.msk $0xffff, v18  }
0x77: {  	s21 =	sadd.s32 $0x4, s19;
	s0 =	sadd.s32 $0x5, s19;
	s5 =	sadd.s32 $0x6, s19;
	v18 =	vand.u32 $0x30, v36;
	v21 =	vmov s20;
	v36 =	vadd.s32 s20, v0  }
0x78: {  	s16 =	sadd.s32 $0x2, s19;
	v37 =	vand.u32 $0xF, v37;
	v39 =	vmov s21;
	v41 =	vadd.s32 s21, v0;
	s20 =	sadd.s32 $0x1, s19;
	s19 =	sadd.s32 $0x3, s19;
	[tilespmem:v23+s26+$0x0] =	vst.idx.msk $0xffff, v25  }
0x79: {  	v21 =	vand.u32 $0x30, v21;
	v23 =	vadd.s32 s20, v0;
	v25 =	vadd.s32 s16, v0;
	[tilespmem:v27+s26+$0x0] =	vst.idx.msk $0xffff, v51;
	v27 =	vld.idx.msk [tilespmem:v32+s11+$0x0], $0xffff  }
0x7a: {  	v32 =	vor.u32 v18, v37;
	v18 =	vmov s20;
	v23 =	vand.u32 $0xF, v23;
	[tilespmem:v19+s26+$0x0] =	vst.idx.msk $0xffff, v26;
	v16 =	vld.idx.msk [tilespmem:v16+s11+$0x0], $0xffff  }
0x7b: {  	v42 =	vadd.s32 s5, v0;
	v19 =	vmov s16;
	v26 =	vmov s19;
	[tilespmem:v38+s26+$0x0] =	vst.idx.msk $0xffff, v33  }
0x7c: {  	v43 =	vmov s0;
	v19 =	vand.u32 $0x30, v19;
	v26 =	vand.u32 $0x30, v26;
	v44 =	vld.idx.msk [tilespmem:v34+s11+$0x0], $0xffff;
	[tilespmem:v35+s26+$0x0] =	vst.idx.msk $0xffff, v17  }
0x7d: {  	v17 =	vand.u32 $0x30, v18;
	v18 =	vand.u32 $0xF, v25;
	v25 =	vadd.s32 s0, v0;
	v24 =	vld.idx.msk [tilespmem:v24+s11+$0x0], $0xffff  }
0x7e: {  	v33 =	vor.u32 v17, v23;
	v17 =	vadd.s32 s19, v0;
	v23 =	vand.u32 $0xF, v36  }
0x7f: {  	v38 =	vor.u32 v19, v18;
	v34 =	vshll.u32 v33, $0x7;
	v37 =	vor.u32 v21, v23;
	[tilespmem:v20+s26+$0x0] =	vst.idx.msk $0xffff, v27  }
0x80: {  	v19 =	vand.u32 $0x30, v39;
	v18 =	vor.u32 v0, v34;
	v20 =	vand.u32 $0x30, v43;
	[tilespmem:v47+s26+$0x0] =	vst.idx.msk $0xffff, v16;
	v16 =	vld.idx.msk [tilespmem:v40+s11+$0x0], $0xffff  }
0x81: {  	v17 =	vand.u32 $0xF, v17;
	v21 =	vand.u32 $0xF, v41;
	v23 =	vmov s5;
	v22 =	vld.idx.msk [tilespmem:v22+s11+$0x0], $0xffff  }
0x82: {  	v35 =	vor.u32 v26, v17;
	v17 =	vand.u32 $0xF, v42;
	v40 =	vor.u32 v19, v21;
	[tilespmem:v52+s26+$0x0] =	vst.idx.msk $0xffff, v44  }
0x83: {  	v51 =	vshll.u32 v38, $0x7;
	v36 =	vshll.u32 v35, $0x7;
	v19 =	vand.u32 $0x30, v23;
	[tilespmem:v53+s26+$0x0] =	vst.idx.msk $0xffff, v24  }
0x84: {  	v21 =	vor.u32 v0, v51;
	v23 =	vor.u32 v0, v36;
	v39 =	vshll.u32 v40, $0x7  }
0x85: {  	v25 =	vand.u32 $0xF, v25;
	v42 =	vor.u32 v19, v17;
	v24 =	vor.u32 v0, v39;
	v18 =	vld.idx.msk [tilespmem:v18+s11+$0x0], $0xffff  }
0x86: {  	v46 =	vor.u32 v14, v51;
	v17 =	vor.u32 v1, v33;
	v43 =	vshll.u32 v42, $0x7;
	[tilespmem:v50+s26+$0x0] =	vst.idx.msk $0xffff, v16  }
0x87: {  	v41 =	vor.u32 v20, v25;
	v47 =	vshll.u32 v37, $0x7;
	v16 =	vor.u32 v2, v34;
	[tilespmem:v48+s26+$0x0] =	vst.idx.msk $0xffff, v22  }
0x88: {  	v45 =	vshll.u32 v32, $0x7;
	v19 =	vor.u32 v0, v47;
	v44 =	vshll.u32 v41, $0x7  }
0x89: {  	v20 =	vor.u32 v0, v45;
	v25 =	vor.u32 v0, v44;
	v22 =	vor.u32 v1, v35;
	v21 =	vld.idx.msk [tilespmem:v21+s11+$0x0], $0xffff  }
0x8a: {  	v49 =	vor.u32 v13, v37;
	v26 =	vor.u32 v2, v36;
	v27 =	vor.u32 v0, v43;
	v24 =	vld.idx.msk [tilespmem:v24+s11+$0x0], $0xffff  }
0x8b: {  	[tilespmem:v17+s26+$0x0] =	vst.idx.msk $0xffff, v18;
	v17 =	vor.u32 v1, v38  }
0x8c: {  	v18 =	vor.u32 v2, v51;
	v23 =	vld.idx.msk [tilespmem:v23+s11+$0x0], $0xffff  }
0x8d: {  	v19 =	vld.idx.msk [tilespmem:v19+s11+$0x0], $0xffff  }
0x8e: {  	v50 =	vor.u32 v1, v37;
	v48 =	vor.u32 v1, v40;
	v16 =	vld.idx.msk [tilespmem:v16+s11+$0x0], $0xffff  }
0x8f: {  	v52 =	vor.u32 v2, v39;
	v53 =	vor.u32 v2, v47;
	v25 =	vld.idx.msk [tilespmem:v25+s11+$0x0], $0xffff  }
0x90: {  	v20 =	vld.idx.msk [tilespmem:v20+s11+$0x0], $0xffff;
	[tilespmem:v17+s26+$0x0] =	vst.idx.msk $0xffff, v21;
	v17 =	vor.u32 v3, v35;
	v21 =	vor.u32 v1, v41  }
0x91: {  	v54 =	vor.u32 v3, v33;
	v55 =	vor.u32 v4, v36;
	v56 =	vor.u32 v2, v44;
	v18 =	vld.idx.msk [tilespmem:v18+s11+$0x0], $0xffff  }
0x92: {  	v57 =	vor.u32 v1, v32;
	v58 =	vor.u32 v4, v34;
	[tilespmem:v22+s26+$0x0] =	vst.idx.msk $0xffff, v23;
	v22 =	vld.idx.msk [tilespmem:v27+s11+$0x0], $0xffff  }
0x93: {  	v23 =	vor.u32 v2, v45;
	v27 =	vor.u32 v3, v38;
	v26 =	vld.idx.msk [tilespmem:v26+s11+$0x0], $0xffff;
	[tilespmem:v50+s26+$0x0] =	vst.idx.msk $0xffff, v19  }
0x94: {  	v19 =	vor.u32 v4, v51;
	[tilespmem:v48+s26+$0x0] =	vst.idx.msk $0xffff, v24;
	v24 =	vor.u32 v1, v42;
	v50 =	vld.idx.msk [tilespmem:v53+s11+$0x0], $0xffff  }
0x95: {  	v52 =	vld.idx.msk [tilespmem:v52+s11+$0x0], $0xffff;
	[tilespmem:v21+s26+$0x0] =	vst.idx.msk $0xffff, v25;
	v21 =	vor.u32 v2, v43;
	v25 =	vor.u32 v3, v37  }
0x96: {  	[tilespmem:v54+s26+$0x0] =	vst.idx.msk $0xffff, v16;
	v16 =	vor.u32 v3, v40;
	v53 =	vld.idx.msk [tilespmem:v56+s11+$0x0], $0xffff;
	v54 =	vor.u32 v4, v47  }
0x97: {  	v56 =	vor.u32 v4, v39;
	[tilespmem:v57+s26+$0x0] =	vst.idx.msk $0xffff, v20;
	v20 =	vld.idx.msk [tilespmem:v58+s11+$0x0], $0xffff  }
0x98: {  	v48 =	vor.u32 v15, v35;
	v57 =	vor.u32 v5, v33;
	v23 =	vld.idx.msk [tilespmem:v23+s11+$0x0], $0xffff;
	[tilespmem:v27+s26+$0x0] =	vst.idx.msk $0xffff, v18  }
0x99: {  	v18 =	vor.u32 v3, v32;
	v27 =	vor.u32 v6, v34;
	v19 =	vld.idx.msk [tilespmem:v19+s11+$0x0], $0xffff;
	[tilespmem:v24+s26+$0x0] =	vst.idx.msk $0xffff, v22  }
0x9a: {  	v22 =	vor.u32 v4, v45;
	v24 =	vor.u32 v3, v41;
	v21 =	vld.idx.msk [tilespmem:v21+s11+$0x0], $0xffff;
	[tilespmem:v25+s26+$0x0] =	vst.idx.msk $0xffff, v50  }
0x9b: {  	v25 =	vor.u32 v5, v38;
	[tilespmem:v16+s26+$0x0] =	vst.idx.msk $0xffff, v52;
	v16 =	vor.u32 v4, v44;
	v50 =	vld.idx.msk [tilespmem:v54+s11+$0x0], $0xffff  }
0x9c: {  	v52 =	vor.u32 v6, v51;
	[tilespmem:v17+s26+$0x0] =	vst.idx.msk $0xffff, v26;
	v17 =	vld.idx.msk [tilespmem:v56+s11+$0x0], $0xffff;
	v26 =	vor.u32 v3, v42  }
0x9d: {  	v54 =	vor.u32 v4, v43;
	[tilespmem:v57+s26+$0x0] =	vst.idx.msk $0xffff, v20;
	v20 =	vld.idx.msk [tilespmem:v55+s11+$0x0], $0xffff;
	v55 =	vor.u32 v5, v37  }
0x9e: {  	[tilespmem:v18+s26+$0x0] =	vst.idx.msk $0xffff, v23;
	v18 =	vld.idx.msk [tilespmem:v27+s11+$0x0], $0xffff;
	v23 =	vor.u32 v5, v40;
	v27 =	vor.u32 v6, v47  }
0x9f: {  	v56 =	vor.u32 v5, v35;
	v57 =	vor.u32 v6, v39;
	v22 =	vld.idx.msk [tilespmem:v22+s11+$0x0], $0xffff;
	[tilespmem:v24+s26+$0x0] =	vst.idx.msk $0xffff, v53  }
0xa0: {  	v24 =	vor.u32 v7, v33;
	[tilespmem:v25+s26+$0x0] =	vst.idx.msk $0xffff, v19;
	v19 =	vor.u32 v6, v36;
	v16 =	vld.idx.msk [tilespmem:v16+s11+$0x0], $0xffff  }
0xa1: {  	v53 =	vor.u32 v8, v34;
	v25 =	vor.u32 v5, v32;
	v58 =	vld.idx.msk [tilespmem:v52+s11+$0x0], $0xffff;
	[tilespmem:v26+s26+$0x0] =	vst.idx.msk $0xffff, v21  }
0xa2: {  	v21 =	vor.u32 v6, v45;
	v26 =	vor.u32 v5, v41;
	v54 =	vld.idx.msk [tilespmem:v54+s11+$0x0], $0xffff;
	[tilespmem:v55+s26+$0x0] =	vst.idx.msk $0xffff, v50  }
0xa3: {  	v50 =	vor.u32 v7, v38;
	[tilespmem:v23+s26+$0x0] =	vst.idx.msk $0xffff, v17;
	v17 =	vor.u32 v6, v44;
	v23 =	vld.idx.msk [tilespmem:v27+s11+$0x0], $0xffff  }
0xa4: {  	v55 =	vor.u32 v7, v37;
	v27 =	vor.u32 v8, v51;
	[tilespmem:v56+s26+$0x0] =	vst.idx.msk $0xffff, v20;
	v20 =	vld.idx.msk [tilespmem:v57+s11+$0x0], $0xffff  }
0xa5: {  	[tilespmem:v24+s26+$0x0] =	vst.idx.msk $0xffff, v18;
	v18 =	vld.idx.msk [tilespmem:v19+s11+$0x0], $0xffff;
	v19 =	vor.u32 v7, v40;
	v24 =	vor.u32 v8, v47  }
0xa6: {  	[tilespmem:v25+s26+$0x0] =	vst.idx.msk $0xffff, v22;
	v52 =	vld.idx.msk [tilespmem:v53+s11+$0x0], $0xffff;
	v22 =	vor.u32 v7, v35;
	v25 =	vor.u32 v8, v39  }
0xa7: {  	v53 =	vor.u32 v8, v36;
	v21 =	vld.idx.msk [tilespmem:v21+s11+$0x0], $0xffff;
	[tilespmem:v26+s26+$0x0] =	vst.idx.msk $0xffff, v16;
	v16 =	vor.u32 v5, v42  }
0xa8: {  	v26 =	vor.u32 v7, v32;
	[tilespmem:v50+s26+$0x0] =	vst.idx.msk $0xffff, v58;
	v17 =	vld.idx.msk [tilespmem:v17+s11+$0x0], $0xffff;
	v50 =	vor.u32 v6, v43  }
0xa9: {  	v56 =	vor.u32 v8, v45;
	v57 =	vor.u32 v7, v41;
	v27 =	vld.idx.msk [tilespmem:v27+s11+$0x0], $0xffff;
	[tilespmem:v55+s26+$0x0] =	vst.idx.msk $0xffff, v23  }
0xaa: {  	v23 =	vor.u32 v9, v38;
	[tilespmem:v19+s26+$0x0] =	vst.idx.msk $0xffff, v20;
	v19 =	vor.u32 v8, v44;
	v20 =	vld.idx.msk [tilespmem:v24+s11+$0x0], $0xffff  }
0xab: {  	v24 =	vor.u32 v10, v51;
	[tilespmem:v22+s26+$0x0] =	vst.idx.msk $0xffff, v18;
	v18 =	vld.idx.msk [tilespmem:v25+s11+$0x0], $0xffff;
	v22 =	vor.u32 v9, v37  }
0xac: {  	v25 =	vld.idx.msk [tilespmem:v53+s11+$0x0], $0xffff;
	v53 =	vor.u32 v9, v40;
	[tilespmem:v16+s26+$0x0] =	vst.idx.msk $0xffff, v54;
	v16 =	vor.u32 v10, v47  }
0xad: {  	[tilespmem:v26+s26+$0x0] =	vst.idx.msk $0xffff, v21;
	v21 =	vor.u32 v9, v35;
	v26 =	vor.u32 v10, v39;
	v50 =	vld.idx.msk [tilespmem:v50+s11+$0x0], $0xffff  }
0xae: {  	v55 =	vor.u32 v10, v36;
	v54 =	vld.idx.msk [tilespmem:v56+s11+$0x0], $0xffff;
	[tilespmem:v57+s26+$0x0] =	vst.idx.msk $0xffff, v17;
	v17 =	vor.u32 v7, v42  }
0xaf: {  	v56 =	vor.u32 v9, v32;
	[tilespmem:v23+s26+$0x0] =	vst.idx.msk $0xffff, v27;
	v19 =	vld.idx.msk [tilespmem:v19+s11+$0x0], $0xffff;
	v23 =	vor.u32 v8, v43  }
0xb0: {  	v57 =	vor.u32 v9, v41;
	v27 =	vor.u32 v10, v45;
	v24 =	vld.idx.msk [tilespmem:v24+s11+$0x0], $0xffff;
	[tilespmem:v22+s26+$0x0] =	vst.idx.msk $0xffff, v20  }
0xb1: {  	v20 =	vor.u32 v11, v38;
	v22 =	vor.u32 v10, v44;
	[tilespmem:v53+s26+$0x0] =	vst.idx.msk $0xffff, v18;
	v16 =	vld.idx.msk [tilespmem:v16+s11+$0x0], $0xffff  }
0xb2: {  	v63 =	vor.u32 v12, v51;
	[tilespmem:v21+s26+$0x0] =	vst.idx.msk $0xffff, v25;
	v21 =	vld.idx.msk [tilespmem:v26+s11+$0x0], $0xffff;
	v25 =	vor.u32 v11, v37  }
0xb3: {  	v28 =	vor.u32 v12, v47;
	v26 =	vor.u32 v11, v40;
	v51 =	vld.idx.msk [tilespmem:v55+s11+$0x0], $0xffff;
	[tilespmem:v17+s26+$0x0] =	vst.idx.msk $0xffff, v50  }
.Ltmp4:
0xb4: {  	v58 =	vor.u32 v9, v33;
	v50 =	vor.u32 v15, v40;
	[tilespmem:v56+s26+$0x0] =	vst.idx.msk $0xffff, v54;
	v53 =	vld.idx.msk [tilespmem:v23+s11+$0x0], $0xffff;
	(pc) =	sbr.rel @p2 .LBB2_3-.Ltmp4, $4  }
0xb5: {  	v59 =	vor.u32 v10, v34;
	v18 =	vor.u32 v9, v42;
	v54 =	vld.idx.msk [tilespmem:v27+s11+$0x0], $0xffff;
	[tilespmem:v57+s26+$0x0] =	vst.idx.msk $0xffff, v19  }
0xb6: {  	v60 =	vor.u32 v11, v32;
	v61 =	vor.u32 v10, v43;
	[tilespmem:v20+s26+$0x0] =	vst.idx.msk $0xffff, v24;
	v55 =	vld.idx.msk [tilespmem:v22+s11+$0x0], $0xffff  }
0xb7: {  	v62 =	vor.u32 v12, v45;
	v56 =	vld.idx.msk [tilespmem:v63+s11+$0x0], $0xffff;
	v63 =	vor.u32 v11, v41;
	[tilespmem:v25+s26+$0x0] =	vst.idx.msk $0xffff, v16  }
0xb8: {  	v17 =	vor.u32 v12, v44;
	v16 =	vor.u32 v13, v38;
	[tilespmem:v26+s26+$0x0] =	vst.idx.msk $0xffff, v21;
	v57 =	vld.idx.msk [tilespmem:v28+s11+$0x0], $0xffff  }
0xb9: {  	_ =	sdelay $0x3  }
0xba: {  	[tilespmem:v58+s26+$0x0] =	vst.idx.msk $0xffff, v52  }
0xbb: {  	[tilespmem:v18+s26+$0x0] =	vst.idx.msk $0xffff, v53;
	v19 =	vor.u32 v11, v33;
	v18 =	vld.idx.msk [tilespmem:v59+s11+$0x0], $0xffff  }
0xbc: {  	v27 =	vor.u32 v11, v35;
	v28 =	vor.u32 v12, v39;
	[tilespmem:v60+s26+$0x0] =	vst.idx.msk $0xffff, v54  }
0xbd: {  	v20 =	vor.u32 v14, v47;
	v22 =	vor.u32 v11, v42;
	v21 =	vld.idx.msk [tilespmem:v61+s11+$0x0], $0xffff;
	[tilespmem:v63+s26+$0x0] =	vst.idx.msk $0xffff, v55  }
0xbe: {  	v24 =	vor.u32 v12, v34;
	v25 =	vor.u32 v13, v32;
	v23 =	vld.idx.msk [tilespmem:v62+s11+$0x0], $0xffff;
	[tilespmem:v16+s26+$0x0] =	vst.idx.msk $0xffff, v56  }
0xbf: {  	v26 =	vor.u32 v13, v41;
	v16 =	vld.idx.msk [tilespmem:v17+s11+$0x0], $0xffff;
	v17 =	vor.u32 v12, v43;
	[tilespmem:v49+s26+$0x0] =	vst.idx.msk $0xffff, v57  }
0xc0: {  	v63 =	vor.u32 v12, v36;
	[tilespmem:v19+s26+$0x0] =	vst.idx.msk $0xffff, v18;
	v18 =	vld.idx.msk [tilespmem:v46+s11+$0x0], $0xffff;
	v19 =	vor.u32 v15, v38  }
0xc1: {  	[tilespmem:v27+s26+$0x0] =	vst.idx.msk $0xffff, v51;
	v27 =	vor.u32 v13, v40;
	v28 =	vld.idx.msk [tilespmem:v28+s11+$0x0], $0xffff  }
0xc2: {  	v20 =	vld.idx.msk [tilespmem:v20+s11+$0x0], $0xffff;
	[tilespmem:v22+s26+$0x0] =	vst.idx.msk $0xffff, v21;
	v21 =	vor.u32 v14, v45;
	v22 =	vor.u32 v15, v37  }
0xc3: {  	[tilespmem:v25+s26+$0x0] =	vst.idx.msk $0xffff, v23;
	v23 =	vor.u32 v14, v44;
	v24 =	vld.idx.msk [tilespmem:v24+s11+$0x0], $0xffff;
	v25 =	vor.u32 v13, v33  }
0xc4: {  	[tilespmem:v26+s26+$0x0] =	vst.idx.msk $0xffff, v16;
	v16 =	vor.u32 v14, v34;
	v17 =	vld.idx.msk [tilespmem:v17+s11+$0x0], $0xffff;
	v26 =	vor.u32 v13, v42  }
0xc5: {  	v45 =	vld.idx.msk [tilespmem:v63+s11+$0x0], $0xffff;
	[tilespmem:v19+s26+$0x0] =	vst.idx.msk $0xffff, v18;
	v18 =	vor.u32 v13, v35;
	v19 =	vor.u32 v14, v39  }
0xc6: {  	[tilespmem:v27+s26+$0x0] =	vst.idx.msk $0xffff, v28  }
0xc7: {  	[tilespmem:v22+s26+$0x0] =	vst.idx.msk $0xffff, v20;
	v21 =	vld.idx.msk [tilespmem:v21+s11+$0x0], $0xffff  }
0xc8: {  	[tilespmem:v25+s26+$0x0] =	vst.idx.msk $0xffff, v24;
	v23 =	vld.idx.msk [tilespmem:v23+s11+$0x0], $0xffff  }
0xc9: {  	v22 =	vor.u32 v15, v32;
	v16 =	vld.idx.msk [tilespmem:v16+s11+$0x0], $0xffff;
	[tilespmem:v26+s26+$0x0] =	vst.idx.msk $0xffff, v17  }
0xca: {  	v44 =	vor.u32 v14, v43;
	v24 =	vor.u32 v15, v41;
	[tilespmem:v18+s26+$0x0] =	vst.idx.msk $0xffff, v45;
	v18 =	vld.idx.msk [tilespmem:v19+s11+$0x0], $0xffff  }
0xcb: {  	v19 =	vld [tilespmem:$0x1FF50]  }
0xcc: {  	v47 =	vor.u32 v15, v33;
	v20 =	vld [tilespmem:$0x1FF60];
	_ =	sdelay $0x1  }
0xcd: {  	[tilespmem:v22+s26+$0x0] =	vst.idx.msk $0xffff, v21  }
0xce: {  	v26 =	vld.idx.msk [tilespmem:v44+s11+$0x0], $0xffff;
	[tilespmem:v24+s26+$0x0] =	vst.idx.msk $0xffff, v23  }
0xcf: {  	v17 =	vor.u32 v15, v42;
	v21 =	vld [tilespmem:$0x1FF80]  }
0xd0: {  	v20 =	vor.u32 v20, v19;
	v19 =	vld [tilespmem:$0x1FF70];
	[tilespmem:v47+s26+$0x0] =	vst.idx.msk $0xffff, v16  }
0xd1: {  	v16 =	vld [tilespmem:$0x1FFB0];
	_ =	sdelay $0x2  }
0xd2: {  	v46 =	vor.u32 v14, v36;
	[tilespmem:v17+s26+$0x0] =	vst.idx.msk $0xffff, v26  }
0xd3: {  	v17 =	vld [tilespmem:$0x1FFD0]  }
0xd4: {  	v24 =	vor.u32 v16, v29;
	v16 =	vld [tilespmem:$0x1FFC0];
	_ =	sdelay $0x2  }
0xd5: {  	v22 =	vld.idx.msk [tilespmem:v46+s11+$0x0], $0xffff;
	[tilespmem:v50+s26+$0x0] =	vst.idx.msk $0xffff, v18  }
0xd6: {  	v18 =	vld [tilespmem:$0x1FFA0]  }
0xd7: {  	v25 =	vshll.u32 v20, $0x7;
	v32 =	vor.u32 v19, v21;
	v19 =	vor.u32 v16, v17;
	v16 =	vld [tilespmem:$0x1FF90]  }
0xd8: {  	v23 =	vor.u32 v0, v25  }
0xd9: {  	v34 =	vshll.u32 v32, $0x7  }
0xda: {  	v17 =	vor.u32 v0, v34  }
0xdb: {  	[tilespmem:v48+s26+$0x0] =	vst.idx.msk $0xffff, v22  }
0xdc: {  	v26 =	vor.u32 v16, v18;
	v16 =	vld [tilespmem:$0x1FFE0]  }
0xdd: {  	v49 =	vld.idx.msk [tilespmem:v23+s22+$0x0], $0xffff  }
0xde: {  	v21 =	vshll.u32 v24, $0x7;
	v23 =	vld [tilespmem:$0x1FF40]  }
0xdf: {  	v27 =	vor.u32 v0, v21;
	v18 =	vshll.u32 v19, $0x7;
	v52 =	vld.idx.msk [tilespmem:v17+s22+$0x0], $0xffff  }
0xe0: {  	v17 =	vld [tilespmem:$0x1FFF0];
	v48 =	vor.u32 v0, v18  }
0xe1: {  	v50 =	vor.u32 v1, v20;
	v22 =	vor.u32 v16, v30;
	v16 =	vld [tilespmem:$0x1FF30]  }
0xe2: {  	v51 =	vor.u32 v2, v25;
	v33 =	vshll.u32 v26, $0x7  }
0xe3: {  	v30 =	vor.u32 v0, v33;
	v28 =	vshll.u32 v22, $0x7  }
0xe4: {  	v54 =	vor.u32 v1, v32;
	v56 =	vor.u32 v2, v34;
	v41 =	vld.idx.msk [tilespmem:v27+s22+$0x0], $0xffff;
	v53 =	vor.u32 v0, v28  }
0xe5: {  	v60 =	vor.u32 v1, v24;
	v55 =	vor.u32 v1, v19;
	v17 =	vor.u32 v31, v17;
	v35 =	vld.idx.msk [tilespmem:v48+s22+$0x0], $0xffff  }
0xe6: {  	v59 =	vor.u32 v2, v18;
	[tilespmem:v50+s28+$0x0] =	vst.idx.msk $0xffff, v49;
	v16 =	vor.u32 v16, v23;
	v23 =	vshll.u32 v17, $0x7  }
0xe7: {  	v38 =	vld.idx.msk [tilespmem:v51+s22+$0x0], $0xffff;
	v29 =	vshll.u32 v16, $0x7;
	v57 =	vor.u32 v0, v23  }
0xe8: {  	v58 =	vor.u32 v1, v26;
	v30 =	vld.idx.msk [tilespmem:v30+s22+$0x0], $0xffff;
	v31 =	vor.u32 v0, v29  }
0xe9: {  	v61 =	vor.u32 v2, v33;
	[tilespmem:v54+s28+$0x0] =	vst.idx.msk $0xffff, v52;
	v62 =	vor.u32 v1, v22;
	v40 =	vld.idx.msk [tilespmem:v53+s22+$0x0], $0xffff  }
0xea: {  	v63 =	vor.u32 v2, v21;
	v42 =	vld.idx.msk [tilespmem:v56+s22+$0x0], $0xffff;
	v56 =	vor.u32 v3, v32;
	[tilespmem:v55+s28+$0x0] =	vst.idx.msk $0xffff, v35  }
0xeb: {  	v52 =	vor.u32 v3, v20;
	[tilespmem:v60+s28+$0x0] =	vst.idx.msk $0xffff, v41;
	v60 =	vor.u32 v4, v34;
	v36 =	vld.idx.msk [tilespmem:v59+s22+$0x0], $0xffff  }
0xec: {  	v45 =	vor.u32 v9, v32;
	v53 =	vor.u32 v2, v28;
	v59 =	vor.u32 v1, v17;
	v43 =	vld.idx.msk [tilespmem:v57+s22+$0x0], $0xffff  }
0xed: {  	v54 =	vor.u32 v1, v16;
	v55 =	vor.u32 v4, v25;
	[tilespmem:v58+s28+$0x0] =	vst.idx.msk $0xffff, v30;
	v31 =	vld.idx.msk [tilespmem:v31+s22+$0x0], $0xffff  }
0xee: {  	v61 =	vld.idx.msk [tilespmem:v61+s22+$0x0], $0xffff;
	v57 =	vor.u32 v2, v23;
	[tilespmem:v62+s28+$0x0] =	vst.idx.msk $0xffff, v40;
	v62 =	vor.u32 v3, v26  }
0xef: {  	v47 =	vld.idx.msk [tilespmem:v63+s22+$0x0], $0xffff;
	v63 =	vor.u32 v3, v19;
	[tilespmem:v56+s28+$0x0] =	vst.idx.msk $0xffff, v42;
	v30 =	vor.u32 v2, v29  }
0xf0: {  	[tilespmem:v52+s28+$0x0] =	vst.idx.msk $0xffff, v38;
	v52 =	vor.u32 v4, v33;
	v41 =	vld.idx.msk [tilespmem:v60+s22+$0x0], $0xffff;
	v58 =	vor.u32 v3, v24  }
0xf1: {  	v60 =	vor.u32 v3, v22;
	v44 =	vld.idx.msk [tilespmem:v53+s22+$0x0], $0xffff;
	v53 =	vor.u32 v4, v21;
	[tilespmem:v59+s28+$0x0] =	vst.idx.msk $0xffff, v43  }
0xf2: {  	[tilespmem:v54+s28+$0x0] =	vst.idx.msk $0xffff, v31;
	v31 =	vld.idx.msk [tilespmem:v55+s22+$0x0], $0xffff;
	v54 =	vor.u32 v5, v20;
	v55 =	vor.u32 v4, v18  }
0xf3: {  	[tilespmem:v62+s28+$0x0] =	vst.idx.msk $0xffff, v61;
	v46 =	vld.idx.msk [tilespmem:v57+s22+$0x0], $0xffff;
	v62 =	vor.u32 v5, v32;
	v57 =	vor.u32 v4, v28  }
0xf4: {  	v56 =	vor.u32 v3, v16;
	[tilespmem:v63+s28+$0x0] =	vst.idx.msk $0xffff, v36;
	v59 =	vor.u32 v6, v25;
	v30 =	vld.idx.msk [tilespmem:v30+s22+$0x0], $0xffff  }
0xf5: {  	v27 =	vor.u32 v14, v34;
	[tilespmem:v58+s28+$0x0] =	vst.idx.msk $0xffff, v47;
	v58 =	vld.idx.msk [tilespmem:v52+s22+$0x0], $0xffff;
	v52 =	vor.u32 v6, v34  }
0xf6: {  	v63 =	vor.u32 v3, v17;
	v61 =	vor.u32 v4, v29;
	v35 =	vld.idx.msk [tilespmem:v53+s22+$0x0], $0xffff;
	[tilespmem:v60+s28+$0x0] =	vst.idx.msk $0xffff, v44  }
0xf7: {  	v53 =	vor.u32 v4, v23;
	[tilespmem:v54+s28+$0x0] =	vst.idx.msk $0xffff, v31;
	v31 =	vor.u32 v5, v26;
	v42 =	vld.idx.msk [tilespmem:v55+s22+$0x0], $0xffff  }
0xf8: {  	v54 =	vor.u32 v6, v33;
	v55 =	vor.u32 v5, v19;
	[tilespmem:v62+s28+$0x0] =	vst.idx.msk $0xffff, v41;
	v38 =	vld.idx.msk [tilespmem:v57+s22+$0x0], $0xffff  }
0xf9: {  	v60 =	vor.u32 v6, v18;
	[tilespmem:v56+s28+$0x0] =	vst.idx.msk $0xffff, v30;
	v30 =	vor.u32 v5, v24;
	v37 =	vld.idx.msk [tilespmem:v59+s22+$0x0], $0xffff  }
0xfa: {  	v48 =	vor.u32 v10, v25;
	v56 =	vor.u32 v6, v21;
	v59 =	vor.u32 v7, v20;
	v39 =	vld.idx.msk [tilespmem:v52+s22+$0x0], $0xffff  }
0xfb: {  	[tilespmem:v63+s28+$0x0] =	vst.idx.msk $0xffff, v46;
	v62 =	vor.u32 v8, v25;
	v40 =	vld.idx.msk [tilespmem:v61+s22+$0x0], $0xffff;
	v61 =	vor.u32 v5, v16  }
0xfc: {  	v47 =	vld.idx.msk [tilespmem:v53+s22+$0x0], $0xffff;
	v52 =	vor.u32 v7, v32;
	[tilespmem:v31+s28+$0x0] =	vst.idx.msk $0xffff, v58;
	v31 =	vor.u32 v6, v29  }
0xfd: {  	v63 =	vor.u32 v5, v22;
	[tilespmem:v55+s28+$0x0] =	vst.idx.msk $0xffff, v42;
	v58 =	vor.u32 v8, v34;
	v53 =	vld.idx.msk [tilespmem:v54+s22+$0x0], $0xffff  }
0xfe: {  	v57 =	vor.u32 v7, v26;
	[tilespmem:v30+s28+$0x0] =	vst.idx.msk $0xffff, v35;
	v30 =	vor.u32 v6, v28;
	v41 =	vld.idx.msk [tilespmem:v60+s22+$0x0], $0xffff  }
0xff: {  	v55 =	vor.u32 v7, v19;
	[tilespmem:v59+s28+$0x0] =	vst.idx.msk $0xffff, v37;
	v54 =	vor.u32 v8, v33;
	v43 =	vld.idx.msk [tilespmem:v56+s22+$0x0], $0xffff  }
0x100: {  	v59 =	vor.u32 v7, v24;
	[tilespmem:v61+s28+$0x0] =	vst.idx.msk $0xffff, v40;
	v36 =	vld.idx.msk [tilespmem:v62+s22+$0x0], $0xffff;
	v61 =	vor.u32 v8, v18  }
0x101: {  	v60 =	vor.u32 v5, v17;
	[tilespmem:v52+s28+$0x0] =	vst.idx.msk $0xffff, v39;
	v56 =	vor.u32 v8, v21;
	v31 =	vld.idx.msk [tilespmem:v31+s22+$0x0], $0xffff  }
0x102: {  	[tilespmem:v63+s28+$0x0] =	vst.idx.msk $0xffff, v38;
	v63 =	vor.u32 v6, v23;
	v62 =	vor.u32 v7, v16;
	v42 =	vld.idx.msk [tilespmem:v58+s22+$0x0], $0xffff  }
0x103: {  	v52 =	vor.u32 v7, v22;
	v30 =	vld.idx.msk [tilespmem:v30+s22+$0x0], $0xffff;
	[tilespmem:v57+s28+$0x0] =	vst.idx.msk $0xffff, v53;
	v53 =	vor.u32 v8, v29  }
0x104: {  	v50 =	vor.u32 v9, v17;
	v37 =	vor.u32 v8, v28;
	[tilespmem:v55+s28+$0x0] =	vst.idx.msk $0xffff, v41;
	v57 =	vld.idx.msk [tilespmem:v54+s22+$0x0], $0xffff  }
0x105: {  	v58 =	vor.u32 v9, v26;
	[tilespmem:v59+s28+$0x0] =	vst.idx.msk $0xffff, v43;
	v59 =	vor.u32 v10, v34;
	v38 =	vld.idx.msk [tilespmem:v61+s22+$0x0], $0xffff  }
0x106: {  	v55 =	vor.u32 v9, v24;
	[tilespmem:v60+s28+$0x0] =	vst.idx.msk $0xffff, v47;
	v54 =	vld.idx.msk [tilespmem:v56+s22+$0x0], $0xffff;
	v56 =	vor.u32 v10, v33  }
0x107: {  	v60 =	vor.u32 v9, v19;
	v61 =	vor.u32 v10, v21;
	v39 =	vld.idx.msk [tilespmem:v63+s22+$0x0], $0xffff;
	[tilespmem:v62+s28+$0x0] =	vst.idx.msk $0xffff, v31  }
0x108: {  	v63 =	vor.u32 v7, v17;
	v62 =	vor.u32 v10, v18;
	[tilespmem:v52+s28+$0x0] =	vst.idx.msk $0xffff, v30;
	v49 =	vld.idx.msk [tilespmem:v53+s22+$0x0], $0xffff  }
0x109: {  	[tilespmem:v45+s28+$0x0] =	vst.idx.msk $0xffff, v42;
	v42 =	vor.u32 v9, v16;
	v45 =	vld.idx.msk [tilespmem:v37+s22+$0x0], $0xffff;
	v37 =	vor.u32 v8, v23  }
0x10a: {  	v40 =	vor.u32 v10, v29;
	[tilespmem:v58+s28+$0x0] =	vst.idx.msk $0xffff, v57;
	v41 =	vld.idx.msk [tilespmem:v59+s22+$0x0], $0xffff;
	v57 =	vor.u32 v9, v22  }
0x10b: {  	v58 =	vor.u32 v11, v32;
	v59 =	vor.u32 v10, v28;
	[tilespmem:v55+s28+$0x0] =	vst.idx.msk $0xffff, v54;
	v46 =	vld.idx.msk [tilespmem:v56+s22+$0x0], $0xffff  }
0x10c: {  	[tilespmem:v60+s28+$0x0] =	vst.idx.msk $0xffff, v38;
	v60 =	vor.u32 v12, v34;
	v53 =	vld.idx.msk [tilespmem:v61+s22+$0x0], $0xffff;
	v61 =	vor.u32 v11, v26  }
0x10d: {  	[tilespmem:v63+s28+$0x0] =	vst.idx.msk $0xffff, v39;
	v63 =	vor.u32 v12, v33;
	v35 =	vld.idx.msk [tilespmem:v62+s22+$0x0], $0xffff;
	v62 =	vor.u32 v11, v24  }
0x10e: {  	v44 =	vor.u32 v10, v23;
	[tilespmem:v42+s28+$0x0] =	vst.idx.msk $0xffff, v49;
	v42 =	vor.u32 v9, v20;
	v37 =	vld.idx.msk [tilespmem:v37+s22+$0x0], $0xffff  }
0x10f: {  	v47 =	vor.u32 v13, v32;
	v43 =	vor.u32 v11, v16;
	v38 =	vld.idx.msk [tilespmem:v40+s22+$0x0], $0xffff;
	[tilespmem:v57+s28+$0x0] =	vst.idx.msk $0xffff, v45  }
0x110: {  	v31 =	vor.u32 v13, v26;
	v30 =	vor.u32 v15, v19;
	[tilespmem:v58+s28+$0x0] =	vst.idx.msk $0xffff, v41;
	v39 =	vld.idx.msk [tilespmem:v59+s22+$0x0], $0xffff  }
0x111: {  	v45 =	vor.u32 v12, v29;
	v40 =	vld.idx.msk [tilespmem:v60+s22+$0x0], $0xffff;
	[tilespmem:v61+s28+$0x0] =	vst.idx.msk $0xffff, v46;
	v46 =	vor.u32 v11, v22  }
0x112: {  	s11 =	simm.s32 $0x8;
	v34 =	vor.u32 v15, v24;
	v49 =	vor.u32 v12, v28;
	[tilespmem:v62+s28+$0x0] =	vst.idx.msk $0xffff, v53;
	v41 =	vld.idx.msk [tilespmem:v63+s22+$0x0], $0xffff  }
.LBB2_5:
0x113: {  	p2 =	slt.u32 s11, $0x38;
	v51 =	vor.u32 v15, v16;
	[tilespmem:v42+s28+$0x0] =	vst.idx.msk $0xffff, v36;
	v36 =	vor.u32 v15, v20;
	s12 =	smov.u32 s11;
	s11 =	sadd.s32 $0x8, s11  }
0x114: {  	v33 =	vor.u32 v14, v33;
	v42 =	vld.idx.msk [tilespmem:v48+s22+$0x0], $0xffff;
	[tilespmem:v50+s28+$0x0] =	vst.idx.msk $0xffff, v37;
	v37 =	vor.u32 v15, v17  }
0x115: {  	[tilespmem:v43+s28+$0x0] =	vst.idx.msk $0xffff, v38;
	v38 =	vor.u32 v11, v20;
	v43 =	vor.u32 v14, v18;
	v44 =	vld.idx.msk [tilespmem:v44+s22+$0x0], $0xffff  }
0x116: {  	v48 =	vor.u32 v12, v25;
	v45 =	vld.idx.msk [tilespmem:v45+s22+$0x0], $0xffff;
	[tilespmem:v46+s28+$0x0] =	vst.idx.msk $0xffff, v39;
	v39 =	vor.u32 v11, v17  }
0x117: {  	v16 =	vor.u32 v13, v16;
	v46 =	vor.u32 v12, v23;
	[tilespmem:v47+s28+$0x0] =	vst.idx.msk $0xffff, v40;
	v40 =	vld.idx.msk [tilespmem:v49+s22+$0x0], $0xffff  }
0x118: {  	v29 =	vor.u32 v14, v29;
	v47 =	vor.u32 v13, v22;
	v27 =	vld.idx.msk [tilespmem:v27+s22+$0x0], $0xffff;
	[tilespmem:v31+s28+$0x0] =	vst.idx.msk $0xffff, v41  }
0x119: {  	v28 =	vor.u32 v14, v28;
	v31 =	vor.u32 v15, v32;
	v41 =	vor.u32 v13, v19;
	v32 =	vld.idx.msk [tilespmem:v33+s22+$0x0], $0xffff  }
0x11a: {  	v24 =	vor.u32 v13, v24;
	v26 =	vor.u32 v15, v26;
	[tilespmem:v38+s28+$0x0] =	vst.idx.msk $0xffff, v42  }
0x11b: {  	v25 =	vor.u32 v14, v25;
	v38 =	vor.u32 v14, v21;
	v33 =	vld.idx.msk [tilespmem:v48+s22+$0x0], $0xffff;
	[tilespmem:v39+s28+$0x0] =	vst.idx.msk $0xffff, v44  }
0x11c: {  	v23 =	vor.u32 v14, v23;
	[tilespmem:v16+s28+$0x0] =	vst.idx.msk $0xffff, v45;
	v16 =	vor.u32 v13, v20;
	v20 =	vld.idx.msk [tilespmem:v46+s22+$0x0], $0xffff  }
0x11d: {  	v19 =	vor.u32 v11, v19;
	v21 =	vor.u32 v12, v21;
	v29 =	vld.idx.msk [tilespmem:v29+s22+$0x0], $0xffff;
	[tilespmem:v47+s28+$0x0] =	vst.idx.msk $0xffff, v40  }
0x11e: {  	v18 =	vor.u32 v12, v18;
	v17 =	vor.u32 v13, v17;
	[tilespmem:v31+s28+$0x0] =	vst.idx.msk $0xffff, v27;
	v27 =	vld.idx.msk [tilespmem:v28+s22+$0x0], $0xffff  }
0x11f: {  	s0 =	sadd.s32 $0x7, s12;
	v22 =	vor.u32 v15, v22;
	v28 =	vmov s12;
	v31 =	vadd.s32 s12, v0;
	[tilespmem:v26+s28+$0x0] =	vst.idx.msk $0xffff, v32  }
0x120: {  	s5 =	sadd.s32 $0x4, s12;
	s16 =	sadd.s32 $0x5, s12;
	s19 =	sadd.s32 $0x6, s12;
	v26 =	vand.u32 $0x30, v28;
	v28 =	vmov s0;
	v32 =	vadd.s32 s0, v0  }
0x121: {  	s20 =	sadd.s32 $0x2, s12;
	v39 =	vmov s5;
	v40 =	vadd.s32 s5, v0;
	v31 =	vand.u32 $0xF, v31;
	s0 =	sadd.s32 $0x1, s12;
	s12 =	sadd.s32 $0x3, s12;
	[tilespmem:v16+s28+$0x0] =	vst.idx.msk $0xffff, v33  }
0x122: {  	v42 =	vadd.s32 s20, v0;
	v28 =	vand.u32 $0x30, v28;
	v33 =	vadd.s32 s0, v0;
	[tilespmem:v19+s28+$0x0] =	vst.idx.msk $0xffff, v35;
	v19 =	vld.idx.msk [tilespmem:v21+s22+$0x0], $0xffff  }
0x123: {  	v16 =	vor.u32 v26, v31;
	v21 =	vmov s0;
	v26 =	vand.u32 $0xF, v33;
	[tilespmem:v51+s28+$0x0] =	vst.idx.msk $0xffff, v29;
	v18 =	vld.idx.msk [tilespmem:v18+s22+$0x0], $0xffff  }
0x124: {  	v31 =	vmov s12;
	v33 =	vadd.s32 s19, v0;
	v29 =	vmov s20;
	[tilespmem:v22+s28+$0x0] =	vst.idx.msk $0xffff, v27  }
0x125: {  	v22 =	vand.u32 $0x30, v29;
	v27 =	vand.u32 $0x30, v31;
	v29 =	vmov s16;
	v31 =	vld.idx.msk [tilespmem:v25+s22+$0x0], $0xffff;
	[tilespmem:v17+s28+$0x0] =	vst.idx.msk $0xffff, v20  }
0x126: {  	v17 =	vand.u32 $0x30, v21;
	v21 =	vand.u32 $0xF, v42;
	v42 =	vadd.s32 s16, v0;
	v23 =	vld.idx.msk [tilespmem:v23+s22+$0x0], $0xffff  }
0x127: {  	v20 =	vor.u32 v17, v26;
	v17 =	vadd.s32 s12, v0;
	v26 =	vand.u32 $0xF, v32  }
0x128: {  	v32 =	vor.u32 v22, v21;
	v25 =	vshll.u32 v20, $0x7;
	v26 =	vor.u32 v28, v26;
	[tilespmem:v24+s28+$0x0] =	vst.idx.msk $0xffff, v19  }
0x129: {  	v21 =	vand.u32 $0x30, v39;
	v28 =	vand.u32 $0x30, v29;
	v22 =	vor.u32 v0, v25;
	[tilespmem:v41+s28+$0x0] =	vst.idx.msk $0xffff, v18;
	v29 =	vld.idx.msk [tilespmem:v38+s22+$0x0], $0xffff  }
0x12a: {  	v17 =	vand.u32 $0xF, v17;
	v18 =	vand.u32 $0xF, v40;
	v38 =	vmov s19;
	v39 =	vld.idx.msk [tilespmem:v43+s22+$0x0], $0xffff  }
0x12b: {  	v19 =	vor.u32 v27, v17;
	v17 =	vand.u32 $0xF, v33;
	v24 =	vor.u32 v21, v18;
	[tilespmem:v36+s28+$0x0] =	vst.idx.msk $0xffff, v31  }
0x12c: {  	v35 =	vshll.u32 v32, $0x7;
	v18 =	vshll.u32 v19, $0x7;
	v27 =	vand.u32 $0x30, v38;
	[tilespmem:v37+s28+$0x0] =	vst.idx.msk $0xffff, v23  }
0x12d: {  	v31 =	vor.u32 v0, v35;
	v36 =	vor.u32 v0, v18;
	v21 =	vshll.u32 v24, $0x7  }
0x12e: {  	v17 =	vor.u32 v27, v17;
	v38 =	vor.u32 v0, v21;
	v37 =	vld.idx.msk [tilespmem:v22+s22+$0x0], $0xffff;
	v22 =	vand.u32 $0xF, v42  }
0x12f: {  	v40 =	vor.u32 v1, v20;
	v27 =	vor.u32 v14, v35;
	v23 =	vshll.u32 v17, $0x7;
	[tilespmem:v34+s28+$0x0] =	vst.idx.msk $0xffff, v29  }
0x130: {  	v33 =	vshll.u32 v26, $0x7;
	v34 =	vor.u32 v2, v25;
	v22 =	vor.u32 v28, v22;
	[tilespmem:v30+s28+$0x0] =	vst.idx.msk $0xffff, v39  }
0x131: {  	v29 =	vshll.u32 v16, $0x7;
	v28 =	vshll.u32 v22, $0x7;
	v30 =	vor.u32 v0, v33  }
0x132: {  	v42 =	vor.u32 v1, v19;
	v39 =	vor.u32 v0, v29;
	v43 =	vor.u32 v0, v28;
	v41 =	vld.idx.msk [tilespmem:v31+s22+$0x0], $0xffff  }
0x133: {  	v44 =	vor.u32 v2, v18;
	v45 =	vor.u32 v0, v23;
	v31 =	vor.u32 v13, v26;
	v38 =	vld.idx.msk [tilespmem:v38+s22+$0x0], $0xffff  }
0x134: {  	[tilespmem:v40+s28+$0x0] =	vst.idx.msk $0xffff, v37;
	v37 =	vor.u32 v1, v32  }
0x135: {  	v40 =	vor.u32 v2, v35;
	v36 =	vld.idx.msk [tilespmem:v36+s22+$0x0], $0xffff  }
0x136: {  	v30 =	vld.idx.msk [tilespmem:v30+s22+$0x0], $0xffff  }
0x137: {  	v47 =	vor.u32 v1, v26;
	v46 =	vor.u32 v1, v24;
	v34 =	vld.idx.msk [tilespmem:v34+s22+$0x0], $0xffff  }
0x138: {  	v49 =	vor.u32 v2, v33;
	v48 =	vor.u32 v2, v21;
	v43 =	vld.idx.msk [tilespmem:v43+s22+$0x0], $0xffff  }
0x139: {  	v39 =	vld.idx.msk [tilespmem:v39+s22+$0x0], $0xffff;
	[tilespmem:v37+s28+$0x0] =	vst.idx.msk $0xffff, v41;
	v37 =	vor.u32 v3, v19;
	v41 =	vor.u32 v1, v22  }
0x13a: {  	v50 =	vor.u32 v3, v20;
	v51 =	vor.u32 v4, v18;
	v52 =	vor.u32 v2, v28;
	v40 =	vld.idx.msk [tilespmem:v40+s22+$0x0], $0xffff  }
0x13b: {  	v53 =	vor.u32 v1, v16;
	v54 =	vor.u32 v4, v25;
	[tilespmem:v42+s28+$0x0] =	vst.idx.msk $0xffff, v36;
	v36 =	vld.idx.msk [tilespmem:v45+s22+$0x0], $0xffff  }
0x13c: {  	v42 =	vor.u32 v2, v29;
	v45 =	vor.u32 v3, v32;
	v44 =	vld.idx.msk [tilespmem:v44+s22+$0x0], $0xffff;
	[tilespmem:v47+s28+$0x0] =	vst.idx.msk $0xffff, v30  }
0x13d: {  	v47 =	vor.u32 v4, v35;
	[tilespmem:v46+s28+$0x0] =	vst.idx.msk $0xffff, v38;
	v38 =	vor.u32 v1, v17;
	v46 =	vld.idx.msk [tilespmem:v49+s22+$0x0], $0xffff  }
0x13e: {  	v48 =	vld.idx.msk [tilespmem:v48+s22+$0x0], $0xffff;
	[tilespmem:v41+s28+$0x0] =	vst.idx.msk $0xffff, v43;
	v41 =	vor.u32 v2, v23;
	v43 =	vor.u32 v3, v26  }
0x13f: {  	[tilespmem:v50+s28+$0x0] =	vst.idx.msk $0xffff, v34;
	v34 =	vor.u32 v3, v24;
	v49 =	vld.idx.msk [tilespmem:v52+s22+$0x0], $0xffff;
	v50 =	vor.u32 v4, v33  }
0x140: {  	v52 =	vor.u32 v4, v21;
	[tilespmem:v53+s28+$0x0] =	vst.idx.msk $0xffff, v39;
	v39 =	vld.idx.msk [tilespmem:v54+s22+$0x0], $0xffff  }
0x141: {  	v30 =	vor.u32 v15, v19;
	v53 =	vor.u32 v5, v20;
	v42 =	vld.idx.msk [tilespmem:v42+s22+$0x0], $0xffff;
	[tilespmem:v45+s28+$0x0] =	vst.idx.msk $0xffff, v40  }
0x142: {  	v40 =	vor.u32 v3, v16;
	v45 =	vor.u32 v6, v25;
	v47 =	vld.idx.msk [tilespmem:v47+s22+$0x0], $0xffff;
	[tilespmem:v38+s28+$0x0] =	vst.idx.msk $0xffff, v36  }
0x143: {  	v36 =	vor.u32 v4, v29;
	v38 =	vor.u32 v3, v22;
	v41 =	vld.idx.msk [tilespmem:v41+s22+$0x0], $0xffff;
	[tilespmem:v43+s28+$0x0] =	vst.idx.msk $0xffff, v46  }
0x144: {  	v43 =	vor.u32 v5, v32;
	[tilespmem:v34+s28+$0x0] =	vst.idx.msk $0xffff, v48;
	v34 =	vor.u32 v4, v28;
	v46 =	vld.idx.msk [tilespmem:v50+s22+$0x0], $0xffff  }
0x145: {  	v48 =	vor.u32 v6, v35;
	[tilespmem:v37+s28+$0x0] =	vst.idx.msk $0xffff, v44;
	v37 =	vld.idx.msk [tilespmem:v52+s22+$0x0], $0xffff;
	v44 =	vor.u32 v3, v17  }
0x146: {  	v50 =	vor.u32 v4, v23;
	[tilespmem:v53+s28+$0x0] =	vst.idx.msk $0xffff, v39;
	v39 =	vld.idx.msk [tilespmem:v51+s22+$0x0], $0xffff;
	v51 =	vor.u32 v5, v26  }
0x147: {  	[tilespmem:v40+s28+$0x0] =	vst.idx.msk $0xffff, v42;
	v40 =	vld.idx.msk [tilespmem:v45+s22+$0x0], $0xffff;
	v42 =	vor.u32 v5, v24;
	v45 =	vor.u32 v6, v33  }
0x148: {  	v52 =	vor.u32 v5, v19;
	v53 =	vor.u32 v6, v21;
	v36 =	vld.idx.msk [tilespmem:v36+s22+$0x0], $0xffff;
	[tilespmem:v38+s28+$0x0] =	vst.idx.msk $0xffff, v49  }
0x149: {  	v38 =	vor.u32 v7, v20;
	[tilespmem:v43+s28+$0x0] =	vst.idx.msk $0xffff, v47;
	v43 =	vor.u32 v6, v18;
	v34 =	vld.idx.msk [tilespmem:v34+s22+$0x0], $0xffff  }
0x14a: {  	v49 =	vor.u32 v8, v25;
	v47 =	vor.u32 v5, v16;
	v48 =	vld.idx.msk [tilespmem:v48+s22+$0x0], $0xffff;
	[tilespmem:v44+s28+$0x0] =	vst.idx.msk $0xffff, v41  }
0x14b: {  	v41 =	vor.u32 v6, v29;
	v44 =	vor.u32 v5, v22;
	v50 =	vld.idx.msk [tilespmem:v50+s22+$0x0], $0xffff;
	[tilespmem:v51+s28+$0x0] =	vst.idx.msk $0xffff, v46  }
0x14c: {  	v46 =	vor.u32 v7, v32;
	[tilespmem:v42+s28+$0x0] =	vst.idx.msk $0xffff, v37;
	v37 =	vor.u32 v6, v28;
	v42 =	vld.idx.msk [tilespmem:v45+s22+$0x0], $0xffff  }
0x14d: {  	v51 =	vor.u32 v7, v26;
	v45 =	vor.u32 v8, v35;
	[tilespmem:v52+s28+$0x0] =	vst.idx.msk $0xffff, v39;
	v39 =	vld.idx.msk [tilespmem:v53+s22+$0x0], $0xffff  }
0x14e: {  	[tilespmem:v38+s28+$0x0] =	vst.idx.msk $0xffff, v40;
	v38 =	vld.idx.msk [tilespmem:v43+s22+$0x0], $0xffff;
	v40 =	vor.u32 v7, v24;
	v43 =	vor.u32 v8, v33  }
0x14f: {  	[tilespmem:v47+s28+$0x0] =	vst.idx.msk $0xffff, v36;
	v36 =	vld.idx.msk [tilespmem:v49+s22+$0x0], $0xffff;
	v47 =	vor.u32 v7, v19;
	v49 =	vor.u32 v8, v21  }
0x150: {  	v52 =	vor.u32 v8, v18;
	v41 =	vld.idx.msk [tilespmem:v41+s22+$0x0], $0xffff;
	[tilespmem:v44+s28+$0x0] =	vst.idx.msk $0xffff, v34;
	v34 =	vor.u32 v5, v17  }
0x151: {  	v44 =	vor.u32 v7, v16;
	[tilespmem:v46+s28+$0x0] =	vst.idx.msk $0xffff, v48;
	v37 =	vld.idx.msk [tilespmem:v37+s22+$0x0], $0xffff;
	v46 =	vor.u32 v6, v23  }
0x152: {  	v53 =	vor.u32 v7, v22;
	v48 =	vor.u32 v8, v29;
	v45 =	vld.idx.msk [tilespmem:v45+s22+$0x0], $0xffff;
	[tilespmem:v51+s28+$0x0] =	vst.idx.msk $0xffff, v42  }
0x153: {  	v42 =	vor.u32 v9, v32;
	[tilespmem:v40+s28+$0x0] =	vst.idx.msk $0xffff, v39;
	v39 =	vor.u32 v8, v28;
	v40 =	vld.idx.msk [tilespmem:v43+s22+$0x0], $0xffff  }
0x154: {  	v43 =	vor.u32 v10, v35;
	[tilespmem:v47+s28+$0x0] =	vst.idx.msk $0xffff, v38;
	v38 =	vld.idx.msk [tilespmem:v49+s22+$0x0], $0xffff;
	v47 =	vor.u32 v9, v26  }
0x155: {  	v51 =	vor.u32 v9, v24;
	v49 =	vld.idx.msk [tilespmem:v52+s22+$0x0], $0xffff;
	[tilespmem:v34+s28+$0x0] =	vst.idx.msk $0xffff, v50;
	v34 =	vor.u32 v10, v33  }
0x156: {  	[tilespmem:v44+s28+$0x0] =	vst.idx.msk $0xffff, v41;
	v41 =	vor.u32 v9, v19;
	v44 =	vor.u32 v10, v21;
	v46 =	vld.idx.msk [tilespmem:v46+s22+$0x0], $0xffff  }
0x157: {  	v50 =	vor.u32 v10, v18;
	v48 =	vld.idx.msk [tilespmem:v48+s22+$0x0], $0xffff;
	[tilespmem:v53+s28+$0x0] =	vst.idx.msk $0xffff, v37;
	v37 =	vor.u32 v7, v17  }
0x158: {  	v52 =	vor.u32 v9, v16;
	[tilespmem:v42+s28+$0x0] =	vst.idx.msk $0xffff, v45;
	v39 =	vld.idx.msk [tilespmem:v39+s22+$0x0], $0xffff;
	v45 =	vor.u32 v8, v23  }
0x159: {  	v53 =	vor.u32 v10, v29;
	v54 =	vld.idx.msk [tilespmem:v43+s22+$0x0], $0xffff;
	v43 =	vor.u32 v9, v22;
	[tilespmem:v47+s28+$0x0] =	vst.idx.msk $0xffff, v40  }
0x15a: {  	v40 =	vor.u32 v11, v32;
	v47 =	vor.u32 v10, v28;
	[tilespmem:v51+s28+$0x0] =	vst.idx.msk $0xffff, v38;
	v51 =	vld.idx.msk [tilespmem:v34+s22+$0x0], $0xffff  }
0x15b: {  	v55 =	vor.u32 v12, v35;
	[tilespmem:v41+s28+$0x0] =	vst.idx.msk $0xffff, v49;
	v41 =	vld.idx.msk [tilespmem:v44+s22+$0x0], $0xffff;
	v49 =	vor.u32 v11, v26  }
0x15c: {  	v57 =	vor.u32 v12, v33;
	v56 =	vor.u32 v11, v24;
	v35 =	vld.idx.msk [tilespmem:v50+s22+$0x0], $0xffff;
	[tilespmem:v37+s28+$0x0] =	vst.idx.msk $0xffff, v46  }
.Ltmp5:
0x15d: {  	v42 =	vor.u32 v9, v20;
	v34 =	vor.u32 v15, v24;
	[tilespmem:v52+s28+$0x0] =	vst.idx.msk $0xffff, v48;
	v37 =	vld.idx.msk [tilespmem:v45+s22+$0x0], $0xffff;
	(pc) =	sbr.rel @p2 .LBB2_5-.Ltmp5, $4  }
0x15e: {  	v50 =	vor.u32 v9, v17;
	v48 =	vor.u32 v10, v25;
	v38 =	vld.idx.msk [tilespmem:v53+s22+$0x0], $0xffff;
	[tilespmem:v43+s28+$0x0] =	vst.idx.msk $0xffff, v39  }
0x15f: {  	v44 =	vor.u32 v10, v23;
	v43 =	vor.u32 v11, v16;
	[tilespmem:v40+s28+$0x0] =	vst.idx.msk $0xffff, v54;
	v39 =	vld.idx.msk [tilespmem:v47+s22+$0x0], $0xffff  }
0x160: {  	v46 =	vor.u32 v11, v22;
	v45 =	vor.u32 v12, v29;
	v40 =	vld.idx.msk [tilespmem:v55+s22+$0x0], $0xffff;
	[tilespmem:v49+s28+$0x0] =	vst.idx.msk $0xffff, v51  }
0x161: {  	v47 =	vor.u32 v13, v32;
	v49 =	vor.u32 v12, v28;
	[tilespmem:v56+s28+$0x0] =	vst.idx.msk $0xffff, v41;
	v41 =	vld.idx.msk [tilespmem:v57+s22+$0x0], $0xffff  }
0x162: {  	_ =	sdelay $0x3  }
0x163: {  	[tilespmem:v42+s28+$0x0] =	vst.idx.msk $0xffff, v36  }
0x164: {  	[tilespmem:v50+s28+$0x0] =	vst.idx.msk $0xffff, v37;
	v56 =	vor.u32 v11, v20;
	v36 =	vld.idx.msk [tilespmem:v48+s22+$0x0], $0xffff  }
0x165: {  	v33 =	vor.u32 v14, v33;
	v58 =	vor.u32 v11, v17;
	[tilespmem:v43+s28+$0x0] =	vst.idx.msk $0xffff, v38;
	v57 =	vld.idx.msk [tilespmem:v44+s22+$0x0], $0xffff  }
0x166: {  	v60 =	vor.u32 v13, v16;
	v48 =	vor.u32 v12, v21;
	v43 =	vld.idx.msk [tilespmem:v45+s22+$0x0], $0xffff;
	[tilespmem:v46+s28+$0x0] =	vst.idx.msk $0xffff, v39  }
0x167: {  	v59 =	vor.u32 v12, v25;
	v63 =	vor.u32 v13, v22;
	[tilespmem:v47+s28+$0x0] =	vst.idx.msk $0xffff, v40;
	v61 =	vld.idx.msk [tilespmem:v49+s22+$0x0], $0xffff  }
0x168: {  	v62 =	vor.u32 v12, v23;
	v47 =	vor.u32 v11, v19;
	[tilespmem:v31+s28+$0x0] =	vst.idx.msk $0xffff, v41  }
0x169: {  	v32 =	vor.u32 v15, v32;
	v49 =	vor.u32 v12, v18;
	v27 =	vld.idx.msk [tilespmem:v27+s22+$0x0], $0xffff;
	[tilespmem:v56+s28+$0x0] =	vst.idx.msk $0xffff, v36  }
0x16a: {  	v29 =	vor.u32 v14, v29;
	v26 =	vor.u32 v15, v26;
	v33 =	vld.idx.msk [tilespmem:v33+s22+$0x0], $0xffff;
	[tilespmem:v58+s28+$0x0] =	vst.idx.msk $0xffff, v57  }
0x16b: {  	v28 =	vor.u32 v14, v28;
	v24 =	vor.u32 v13, v24;
	v55 =	vld.idx.msk [tilespmem:v48+s22+$0x0], $0xffff;
	[tilespmem:v60+s28+$0x0] =	vst.idx.msk $0xffff, v43  }
0x16c: {  	v50 =	vor.u32 v13, v20;
	v57 =	vor.u32 v14, v21;
	v37 =	vld.idx.msk [tilespmem:v59+s22+$0x0], $0xffff;
	[tilespmem:v63+s28+$0x0] =	vst.idx.msk $0xffff, v61  }
0x16d: {  	v51 =	vor.u32 v14, v25;
	v53 =	vor.u32 v13, v17;
	v52 =	vld.idx.msk [tilespmem:v62+s22+$0x0], $0xffff;
	[tilespmem:v47+s28+$0x0] =	vst.idx.msk $0xffff, v35  }
0x16e: {  	v54 =	vor.u32 v14, v23;
	v56 =	vor.u32 v13, v19;
	[tilespmem:v32+s28+$0x0] =	vst.idx.msk $0xffff, v27;
	v58 =	vld.idx.msk [tilespmem:v49+s22+$0x0], $0xffff  }
0x16f: {  	v16 =	vor.u32 v15, v16;
	v59 =	vor.u32 v14, v18;
	v29 =	vld.idx.msk [tilespmem:v29+s22+$0x0], $0xffff;
	[tilespmem:v26+s28+$0x0] =	vst.idx.msk $0xffff, v33  }
0x170: {  	v61 =	vor.u32 v15, v22;
	v60 =	vld.idx.msk [tilespmem:v28+s22+$0x0], $0xffff;
	[tilespmem:v24+s28+$0x0] =	vst.idx.msk $0xffff, v55  }
0x171: {  	[tilespmem:v50+s28+$0x0] =	vst.idx.msk $0xffff, v37;
	v63 =	vld.idx.msk [tilespmem:v57+s22+$0x0], $0xffff  }
0x172: {  	v62 =	vor.u32 v15, v20;
	[tilespmem:v53+s28+$0x0] =	vst.idx.msk $0xffff, v52;
	v25 =	vld.idx.msk [tilespmem:v51+s22+$0x0], $0xffff  }
0x173: {  	v17 =	vor.u32 v15, v17;
	v23 =	vld.idx.msk [tilespmem:v54+s22+$0x0], $0xffff;
	[tilespmem:v56+s28+$0x0] =	vst.idx.msk $0xffff, v58  }
0x174: {  	s0 =	sadd.s32 $0x2, s9;
	[tilespmem:v16+s28+$0x0] =	vst.idx.msk $0xffff, v29;
	v16 =	vld.idx.msk [tilespmem:v59+s22+$0x0], $0xffff  }
0x175: {  	p2 =	sge.u32 s0, s7;
	[tilespmem:v61+s28+$0x0] =	vst.idx.msk $0xffff, v60  }
0x176: {  	s0 =	sshll.u32 @!p2 s0, $0xF;
	[tilespmem:v34+s28+$0x0] =	vst.idx.msk $0xffff, v63  }
0x177: {  	s0 =	sor.u32 @!p2 s10, s0;
	[tilespmem:v62+s28+$0x0] =	vst.idx.msk $0xffff, v25  }
0x178: {  	s11 =	simm.s32 @!p2 $0x400;
	s0 =	sshrl.u32 @!p2 s0, $0x3;
	[tilespmem:v17+s28+$0x0] =	vst.idx.msk $0xffff, v23  }
0x179: {  	s12 =	simm.s32 @!p2 $0x7A1400;
	s16 =	simm.s32 @!p2 $0x0;
	s5 =	sadd.s32 @!p2 s1, s0;
	[tilespmem:v30+s28+$0x0] =	vst.idx.msk $0xffff, v16  }
0x17a: {  	[tilespmem:s16], [sflag:$0x1] =	stream.strided.gather @!p2 [hbm4b:s5+s11], $0x2000, s12, s11, $0x38;
	[tilespmem:$0x13000] =	vst v63  }
0x17b: {  	s0 =	sadd.s32 @!p2 s2, s0;
	s5 =	simm.s32 @!p2 $0x2000  }
0x17c: {  	[tilespmem:s5], [sflag:$0x1] =	stream.strided.gather @!p2 [hbm4b:s0+s11], $0x2000, s12, s11, $0x38;
	[tilespmem:$0x13000] =	vst v63  }
0x17d: {  	s20 =	sshll.u32 s8, $0x13;
	s11 =	sor.u32 $0x1, s9  }
0x17e: {  	s0 =	sor.u32 s14, s20;
	p2 =	sge.u32 s11, s7  }
.Ltmp6:
0x17f: {  	s0 =	sshrl.u32 s0, $0x3;
	(pc) =	sbr.rel @p2 .LBB2_12-.Ltmp6, $4  }
0x180: {  	s21 =	sadd.s32 s3, s0  }
0x181: {  	[hbm4b:s21+s6] =	stream.linear.scatter [tilespmem:s26], [sflag:$0x3], $0x2000, $0x38;
	[tilespmem:$0x13000] =	vst v63  }
0x182: {  	s0 =	sadd.s32 s4, s0  }
0x183: {  	[hbm4b:s0+s6] =	stream.linear.scatter [tilespmem:s28], [sflag:$0x3], $0x2000, $0x38;
	[tilespmem:$0x13000] =	vst v63  }
0x184: {  	s0 =	simm.s32 $0x0  }
0x185: {  	s20 =	simm.s32 $0x7;
	s5 =	simm.s32 $0x4;
	v16 =	vmov s0  }
0x186: {  	s21 =	simm.s32 $0x1;
	s12 =	simm.s32 @!p1 $0x4;
	s16 =	simm.s32 $0x2;
	v17 =	vadd.s32 s0, v0;
	v18 =	vadd.s32 s20, v0;
	v27 =	vadd.s32 s5, v0  }
0x187: {  	s19 =	simm.s32 $0x3;
	v19 =	vadd.s32 s21, v0;
	_ =	swait.ge @!p1 [sflag:s12], $0x2000;
	v22 =	vadd.s32 s16, v0;
	v20 =	vand.u32 $0x30, v16  }
0x188: {  	v23 =	vmov s19;
	v16 =	vmov s20;
	v21 =	vand.u32 $0xF, v17;
	[sflag:s12] =	ssyncset.done @!p1 $0x0;
	[tilespmem:$0x1FE60] =	vst v20  }
0x189: {  	v28 =	vadd.s32 s19, v0;
	v17 =	vmov s5;
	v24 =	vand.u32 $0x30, v16;
	[tilespmem:$0x1FE70] =	vst v21;
	[sflag:s12] =	ssyncadd.s32 @!p1 $0xFFFFE000  }
0x18a: {  	v32 =	vor.u32 v20, v21;
	v16 =	vmov s21;
	v20 =	vand.u32 $0xF, v19;
	_ =	swait.ge @!p1 [sflag:s12], $0x2000  }
0x18b: {  	s20 =	simm.s32 $0x6;
	v22 =	vand.u32 $0xF, v22;
	v18 =	vand.u32 $0xF, v18;
	v25 =	vand.u32 $0x30, v16;
	[sflag:s12] =	ssyncset.done @!p1 $0x0;
	[tilespmem:$0x1FE80] =	vst v20  }
0x18c: {  	v29 =	vand.u32 $0xF, v27;
	v19 =	vmov s16;
	v31 =	vadd.s32 s20, v0;
	[tilespmem:$0x1FE90] =	vst v25;
	[sflag:s12] =	ssyncadd.s32 @!p1 $0xFFFFE000  }
0x18d: {  	s21 =	simm.s32 $0x5;
	v17 =	vand.u32 $0x30, v17;
	v62 =	vand.u32 $0x30, v19;
	v19 =	vand.u32 $0x30, v23;
	_ =	swait.ge [sflag:s29], $0x2000  }
0x18e: {  	v63 =	vmov s21;
	v16 =	vadd.s32 s21, v0;
	v37 =	vor.u32 v24, v18;
	[tilespmem:$0x1FEA0] =	vst v62  }
0x18f: {  	v40 =	vor.u32 v17, v29;
	v33 =	vor.u32 v25, v20;
	v38 =	vor.u32 v62, v22;
	[tilespmem:$0x1FEB0] =	vst v22  }
0x190: {  	v20 =	vand.u32 $0x30, v63;
	v39 =	vshll.u32 v40, $0x7;
	v34 =	vshll.u32 v33, $0x7;
	[tilespmem:$0x1FEC0] =	vst v24  }
0x191: {  	v30 =	vand.u32 $0xF, v16;
	v50 =	vshll.u32 v38, $0x7;
	[tilespmem:$0x1FED0] =	vst v18;
	v18 =	vor.u32 v0, v34;
	[sflag:s29] =	ssyncset.done $0x0  }
0x192: {  	v41 =	vor.u32 v20, v30;
	v24 =	vand.u32 $0xF, v28;
	[tilespmem:$0x1FEE0] =	vst v17;
	v17 =	vor.u32 v0, v50;
	[sflag:s29] =	ssyncadd.s32 $0xFFFFE000  }
0x193: {  	v43 =	vor.u32 v0, v39;
	v44 =	vshll.u32 v41, $0x7;
	v35 =	vor.u32 v19, v24;
	_ =	swait.ge [sflag:s29], $0x2000  }
0x194: {  	v42 =	vmov s20;
	v51 =	vor.u32 v0, v44;
	v36 =	vshll.u32 v35, $0x7;
	[tilespmem:$0x1FEF0] =	vst v19;
	[sflag:s29] =	ssyncset.done $0x0  }
0x195: {  	v45 =	vshll.u32 v32, $0x7;
	v47 =	vshll.u32 v37, $0x7;
	[tilespmem:$0x1FF00] =	vst v24;
	v46 =	vor.u32 v0, v36;
	[sflag:s29] =	ssyncadd.s32 $0xFFFFE000  }
0x196: {  	v48 =	vor.u32 v0, v47;
	v19 =	vand.u32 $0xF, v31;
	v16 =	vld.idx.msk [tilespmem:v18+s23+$0x0], $0xffff;
	v18 =	vor.u32 v1, v33;
	[tilespmem:$0x1FF10] =	vst v20  }
0x197: {  	v52 =	vor.u32 v0, v45;
	v31 =	vand.u32 $0x30, v42;
	v17 =	vld.idx.msk [tilespmem:v17+s23+$0x0], $0xffff;
	[tilespmem:$0x1FF20] =	vst v19  }
0x198: {  	v54 =	vor.u32 v1, v38;
	v49 =	vor.u32 v2, v34;
	v42 =	vor.u32 v31, v19;
	v53 =	vld.idx.msk [tilespmem:v43+s23+$0x0], $0xffff  }
0x199: {  	v59 =	vor.u32 v1, v40;
	v56 =	vor.u32 v2, v50;
	v43 =	vshll.u32 v42, $0x7;
	v51 =	vld.idx.msk [tilespmem:v51+s23+$0x0], $0xffff  }
0x19a: {  	v55 =	vor.u32 v1, v35;
	v57 =	vld.idx.msk [tilespmem:v46+s23+$0x0], $0xffff;
	v58 =	vor.u32 v0, v43  }
0x19b: {  	v25 =	vor.u32 v2, v36;
	[tilespmem:v18+s30+$0x0] =	vst.idx.msk $0xffff, v16;
	v16 =	vld.idx.msk [tilespmem:v48+s23+$0x0], $0xffff;
	v18 =	vor.u32 v1, v37  }
0x19c: {  	v63 =	vor.u32 v1, v32;
	v60 =	vor.u32 v2, v47;
	v61 =	vor.u32 v1, v41;
	v52 =	vld.idx.msk [tilespmem:v52+s23+$0x0], $0xffff  }
0x19d: {  	v62 =	vor.u32 v2, v39;
	v49 =	vld.idx.msk [tilespmem:v49+s23+$0x0], $0xffff;
	[tilespmem:v54+s30+$0x0] =	vst.idx.msk $0xffff, v17;
	v17 =	vor.u32 v3, v33  }
0x19e: {  	v21 =	vor.u32 v3, v38;
	v54 =	vld.idx.msk [tilespmem:v56+s23+$0x0], $0xffff;
	v56 =	vor.u32 v2, v44;
	[tilespmem:v59+s30+$0x0] =	vst.idx.msk $0xffff, v53  }
0x19f: {  	v27 =	vor.u32 v12, v47;
	v26 =	vor.u32 v4, v34;
	[tilespmem:v55+s30+$0x0] =	vst.idx.msk $0xffff, v57;
	v57 =	vld.idx.msk [tilespmem:v58+s23+$0x0], $0xffff  }
0x1a0: {  	v23 =	vor.u32 v4, v50;
	v22 =	vor.u32 v1, v42;
	[tilespmem:v18+s30+$0x0] =	vst.idx.msk $0xffff, v16;
	v18 =	vld.idx.msk [tilespmem:v25+s23+$0x0], $0xffff  }
0x1a1: {  	v24 =	vor.u32 v3, v37;
	[tilespmem:v61+s30+$0x0] =	vst.idx.msk $0xffff, v51;
	v16 =	vor.u32 v2, v45;
	v59 =	vld.idx.msk [tilespmem:v60+s23+$0x0], $0xffff  }
0x1a2: {  	v25 =	vor.u32 v2, v43;
	v60 =	vld.idx.msk [tilespmem:v62+s23+$0x0], $0xffff;
	[tilespmem:v17+s30+$0x0] =	vst.idx.msk $0xffff, v49;
	v17 =	vor.u32 v3, v40  }
0x1a3: {  	[tilespmem:v63+s30+$0x0] =	vst.idx.msk $0xffff, v52;
	v49 =	vor.u32 v3, v35;
	v62 =	vor.u32 v4, v47;
	v56 =	vld.idx.msk [tilespmem:v56+s23+$0x0], $0xffff  }
0x1a4: {  	v52 =	vld.idx.msk [tilespmem:v26+s23+$0x0], $0xffff;
	v26 =	vor.u32 v5, v33;
	[tilespmem:v21+s30+$0x0] =	vst.idx.msk $0xffff, v54;
	v54 =	vor.u32 v4, v36  }
0x1a5: {  	[tilespmem:v22+s30+$0x0] =	vst.idx.msk $0xffff, v57;
	v22 =	vor.u32 v6, v34;
	v53 =	vld.idx.msk [tilespmem:v23+s23+$0x0], $0xffff;
	v23 =	vor.u32 v3, v41  }
0x1a6: {  	v55 =	vor.u32 v4, v39;
	v21 =	vor.u32 v3, v32;
	v16 =	vld.idx.msk [tilespmem:v16+s23+$0x0], $0xffff;
	[tilespmem:v24+s30+$0x0] =	vst.idx.msk $0xffff, v59  }
0x1a7: {  	v24 =	vor.u32 v4, v45;
	v59 =	vld.idx.msk [tilespmem:v25+s23+$0x0], $0xffff;
	v25 =	vor.u32 v5, v38;
	[tilespmem:v17+s30+$0x0] =	vst.idx.msk $0xffff, v60  }
0x1a8: {  	v17 =	vor.u32 v4, v44;
	[tilespmem:v49+s30+$0x0] =	vst.idx.msk $0xffff, v18;
	v18 =	vor.u32 v3, v42;
	v60 =	vld.idx.msk [tilespmem:v62+s23+$0x0], $0xffff  }
0x1a9: {  	v49 =	vor.u32 v6, v50;
	[tilespmem:v26+s30+$0x0] =	vst.idx.msk $0xffff, v52;
	v26 =	vor.u32 v5, v37;
	v54 =	vld.idx.msk [tilespmem:v54+s23+$0x0], $0xffff  }
0x1aa: {  	v62 =	vor.u32 v4, v43;
	v48 =	vld.idx.msk [tilespmem:v22+s23+$0x0], $0xffff;
	v22 =	vor.u32 v5, v35;
	[tilespmem:v23+s30+$0x0] =	vst.idx.msk $0xffff, v56  }
0x1ab: {  	v55 =	vld.idx.msk [tilespmem:v55+s23+$0x0], $0xffff;
	[tilespmem:v21+s30+$0x0] =	vst.idx.msk $0xffff, v16;
	v16 =	vor.u32 v5, v40;
	v21 =	vor.u32 v6, v47  }
0x1ac: {  	v56 =	vor.u32 v6, v39;
	v23 =	vor.u32 v7, v33;
	v51 =	vld.idx.msk [tilespmem:v24+s23+$0x0], $0xffff;
	[tilespmem:v25+s30+$0x0] =	vst.idx.msk $0xffff, v53  }
0x1ad: {  	v24 =	vor.u32 v6, v36;
	v17 =	vld.idx.msk [tilespmem:v17+s23+$0x0], $0xffff;
	v25 =	vor.u32 v5, v32;
	[tilespmem:v18+s30+$0x0] =	vst.idx.msk $0xffff, v59  }
0x1ae: {  	v18 =	vor.u32 v8, v34;
	v59 =	vor.u32 v5, v41;
	v49 =	vld.idx.msk [tilespmem:v49+s23+$0x0], $0xffff;
	[tilespmem:v26+s30+$0x0] =	vst.idx.msk $0xffff, v60  }
0x1af: {  	v19 =	vor.u32 v7, v38;
	v26 =	vor.u32 v6, v45;
	v62 =	vld.idx.msk [tilespmem:v62+s23+$0x0], $0xffff;
	[tilespmem:v22+s30+$0x0] =	vst.idx.msk $0xffff, v54  }
0x1b0: {  	[tilespmem:v16+s30+$0x0] =	vst.idx.msk $0xffff, v55;
	v16 =	vor.u32 v6, v44;
	v55 =	vld.idx.msk [tilespmem:v21+s23+$0x0], $0xffff;
	v21 =	vor.u32 v7, v37  }
0x1b1: {  	v22 =	vor.u32 v8, v50;
	[tilespmem:v23+s30+$0x0] =	vst.idx.msk $0xffff, v48;
	v23 =	vor.u32 v7, v40;
	v56 =	vld.idx.msk [tilespmem:v56+s23+$0x0], $0xffff  }
0x1b2: {  	v53 =	vld.idx.msk [tilespmem:v24+s23+$0x0], $0xffff;
	v24 =	vor.u32 v8, v47;
	[tilespmem:v25+s30+$0x0] =	vst.idx.msk $0xffff, v51;
	v25 =	vor.u32 v7, v35  }
0x1b3: {  	v52 =	vld.idx.msk [tilespmem:v18+s23+$0x0], $0xffff;
	v18 =	vor.u32 v8, v39;
	[tilespmem:v59+s30+$0x0] =	vst.idx.msk $0xffff, v17;
	v17 =	vor.u32 v5, v42  }
0x1b4: {  	v61 =	vor.u32 v7, v32;
	v59 =	vld.idx.msk [tilespmem:v26+s23+$0x0], $0xffff;
	v26 =	vor.u32 v8, v36;
	[tilespmem:v19+s30+$0x0] =	vst.idx.msk $0xffff, v49  }
0x1b5: {  	v63 =	vor.u32 v7, v41;
	v19 =	vor.u32 v6, v43;
	v16 =	vld.idx.msk [tilespmem:v16+s23+$0x0], $0xffff;
	[tilespmem:v21+s30+$0x0] =	vst.idx.msk $0xffff, v55  }
0x1b6: {  	v54 =	vor.u32 v8, v45;
	v21 =	vld.idx.msk [tilespmem:v22+s23+$0x0], $0xffff;
	v22 =	vor.u32 v9, v38;
	[tilespmem:v23+s30+$0x0] =	vst.idx.msk $0xffff, v56  }
0x1b7: {  	v51 =	vor.u32 v9, v37;
	v23 =	vor.u32 v8, v44;
	v56 =	vld.idx.msk [tilespmem:v24+s23+$0x0], $0xffff;
	[tilespmem:v25+s30+$0x0] =	vst.idx.msk $0xffff, v53  }
0x1b8: {  	v24 =	vor.u32 v10, v50;
	v25 =	vor.u32 v9, v40;
	[tilespmem:v17+s30+$0x0] =	vst.idx.msk $0xffff, v62;
	v18 =	vld.idx.msk [tilespmem:v18+s23+$0x0], $0xffff  }
0x1b9: {  	v17 =	vld.idx.msk [tilespmem:v26+s23+$0x0], $0xffff;
	v26 =	vor.u32 v10, v47;
	[tilespmem:v61+s30+$0x0] =	vst.idx.msk $0xffff, v59;
	v59 =	vor.u32 v9, v35  }
0x1ba: {  	v62 =	vor.u32 v7, v42;
	v61 =	vor.u32 v10, v39;
	v19 =	vld.idx.msk [tilespmem:v19+s23+$0x0], $0xffff;
	[tilespmem:v63+s30+$0x0] =	vst.idx.msk $0xffff, v16  }
0x1bb: {  	v46 =	vor.u32 v14, v50;
	v20 =	vor.u32 v8, v43;
	v16 =	vld.idx.msk [tilespmem:v54+s23+$0x0], $0xffff;
	[tilespmem:v22+s30+$0x0] =	vst.idx.msk $0xffff, v21  }
0x1bc: {  	v55 =	vor.u32 v9, v32;
	v54 =	vor.u32 v10, v36;
	v63 =	vld.idx.msk [tilespmem:v23+s23+$0x0], $0xffff;
	[tilespmem:v51+s30+$0x0] =	vst.idx.msk $0xffff, v56  }
0x1bd: {  	v22 =	vor.u32 v9, v41;
	v56 =	vor.u32 v10, v45;
	v21 =	vld.idx.msk [tilespmem:v24+s23+$0x0], $0xffff;
	[tilespmem:v25+s30+$0x0] =	vst.idx.msk $0xffff, v18  }
0x1be: {  	v57 =	vor.u32 v11, v38;
	v23 =	vor.u32 v10, v44;
	v24 =	vld.idx.msk [tilespmem:v26+s23+$0x0], $0xffff;
	[tilespmem:v59+s30+$0x0] =	vst.idx.msk $0xffff, v17  }
0x1bf: {  	v17 =	vor.u32 v12, v50;
	v26 =	vor.u32 v11, v37;
	[tilespmem:v62+s30+$0x0] =	vst.idx.msk $0xffff, v19;
	v25 =	vld.idx.msk [tilespmem:v61+s23+$0x0], $0xffff  }
0x1c0: {  	v58 =	vor.u32 v9, v33;
	v60 =	vor.u32 v11, v32;
	v19 =	vor.u32 v11, v40;
	v53 =	vld.idx.msk [tilespmem:v20+s23+$0x0], $0xffff  }
0x1c1: {  	v48 =	vor.u32 v15, v35;
	v49 =	vor.u32 v13, v37;
	v51 =	vld.idx.msk [tilespmem:v54+s23+$0x0], $0xffff;
	[tilespmem:v55+s30+$0x0] =	vst.idx.msk $0xffff, v16  }
0x1c2: {  	v59 =	vor.u32 v10, v34;
	v18 =	vor.u32 v9, v42;
	v54 =	vld.idx.msk [tilespmem:v56+s23+$0x0], $0xffff;
	[tilespmem:v22+s30+$0x0] =	vst.idx.msk $0xffff, v63  }
0x1c3: {  	v50 =	vor.u32 v15, v40;
	v61 =	vor.u32 v10, v43;
	[tilespmem:v57+s30+$0x0] =	vst.idx.msk $0xffff, v21;
	v55 =	vld.idx.msk [tilespmem:v23+s23+$0x0], $0xffff  }
0x1c4: {  	v62 =	vor.u32 v12, v45;
	v16 =	vor.u32 v11, v41;
	[tilespmem:v26+s30+$0x0] =	vst.idx.msk $0xffff, v24;
	v56 =	vld.idx.msk [tilespmem:v17+s23+$0x0], $0xffff  }
0x1c5: {  	s12 =	simm.s32 $0x8;
	v63 =	vor.u32 v13, v38;
	v17 =	vor.u32 v12, v44;
	[tilespmem:v19+s30+$0x0] =	vst.idx.msk $0xffff, v25;
	v57 =	vld.idx.msk [tilespmem:v27+s23+$0x0], $0xffff  }
.LBB2_8:
0x1c6: {  	p1 =	slt.u32 s12, $0x38;
	v19 =	vor.u32 v15, v32;
	[tilespmem:v58+s30+$0x0] =	vst.idx.msk $0xffff, v52;
	v52 =	vor.u32 v15, v33;
	s19 =	smov.u32 s12;
	s12 =	sadd.s32 $0x8, s12  }
0x1c7: {  	v20 =	vld.idx.msk [tilespmem:v59+s23+$0x0], $0xffff;
	[tilespmem:v18+s30+$0x0] =	vst.idx.msk $0xffff, v53;
	v53 =	vor.u32 v15, v42;
	v18 =	vor.u32 v14, v47  }
0x1c8: {  	v21 =	vor.u32 v11, v33;
	v22 =	vor.u32 v14, v36;
	[tilespmem:v60+s30+$0x0] =	vst.idx.msk $0xffff, v54;
	v23 =	vld.idx.msk [tilespmem:v61+s23+$0x0], $0xffff  }
0x1c9: {  	v25 =	vor.u32 v12, v34;
	v24 =	vld.idx.msk [tilespmem:v62+s23+$0x0], $0xffff;
	[tilespmem:v16+s30+$0x0] =	vst.idx.msk $0xffff, v55;
	v16 =	vor.u32 v11, v42  }
0x1ca: {  	v26 =	vor.u32 v13, v32;
	v27 =	vor.u32 v12, v43;
	[tilespmem:v63+s30+$0x0] =	vst.idx.msk $0xffff, v56;
	v17 =	vld.idx.msk [tilespmem:v17+s23+$0x0], $0xffff  }
0x1cb: {  	v32 =	vor.u32 v14, v45;
	v45 =	vld.idx.msk [tilespmem:v46+s23+$0x0], $0xffff;
	v46 =	vor.u32 v13, v41;
	[tilespmem:v49+s30+$0x0] =	vst.idx.msk $0xffff, v57  }
0x1cc: {  	v38 =	vor.u32 v15, v38;
	v44 =	vor.u32 v14, v44;
	v47 =	vor.u32 v13, v35;
	v18 =	vld.idx.msk [tilespmem:v18+s23+$0x0], $0xffff  }
0x1cd: {  	[tilespmem:v21+s30+$0x0] =	vst.idx.msk $0xffff, v20;
	v20 =	vor.u32 v13, v40;
	v21 =	vor.u32 v15, v37  }
0x1ce: {  	v34 =	vor.u32 v14, v34;
	v40 =	vor.u32 v14, v39;
	v25 =	vld.idx.msk [tilespmem:v25+s23+$0x0], $0xffff;
	[tilespmem:v16+s30+$0x0] =	vst.idx.msk $0xffff, v23  }
0x1cf: {  	v16 =	vor.u32 v13, v33;
	[tilespmem:v26+s30+$0x0] =	vst.idx.msk $0xffff, v24;
	v23 =	vld.idx.msk [tilespmem:v27+s23+$0x0], $0xffff;
	v24 =	vor.u32 v14, v43  }
0x1d0: {  	v27 =	vor.u32 v11, v35;
	v26 =	vld.idx.msk [tilespmem:v32+s23+$0x0], $0xffff;
	v32 =	vor.u32 v12, v39;
	[tilespmem:v46+s30+$0x0] =	vst.idx.msk $0xffff, v17  }
0x1d1: {  	v35 =	vor.u32 v13, v42;
	v17 =	vor.u32 v12, v36;
	[tilespmem:v38+s30+$0x0] =	vst.idx.msk $0xffff, v45;
	v33 =	vld.idx.msk [tilespmem:v44+s23+$0x0], $0xffff  }
0x1d2: {  	s0 =	sadd.s32 $0x7, s19;
	v37 =	vadd.s32 s19, v0;
	v36 =	vmov s19;
	v38 =	vor.u32 v15, v41;
	[tilespmem:v21+s30+$0x0] =	vst.idx.msk $0xffff, v18  }
0x1d3: {  	s5 =	sadd.s32 $0x4, s19;
	s16 =	sadd.s32 $0x5, s19;
	s20 =	sadd.s32 $0x6, s19;
	v18 =	vand.u32 $0x30, v36;
	v21 =	vmov s0;
	v36 =	vadd.s32 s0, v0  }
0x1d4: {  	s21 =	sadd.s32 $0x2, s19;
	v37 =	vand.u32 $0xF, v37;
	v39 =	vmov s5;
	v41 =	vadd.s32 s5, v0;
	s0 =	sadd.s32 $0x1, s19;
	s19 =	sadd.s32 $0x3, s19;
	[tilespmem:v16+s30+$0x0] =	vst.idx.msk $0xffff, v25  }
0x1d5: {  	v21 =	vand.u32 $0x30, v21;
	v16 =	vadd.s32 s0, v0;
	v25 =	vadd.s32 s21, v0;
	[tilespmem:v27+s30+$0x0] =	vst.idx.msk $0xffff, v51;
	v27 =	vld.idx.msk [tilespmem:v32+s23+$0x0], $0xffff  }
0x1d6: {  	v32 =	vor.u32 v18, v37;
	v18 =	vmov s0;
	v16 =	vand.u32 $0xF, v16;
	[tilespmem:v19+s30+$0x0] =	vst.idx.msk $0xffff, v26;
	v17 =	vld.idx.msk [tilespmem:v17+s23+$0x0], $0xffff  }
0x1d7: {  	v42 =	vadd.s32 s20, v0;
	v19 =	vmov s21;
	v26 =	vmov s19;
	[tilespmem:v38+s30+$0x0] =	vst.idx.msk $0xffff, v33  }
0x1d8: {  	v43 =	vmov s16;
	v19 =	vand.u32 $0x30, v19;
	v26 =	vand.u32 $0x30, v26;
	v44 =	vld.idx.msk [tilespmem:v34+s23+$0x0], $0xffff;
	[tilespmem:v35+s30+$0x0] =	vst.idx.msk $0xffff, v23  }
0x1d9: {  	v18 =	vand.u32 $0x30, v18;
	v23 =	vand.u32 $0xF, v25;
	v25 =	vadd.s32 s16, v0;
	v24 =	vld.idx.msk [tilespmem:v24+s23+$0x0], $0xffff  }
0x1da: {  	v33 =	vor.u32 v18, v16;
	v16 =	vadd.s32 s19, v0;
	v18 =	vand.u32 $0xF, v36  }
0x1db: {  	v34 =	vshll.u32 v33, $0x7;
	v37 =	vor.u32 v21, v18;
	v38 =	vor.u32 v19, v23;
	[tilespmem:v20+s30+$0x0] =	vst.idx.msk $0xffff, v27  }
0x1dc: {  	v18 =	vor.u32 v0, v34;
	v19 =	vand.u32 $0x30, v39;
	v20 =	vand.u32 $0x30, v43;
	[tilespmem:v47+s30+$0x0] =	vst.idx.msk $0xffff, v17;
	v17 =	vld.idx.msk [tilespmem:v40+s23+$0x0], $0xffff  }
0x1dd: {  	v16 =	vand.u32 $0xF, v16;
	v21 =	vand.u32 $0xF, v41;
	v23 =	vmov s20;
	v22 =	vld.idx.msk [tilespmem:v22+s23+$0x0], $0xffff  }
0x1de: {  	v35 =	vor.u32 v26, v16;
	v16 =	vand.u32 $0xF, v42;
	v40 =	vor.u32 v19, v21;
	[tilespmem:v52+s30+$0x0] =	vst.idx.msk $0xffff, v44  }
0x1df: {  	v51 =	vshll.u32 v38, $0x7;
	v36 =	vshll.u32 v35, $0x7;
	v19 =	vand.u32 $0x30, v23;
	[tilespmem:v53+s30+$0x0] =	vst.idx.msk $0xffff, v24  }
0x1e0: {  	v21 =	vor.u32 v0, v51;
	v23 =	vor.u32 v0, v36;
	v39 =	vshll.u32 v40, $0x7  }
0x1e1: {  	v25 =	vand.u32 $0xF, v25;
	v42 =	vor.u32 v19, v16;
	v24 =	vor.u32 v0, v39;
	v18 =	vld.idx.msk [tilespmem:v18+s23+$0x0], $0xffff  }
0x1e2: {  	v46 =	vor.u32 v14, v51;
	v16 =	vor.u32 v1, v33;
	v43 =	vshll.u32 v42, $0x7;
	[tilespmem:v50+s30+$0x0] =	vst.idx.msk $0xffff, v17  }
0x1e3: {  	v41 =	vor.u32 v20, v25;
	v47 =	vshll.u32 v37, $0x7;
	v17 =	vor.u32 v2, v34;
	[tilespmem:v48+s30+$0x0] =	vst.idx.msk $0xffff, v22  }
0x1e4: {  	v45 =	vshll.u32 v32, $0x7;
	v19 =	vor.u32 v0, v47;
	v44 =	vshll.u32 v41, $0x7  }
0x1e5: {  	v20 =	vor.u32 v0, v45;
	v25 =	vor.u32 v0, v44;
	v22 =	vor.u32 v1, v35;
	v21 =	vld.idx.msk [tilespmem:v21+s23+$0x0], $0xffff  }
0x1e6: {  	v49 =	vor.u32 v13, v37;
	v26 =	vor.u32 v2, v36;
	v27 =	vor.u32 v0, v43;
	v24 =	vld.idx.msk [tilespmem:v24+s23+$0x0], $0xffff  }
0x1e7: {  	[tilespmem:v16+s30+$0x0] =	vst.idx.msk $0xffff, v18;
	v16 =	vor.u32 v1, v38  }
0x1e8: {  	v18 =	vor.u32 v2, v51;
	v23 =	vld.idx.msk [tilespmem:v23+s23+$0x0], $0xffff  }
0x1e9: {  	v19 =	vld.idx.msk [tilespmem:v19+s23+$0x0], $0xffff  }
0x1ea: {  	v50 =	vor.u32 v1, v37;
	v48 =	vor.u32 v1, v40;
	v17 =	vld.idx.msk [tilespmem:v17+s23+$0x0], $0xffff  }
0x1eb: {  	v52 =	vor.u32 v2, v39;
	v53 =	vor.u32 v2, v47;
	v25 =	vld.idx.msk [tilespmem:v25+s23+$0x0], $0xffff  }
0x1ec: {  	v20 =	vld.idx.msk [tilespmem:v20+s23+$0x0], $0xffff;
	[tilespmem:v16+s30+$0x0] =	vst.idx.msk $0xffff, v21;
	v16 =	vor.u32 v3, v35;
	v21 =	vor.u32 v1, v41  }
0x1ed: {  	v54 =	vor.u32 v3, v33;
	v55 =	vor.u32 v4, v36;
	v56 =	vor.u32 v2, v44;
	v18 =	vld.idx.msk [tilespmem:v18+s23+$0x0], $0xffff  }
0x1ee: {  	v57 =	vor.u32 v1, v32;
	v58 =	vor.u32 v4, v34;
	[tilespmem:v22+s30+$0x0] =	vst.idx.msk $0xffff, v23;
	v22 =	vld.idx.msk [tilespmem:v27+s23+$0x0], $0xffff  }
0x1ef: {  	v23 =	vor.u32 v2, v45;
	v27 =	vor.u32 v3, v38;
	v26 =	vld.idx.msk [tilespmem:v26+s23+$0x0], $0xffff;
	[tilespmem:v50+s30+$0x0] =	vst.idx.msk $0xffff, v19  }
0x1f0: {  	v19 =	vor.u32 v4, v51;
	[tilespmem:v48+s30+$0x0] =	vst.idx.msk $0xffff, v24;
	v24 =	vor.u32 v1, v42;
	v50 =	vld.idx.msk [tilespmem:v53+s23+$0x0], $0xffff  }
0x1f1: {  	v52 =	vld.idx.msk [tilespmem:v52+s23+$0x0], $0xffff;
	[tilespmem:v21+s30+$0x0] =	vst.idx.msk $0xffff, v25;
	v21 =	vor.u32 v2, v43;
	v25 =	vor.u32 v3, v37  }
0x1f2: {  	[tilespmem:v54+s30+$0x0] =	vst.idx.msk $0xffff, v17;
	v17 =	vor.u32 v3, v40;
	v53 =	vld.idx.msk [tilespmem:v56+s23+$0x0], $0xffff;
	v54 =	vor.u32 v4, v47  }
0x1f3: {  	v56 =	vor.u32 v4, v39;
	[tilespmem:v57+s30+$0x0] =	vst.idx.msk $0xffff, v20;
	v20 =	vld.idx.msk [tilespmem:v58+s23+$0x0], $0xffff  }
0x1f4: {  	v48 =	vor.u32 v15, v35;
	v57 =	vor.u32 v5, v33;
	v23 =	vld.idx.msk [tilespmem:v23+s23+$0x0], $0xffff;
	[tilespmem:v27+s30+$0x0] =	vst.idx.msk $0xffff, v18  }
0x1f5: {  	v18 =	vor.u32 v3, v32;
	v27 =	vor.u32 v6, v34;
	v19 =	vld.idx.msk [tilespmem:v19+s23+$0x0], $0xffff;
	[tilespmem:v24+s30+$0x0] =	vst.idx.msk $0xffff, v22  }
0x1f6: {  	v22 =	vor.u32 v4, v45;
	v24 =	vor.u32 v3, v41;
	v21 =	vld.idx.msk [tilespmem:v21+s23+$0x0], $0xffff;
	[tilespmem:v25+s30+$0x0] =	vst.idx.msk $0xffff, v50  }
0x1f7: {  	v25 =	vor.u32 v5, v38;
	[tilespmem:v17+s30+$0x0] =	vst.idx.msk $0xffff, v52;
	v17 =	vor.u32 v4, v44;
	v50 =	vld.idx.msk [tilespmem:v54+s23+$0x0], $0xffff  }
0x1f8: {  	v52 =	vor.u32 v6, v51;
	[tilespmem:v16+s30+$0x0] =	vst.idx.msk $0xffff, v26;
	v16 =	vld.idx.msk [tilespmem:v56+s23+$0x0], $0xffff;
	v26 =	vor.u32 v3, v42  }
0x1f9: {  	v54 =	vor.u32 v4, v43;
	[tilespmem:v57+s30+$0x0] =	vst.idx.msk $0xffff, v20;
	v20 =	vld.idx.msk [tilespmem:v55+s23+$0x0], $0xffff;
	v55 =	vor.u32 v5, v37  }
0x1fa: {  	[tilespmem:v18+s30+$0x0] =	vst.idx.msk $0xffff, v23;
	v18 =	vld.idx.msk [tilespmem:v27+s23+$0x0], $0xffff;
	v23 =	vor.u32 v5, v40;
	v27 =	vor.u32 v6, v47  }
0x1fb: {  	v56 =	vor.u32 v5, v35;
	v57 =	vor.u32 v6, v39;
	v22 =	vld.idx.msk [tilespmem:v22+s23+$0x0], $0xffff;
	[tilespmem:v24+s30+$0x0] =	vst.idx.msk $0xffff, v53  }
0x1fc: {  	v24 =	vor.u32 v7, v33;
	[tilespmem:v25+s30+$0x0] =	vst.idx.msk $0xffff, v19;
	v19 =	vor.u32 v6, v36;
	v17 =	vld.idx.msk [tilespmem:v17+s23+$0x0], $0xffff  }
0x1fd: {  	v53 =	vor.u32 v8, v34;
	v25 =	vor.u32 v5, v32;
	v58 =	vld.idx.msk [tilespmem:v52+s23+$0x0], $0xffff;
	[tilespmem:v26+s30+$0x0] =	vst.idx.msk $0xffff, v21  }
0x1fe: {  	v21 =	vor.u32 v6, v45;
	v26 =	vor.u32 v5, v41;
	v54 =	vld.idx.msk [tilespmem:v54+s23+$0x0], $0xffff;
	[tilespmem:v55+s30+$0x0] =	vst.idx.msk $0xffff, v50  }
0x1ff: {  	v50 =	vor.u32 v7, v38;
	[tilespmem:v23+s30+$0x0] =	vst.idx.msk $0xffff, v16;
	v16 =	vor.u32 v6, v44;
	v23 =	vld.idx.msk [tilespmem:v27+s23+$0x0], $0xffff  }
0x200: {  	v55 =	vor.u32 v7, v37;
	v27 =	vor.u32 v8, v51;
	[tilespmem:v56+s30+$0x0] =	vst.idx.msk $0xffff, v20;
	v20 =	vld.idx.msk [tilespmem:v57+s23+$0x0], $0xffff  }
0x201: {  	[tilespmem:v24+s30+$0x0] =	vst.idx.msk $0xffff, v18;
	v18 =	vld.idx.msk [tilespmem:v19+s23+$0x0], $0xffff;
	v19 =	vor.u32 v7, v40;
	v24 =	vor.u32 v8, v47  }
0x202: {  	[tilespmem:v25+s30+$0x0] =	vst.idx.msk $0xffff, v22;
	v52 =	vld.idx.msk [tilespmem:v53+s23+$0x0], $0xffff;
	v22 =	vor.u32 v7, v35;
	v25 =	vor.u32 v8, v39  }
0x203: {  	v53 =	vor.u32 v8, v36;
	v21 =	vld.idx.msk [tilespmem:v21+s23+$0x0], $0xffff;
	[tilespmem:v26+s30+$0x0] =	vst.idx.msk $0xffff, v17;
	v17 =	vor.u32 v5, v42  }
0x204: {  	v26 =	vor.u32 v7, v32;
	[tilespmem:v50+s30+$0x0] =	vst.idx.msk $0xffff, v58;
	v16 =	vld.idx.msk [tilespmem:v16+s23+$0x0], $0xffff;
	v50 =	vor.u32 v6, v43  }
0x205: {  	v56 =	vor.u32 v8, v45;
	v57 =	vor.u32 v7, v41;
	v27 =	vld.idx.msk [tilespmem:v27+s23+$0x0], $0xffff;
	[tilespmem:v55+s30+$0x0] =	vst.idx.msk $0xffff, v23  }
0x206: {  	v23 =	vor.u32 v9, v38;
	[tilespmem:v19+s30+$0x0] =	vst.idx.msk $0xffff, v20;
	v19 =	vor.u32 v8, v44;
	v20 =	vld.idx.msk [tilespmem:v24+s23+$0x0], $0xffff  }
0x207: {  	v24 =	vor.u32 v10, v51;
	[tilespmem:v22+s30+$0x0] =	vst.idx.msk $0xffff, v18;
	v18 =	vld.idx.msk [tilespmem:v25+s23+$0x0], $0xffff;
	v22 =	vor.u32 v9, v37  }
0x208: {  	v25 =	vld.idx.msk [tilespmem:v53+s23+$0x0], $0xffff;
	v53 =	vor.u32 v9, v40;
	[tilespmem:v17+s30+$0x0] =	vst.idx.msk $0xffff, v54;
	v17 =	vor.u32 v10, v47  }
0x209: {  	[tilespmem:v26+s30+$0x0] =	vst.idx.msk $0xffff, v21;
	v21 =	vor.u32 v9, v35;
	v26 =	vor.u32 v10, v39;
	v50 =	vld.idx.msk [tilespmem:v50+s23+$0x0], $0xffff  }
0x20a: {  	v55 =	vor.u32 v10, v36;
	v54 =	vld.idx.msk [tilespmem:v56+s23+$0x0], $0xffff;
	[tilespmem:v57+s30+$0x0] =	vst.idx.msk $0xffff, v16;
	v16 =	vor.u32 v7, v42  }
0x20b: {  	v56 =	vor.u32 v9, v32;
	[tilespmem:v23+s30+$0x0] =	vst.idx.msk $0xffff, v27;
	v19 =	vld.idx.msk [tilespmem:v19+s23+$0x0], $0xffff;
	v23 =	vor.u32 v8, v43  }
0x20c: {  	v57 =	vor.u32 v9, v41;
	v27 =	vor.u32 v10, v45;
	v24 =	vld.idx.msk [tilespmem:v24+s23+$0x0], $0xffff;
	[tilespmem:v22+s30+$0x0] =	vst.idx.msk $0xffff, v20  }
0x20d: {  	v20 =	vor.u32 v11, v38;
	v22 =	vor.u32 v10, v44;
	[tilespmem:v53+s30+$0x0] =	vst.idx.msk $0xffff, v18;
	v17 =	vld.idx.msk [tilespmem:v17+s23+$0x0], $0xffff  }
0x20e: {  	v63 =	vor.u32 v12, v51;
	[tilespmem:v21+s30+$0x0] =	vst.idx.msk $0xffff, v25;
	v21 =	vld.idx.msk [tilespmem:v26+s23+$0x0], $0xffff;
	v25 =	vor.u32 v11, v37  }
0x20f: {  	v28 =	vor.u32 v12, v47;
	v26 =	vor.u32 v11, v40;
	v51 =	vld.idx.msk [tilespmem:v55+s23+$0x0], $0xffff;
	[tilespmem:v16+s30+$0x0] =	vst.idx.msk $0xffff, v50  }
.Ltmp7:
0x210: {  	v58 =	vor.u32 v9, v33;
	v50 =	vor.u32 v15, v40;
	[tilespmem:v56+s30+$0x0] =	vst.idx.msk $0xffff, v54;
	v53 =	vld.idx.msk [tilespmem:v23+s23+$0x0], $0xffff;
	(pc) =	sbr.rel @p1 .LBB2_8-.Ltmp7, $4  }
0x211: {  	v59 =	vor.u32 v10, v34;
	v18 =	vor.u32 v9, v42;
	v54 =	vld.idx.msk [tilespmem:v27+s23+$0x0], $0xffff;
	[tilespmem:v57+s30+$0x0] =	vst.idx.msk $0xffff, v19  }
0x212: {  	v60 =	vor.u32 v11, v32;
	v61 =	vor.u32 v10, v43;
	[tilespmem:v20+s30+$0x0] =	vst.idx.msk $0xffff, v24;
	v55 =	vld.idx.msk [tilespmem:v22+s23+$0x0], $0xffff  }
0x213: {  	v62 =	vor.u32 v12, v45;
	v16 =	vor.u32 v11, v41;
	v56 =	vld.idx.msk [tilespmem:v63+s23+$0x0], $0xffff;
	[tilespmem:v25+s30+$0x0] =	vst.idx.msk $0xffff, v17  }
0x214: {  	v63 =	vor.u32 v13, v38;
	v17 =	vor.u32 v12, v44;
	[tilespmem:v26+s30+$0x0] =	vst.idx.msk $0xffff, v21;
	v57 =	vld.idx.msk [tilespmem:v28+s23+$0x0], $0xffff  }
0x215: {  	_ =	sdelay $0x3  }
0x216: {  	[tilespmem:v58+s30+$0x0] =	vst.idx.msk $0xffff, v52  }
0x217: {  	[tilespmem:v18+s30+$0x0] =	vst.idx.msk $0xffff, v53;
	v19 =	vor.u32 v11, v33;
	v18 =	vld.idx.msk [tilespmem:v59+s23+$0x0], $0xffff  }
0x218: {  	v27 =	vor.u32 v11, v35;
	v28 =	vor.u32 v12, v39;
	[tilespmem:v60+s30+$0x0] =	vst.idx.msk $0xffff, v54  }
0x219: {  	v20 =	vor.u32 v14, v47;
	v22 =	vor.u32 v11, v42;
	v21 =	vld.idx.msk [tilespmem:v61+s23+$0x0], $0xffff;
	[tilespmem:v16+s30+$0x0] =	vst.idx.msk $0xffff, v55  }
0x21a: {  	v24 =	vor.u32 v13, v32;
	v23 =	vld.idx.msk [tilespmem:v62+s23+$0x0], $0xffff;
	v16 =	vor.u32 v12, v34;
	[tilespmem:v63+s30+$0x0] =	vst.idx.msk $0xffff, v56  }
0x21b: {  	v25 =	vor.u32 v12, v43;
	v26 =	vor.u32 v13, v41;
	v17 =	vld.idx.msk [tilespmem:v17+s23+$0x0], $0xffff;
	[tilespmem:v49+s30+$0x0] =	vst.idx.msk $0xffff, v57  }
0x21c: {  	v63 =	vor.u32 v12, v36;
	[tilespmem:v19+s30+$0x0] =	vst.idx.msk $0xffff, v18;
	v18 =	vld.idx.msk [tilespmem:v46+s23+$0x0], $0xffff;
	v19 =	vor.u32 v15, v38  }
0x21d: {  	[tilespmem:v27+s30+$0x0] =	vst.idx.msk $0xffff, v51;
	v27 =	vor.u32 v13, v40;
	v28 =	vld.idx.msk [tilespmem:v28+s23+$0x0], $0xffff  }
0x21e: {  	v20 =	vld.idx.msk [tilespmem:v20+s23+$0x0], $0xffff;
	[tilespmem:v22+s30+$0x0] =	vst.idx.msk $0xffff, v21;
	v22 =	vor.u32 v15, v37  }
0x21f: {  	v21 =	vor.u32 v14, v45;
	[tilespmem:v24+s30+$0x0] =	vst.idx.msk $0xffff, v23;
	v16 =	vld.idx.msk [tilespmem:v16+s23+$0x0], $0xffff;
	v24 =	vor.u32 v13, v33  }
0x220: {  	v23 =	vor.u32 v14, v44;
	v25 =	vld.idx.msk [tilespmem:v25+s23+$0x0], $0xffff;
	[tilespmem:v26+s30+$0x0] =	vst.idx.msk $0xffff, v17;
	v26 =	vor.u32 v13, v42  }
0x221: {  	v46 =	vld.idx.msk [tilespmem:v63+s23+$0x0], $0xffff;
	[tilespmem:v19+s30+$0x0] =	vst.idx.msk $0xffff, v18;
	v18 =	vor.u32 v13, v35;
	v19 =	vor.u32 v14, v39  }
0x222: {  	[tilespmem:v27+s30+$0x0] =	vst.idx.msk $0xffff, v28  }
0x223: {  	[tilespmem:v22+s30+$0x0] =	vst.idx.msk $0xffff, v20  }
0x224: {  	v17 =	vor.u32 v14, v34;
	v21 =	vld.idx.msk [tilespmem:v21+s23+$0x0], $0xffff;
	[tilespmem:v24+s30+$0x0] =	vst.idx.msk $0xffff, v16  }
0x225: {  	v22 =	vor.u32 v15, v32;
	v16 =	vld.idx.msk [tilespmem:v23+s23+$0x0], $0xffff;
	[tilespmem:v26+s30+$0x0] =	vst.idx.msk $0xffff, v25  }
0x226: {  	v45 =	vor.u32 v14, v43;
	v23 =	vor.u32 v15, v41;
	[tilespmem:v18+s30+$0x0] =	vst.idx.msk $0xffff, v46;
	v18 =	vld.idx.msk [tilespmem:v19+s23+$0x0], $0xffff  }
0x227: {  	v19 =	vld [tilespmem:$0x1FE80]  }
0x228: {  	v20 =	vld [tilespmem:$0x1FE90]  }
0x229: {  	v24 =	vor.u32 v15, v33;
	v17 =	vld.idx.msk [tilespmem:v17+s23+$0x0], $0xffff  }
0x22a: {  	[tilespmem:v22+s30+$0x0] =	vst.idx.msk $0xffff, v21  }
0x22b: {  	v49 =	vld.idx.msk [tilespmem:v45+s23+$0x0], $0xffff;
	[tilespmem:v23+s30+$0x0] =	vst.idx.msk $0xffff, v16  }
0x22c: {  	v47 =	vor.u32 v14, v36;
	v16 =	vld [tilespmem:$0x1FEA0]  }
0x22d: {  	v26 =	vor.u32 v15, v42;
	v20 =	vor.u32 v20, v19;
	v19 =	vld [tilespmem:$0x1FEB0]  }
0x22e: {  	[tilespmem:v24+s30+$0x0] =	vst.idx.msk $0xffff, v17  }
0x22f: {  	v17 =	vld [tilespmem:$0x1FEE0];
	_ =	sdelay $0x1  }
0x230: {  	v22 =	vld.idx.msk [tilespmem:v47+s23+$0x0], $0xffff;
	v25 =	vshll.u32 v20, $0x7  }
0x231: {  	[tilespmem:v26+s30+$0x0] =	vst.idx.msk $0xffff, v49;
	v32 =	vor.u32 v16, v19;
	v16 =	vor.u32 v0, v25  }
0x232: {  	v19 =	vld [tilespmem:$0x1FF00]  }
0x233: {  	v24 =	vor.u32 v17, v29;
	v17 =	vld [tilespmem:$0x1FEF0];
	[tilespmem:v50+s30+$0x0] =	vst.idx.msk $0xffff, v18  }
0x234: {  	v18 =	vld [tilespmem:$0x1FEC0]  }
0x235: {  	v23 =	vld [tilespmem:$0x1FED0];
	[tilespmem:v48+s30+$0x0] =	vst.idx.msk $0xffff, v22  }
0x236: {  	v35 =	vld.idx.msk [tilespmem:v16+s24+$0x0], $0xffff  }
0x237: {  	v16 =	vld [tilespmem:$0x1FF10]  }
0x238: {  	v34 =	vshll.u32 v32, $0x7  }
0x239: {  	v19 =	vor.u32 v17, v19;
	v17 =	vor.u32 v0, v34;
	_ =	sdelay $0x1  }
0x23a: {  	v28 =	vld [tilespmem:$0x1FE70]  }
0x23b: {  	v21 =	vshll.u32 v24, $0x7;
	v22 =	vor.u32 v16, v30;
	v16 =	vld [tilespmem:$0x1FE60]  }
0x23c: {  	v26 =	vor.u32 v18, v23;
	v18 =	vshll.u32 v19, $0x7;
	v23 =	vor.u32 v0, v21  }
0x23d: {  	v50 =	vor.u32 v1, v20;
	v27 =	vor.u32 v0, v18;
	v52 =	vld.idx.msk [tilespmem:v17+s24+$0x0], $0xffff  }
0x23e: {  	v51 =	vor.u32 v2, v25;
	v33 =	vshll.u32 v26, $0x7;
	v17 =	vld [tilespmem:$0x1FF20]  }
0x23f: {  	v54 =	vor.u32 v1, v32;
	v30 =	vor.u32 v0, v33  }
0x240: {  	v55 =	vor.u32 v2, v34;
	v16 =	vor.u32 v16, v28;
	v28 =	vshll.u32 v22, $0x7  }
0x241: {  	v60 =	vor.u32 v1, v24;
	v63 =	vor.u32 v2, v21;
	v40 =	vld.idx.msk [tilespmem:v23+s24+$0x0], $0xffff;
	v53 =	vor.u32 v0, v28  }
0x242: {  	v42 =	vor.u32 v1, v19;
	[tilespmem:v50+s31+$0x0] =	vst.idx.msk $0xffff, v35;
	v56 =	vld.idx.msk [tilespmem:v27+s24+$0x0], $0xffff;
	v29 =	vshll.u32 v16, $0x7  }
0x243: {  	v58 =	vor.u32 v1, v26;
	v37 =	vld.idx.msk [tilespmem:v51+s24+$0x0], $0xffff;
	v17 =	vor.u32 v31, v17;
	v31 =	vor.u32 v0, v29  }
0x244: {  	v59 =	vor.u32 v2, v18;
	v30 =	vld.idx.msk [tilespmem:v30+s24+$0x0], $0xffff;
	[tilespmem:v54+s31+$0x0] =	vst.idx.msk $0xffff, v52;
	v23 =	vshll.u32 v17, $0x7  }
0x245: {  	v52 =	vor.u32 v3, v20;
	v41 =	vld.idx.msk [tilespmem:v55+s24+$0x0], $0xffff;
	v57 =	vor.u32 v0, v23  }
0x246: {  	v61 =	vor.u32 v2, v33;
	v62 =	vor.u32 v1, v22;
	[tilespmem:v60+s31+$0x0] =	vst.idx.msk $0xffff, v40;
	v39 =	vld.idx.msk [tilespmem:v53+s24+$0x0], $0xffff  }
0x247: {  	[tilespmem:v42+s31+$0x0] =	vst.idx.msk $0xffff, v56;
	v56 =	vor.u32 v3, v32;
	v47 =	vld.idx.msk [tilespmem:v63+s24+$0x0], $0xffff;
	v53 =	vor.u32 v2, v28  }
0x248: {  	v45 =	vor.u32 v9, v32;
	v54 =	vor.u32 v1, v16;
	v55 =	vor.u32 v4, v25;
	v31 =	vld.idx.msk [tilespmem:v31+s24+$0x0], $0xffff  }
0x249: {  	v60 =	vor.u32 v4, v34;
	v63 =	vor.u32 v3, v19;
	v35 =	vld.idx.msk [tilespmem:v59+s24+$0x0], $0xffff;
	[tilespmem:v58+s31+$0x0] =	vst.idx.msk $0xffff, v30  }
0x24a: {  	v59 =	vor.u32 v1, v17;
	v30 =	vor.u32 v2, v29;
	[tilespmem:v52+s31+$0x0] =	vst.idx.msk $0xffff, v37;
	v44 =	vld.idx.msk [tilespmem:v57+s24+$0x0], $0xffff  }
0x24b: {  	v61 =	vld.idx.msk [tilespmem:v61+s24+$0x0], $0xffff;
	v57 =	vor.u32 v2, v23;
	[tilespmem:v62+s31+$0x0] =	vst.idx.msk $0xffff, v39;
	v62 =	vor.u32 v3, v26  }
0x24c: {  	v58 =	vor.u32 v3, v24;
	v52 =	vor.u32 v4, v33;
	[tilespmem:v56+s31+$0x0] =	vst.idx.msk $0xffff, v41;
	v43 =	vld.idx.msk [tilespmem:v53+s24+$0x0], $0xffff  }
0x24d: {  	[tilespmem:v54+s31+$0x0] =	vst.idx.msk $0xffff, v31;
	v31 =	vld.idx.msk [tilespmem:v55+s24+$0x0], $0xffff;
	v53 =	vor.u32 v4, v21;
	v54 =	vor.u32 v5, v20  }
0x24e: {  	v40 =	vld.idx.msk [tilespmem:v60+s24+$0x0], $0xffff;
	v60 =	vor.u32 v3, v22;
	[tilespmem:v63+s31+$0x0] =	vst.idx.msk $0xffff, v35;
	v55 =	vor.u32 v4, v18  }
0x24f: {  	v56 =	vor.u32 v3, v16;
	v30 =	vld.idx.msk [tilespmem:v30+s24+$0x0], $0xffff;
	[tilespmem:v59+s31+$0x0] =	vst.idx.msk $0xffff, v44;
	v59 =	vor.u32 v6, v25  }
0x250: {  	v63 =	vor.u32 v3, v17;
	v46 =	vld.idx.msk [tilespmem:v57+s24+$0x0], $0xffff;
	v57 =	vor.u32 v4, v28;
	[tilespmem:v62+s31+$0x0] =	vst.idx.msk $0xffff, v61  }
0x251: {  	[tilespmem:v58+s31+$0x0] =	vst.idx.msk $0xffff, v47;
	v61 =	vor.u32 v4, v29;
	v62 =	vor.u32 v5, v32;
	v58 =	vld.idx.msk [tilespmem:v52+s24+$0x0], $0xffff  }
0x252: {  	v52 =	vor.u32 v6, v34;
	v42 =	vld.idx.msk [tilespmem:v53+s24+$0x0], $0xffff;
	[tilespmem:v54+s31+$0x0] =	vst.idx.msk $0xffff, v31;
	v31 =	vor.u32 v5, v26  }
0x253: {  	v41 =	vld.idx.msk [tilespmem:v55+s24+$0x0], $0xffff;
	v53 =	vor.u32 v4, v23;
	v55 =	vor.u32 v5, v19;
	[tilespmem:v60+s31+$0x0] =	vst.idx.msk $0xffff, v43  }
0x254: {  	v54 =	vor.u32 v6, v33;
	[tilespmem:v56+s31+$0x0] =	vst.idx.msk $0xffff, v30;
	v30 =	vor.u32 v5, v24;
	v36 =	vld.idx.msk [tilespmem:v59+s24+$0x0], $0xffff  }
0x255: {  	v60 =	vor.u32 v6, v18;
	v59 =	vor.u32 v7, v20;
	v37 =	vld.idx.msk [tilespmem:v57+s24+$0x0], $0xffff;
	[tilespmem:v63+s31+$0x0] =	vst.idx.msk $0xffff, v46  }
0x256: {  	v56 =	vor.u32 v6, v21;
	v63 =	vor.u32 v5, v22;
	v39 =	vld.idx.msk [tilespmem:v61+s24+$0x0], $0xffff;
	[tilespmem:v62+s31+$0x0] =	vst.idx.msk $0xffff, v40  }
0x257: {  	v61 =	vor.u32 v5, v16;
	v62 =	vor.u32 v8, v25;
	v38 =	vld.idx.msk [tilespmem:v52+s24+$0x0], $0xffff;
	[tilespmem:v31+s31+$0x0] =	vst.idx.msk $0xffff, v58  }
0x258: {  	v48 =	vor.u32 v10, v25;
	v31 =	vor.u32 v6, v29;
	v47 =	vld.idx.msk [tilespmem:v53+s24+$0x0], $0xffff;
	[tilespmem:v55+s31+$0x0] =	vst.idx.msk $0xffff, v41  }
0x259: {  	v52 =	vor.u32 v7, v32;
	[tilespmem:v30+s31+$0x0] =	vst.idx.msk $0xffff, v42;
	v30 =	vor.u32 v6, v28;
	v53 =	vld.idx.msk [tilespmem:v54+s24+$0x0], $0xffff  }
0x25a: {  	v57 =	vor.u32 v7, v26;
	v58 =	vor.u32 v8, v34;
	[tilespmem:v59+s31+$0x0] =	vst.idx.msk $0xffff, v36;
	v40 =	vld.idx.msk [tilespmem:v60+s24+$0x0], $0xffff  }
0x25b: {  	v54 =	vor.u32 v8, v33;
	v60 =	vor.u32 v5, v17;
	v43 =	vld.idx.msk [tilespmem:v56+s24+$0x0], $0xffff;
	[tilespmem:v63+s31+$0x0] =	vst.idx.msk $0xffff, v37  }
0x25c: {  	v59 =	vor.u32 v7, v24;
	v63 =	vor.u32 v6, v23;
	[tilespmem:v61+s31+$0x0] =	vst.idx.msk $0xffff, v39;
	v36 =	vld.idx.msk [tilespmem:v62+s24+$0x0], $0xffff  }
0x25d: {  	v27 =	vor.u32 v14, v34;
	v55 =	vor.u32 v7, v19;
	v56 =	vor.u32 v8, v21;
	v31 =	vld.idx.msk [tilespmem:v31+s24+$0x0], $0xffff  }
0x25e: {  	v61 =	vor.u32 v8, v18;
	v62 =	vor.u32 v7, v16;
	[tilespmem:v52+s31+$0x0] =	vst.idx.msk $0xffff, v38;
	v30 =	vld.idx.msk [tilespmem:v30+s24+$0x0], $0xffff  }
0x25f: {  	v52 =	vor.u32 v7, v22;
	[tilespmem:v57+s31+$0x0] =	vst.idx.msk $0xffff, v53;
	v53 =	vor.u32 v8, v29;
	v42 =	vld.idx.msk [tilespmem:v58+s24+$0x0], $0xffff  }
0x260: {  	v49 =	vor.u32 v12, v28;
	v57 =	vor.u32 v8, v28;
	[tilespmem:v60+s31+$0x0] =	vst.idx.msk $0xffff, v47;
	v58 =	vld.idx.msk [tilespmem:v54+s24+$0x0], $0xffff  }
0x261: {  	[tilespmem:v59+s31+$0x0] =	vst.idx.msk $0xffff, v43;
	v59 =	vor.u32 v9, v26;
	v54 =	vor.u32 v10, v34;
	v38 =	vld.idx.msk [tilespmem:v63+s24+$0x0], $0xffff  }
0x262: {  	[tilespmem:v55+s31+$0x0] =	vst.idx.msk $0xffff, v40;
	v55 =	vor.u32 v9, v24;
	v35 =	vld.idx.msk [tilespmem:v56+s24+$0x0], $0xffff;
	v56 =	vor.u32 v10, v33  }
0x263: {  	v60 =	vor.u32 v9, v19;
	v37 =	vld.idx.msk [tilespmem:v61+s24+$0x0], $0xffff;
	v61 =	vor.u32 v10, v21;
	[tilespmem:v62+s31+$0x0] =	vst.idx.msk $0xffff, v31  }
0x264: {  	v63 =	vor.u32 v7, v17;
	v62 =	vor.u32 v10, v18;
	[tilespmem:v52+s31+$0x0] =	vst.idx.msk $0xffff, v30;
	v41 =	vld.idx.msk [tilespmem:v53+s24+$0x0], $0xffff  }
0x265: {  	[tilespmem:v45+s31+$0x0] =	vst.idx.msk $0xffff, v42;
	v42 =	vor.u32 v9, v16;
	v45 =	vor.u32 v8, v23;
	v43 =	vld.idx.msk [tilespmem:v57+s24+$0x0], $0xffff  }
0x266: {  	v39 =	vor.u32 v10, v29;
	[tilespmem:v59+s31+$0x0] =	vst.idx.msk $0xffff, v58;
	v40 =	vld.idx.msk [tilespmem:v54+s24+$0x0], $0xffff;
	v57 =	vor.u32 v9, v22  }
0x267: {  	v58 =	vor.u32 v11, v32;
	v59 =	vor.u32 v10, v28;
	[tilespmem:v55+s31+$0x0] =	vst.idx.msk $0xffff, v35;
	v46 =	vld.idx.msk [tilespmem:v56+s24+$0x0], $0xffff  }
0x268: {  	[tilespmem:v60+s31+$0x0] =	vst.idx.msk $0xffff, v37;
	v60 =	vor.u32 v12, v34;
	v54 =	vld.idx.msk [tilespmem:v61+s24+$0x0], $0xffff;
	v61 =	vor.u32 v11, v26  }
0x269: {  	[tilespmem:v63+s31+$0x0] =	vst.idx.msk $0xffff, v38;
	v63 =	vor.u32 v12, v33;
	v35 =	vld.idx.msk [tilespmem:v62+s24+$0x0], $0xffff;
	v62 =	vor.u32 v11, v24  }
0x26a: {  	v50 =	vor.u32 v9, v17;
	[tilespmem:v42+s31+$0x0] =	vst.idx.msk $0xffff, v41;
	v42 =	vor.u32 v9, v20;
	v37 =	vld.idx.msk [tilespmem:v45+s24+$0x0], $0xffff  }
0x26b: {  	v44 =	vor.u32 v10, v23;
	v47 =	vor.u32 v13, v32;
	v38 =	vld.idx.msk [tilespmem:v39+s24+$0x0], $0xffff;
	[tilespmem:v57+s31+$0x0] =	vst.idx.msk $0xffff, v43  }
0x26c: {  	v31 =	vor.u32 v13, v26;
	[tilespmem:v58+s31+$0x0] =	vst.idx.msk $0xffff, v40;
	v43 =	vor.u32 v11, v16;
	v39 =	vld.idx.msk [tilespmem:v59+s24+$0x0], $0xffff  }
0x26d: {  	v45 =	vor.u32 v12, v29;
	[tilespmem:v61+s31+$0x0] =	vst.idx.msk $0xffff, v46;
	v40 =	vld.idx.msk [tilespmem:v60+s24+$0x0], $0xffff;
	v46 =	vor.u32 v11, v22  }
0x26e: {  	s12 =	simm.s32 $0x8;
	v30 =	vor.u32 v15, v19;
	v34 =	vor.u32 v15, v24;
	[tilespmem:v62+s31+$0x0] =	vst.idx.msk $0xffff, v54;
	v41 =	vld.idx.msk [tilespmem:v63+s24+$0x0], $0xffff  }
.LBB2_10:
0x26f: {  	p1 =	slt.u32 s12, $0x38;
	v51 =	vor.u32 v15, v16;
	[tilespmem:v42+s31+$0x0] =	vst.idx.msk $0xffff, v36;
	v36 =	vor.u32 v15, v20;
	s19 =	smov.u32 s12;
	s12 =	sadd.s32 $0x8, s12  }
0x270: {  	v33 =	vor.u32 v14, v33;
	v42 =	vld.idx.msk [tilespmem:v48+s24+$0x0], $0xffff;
	[tilespmem:v50+s31+$0x0] =	vst.idx.msk $0xffff, v37;
	v37 =	vor.u32 v15, v17  }
0x271: {  	[tilespmem:v43+s31+$0x0] =	vst.idx.msk $0xffff, v38;
	v38 =	vor.u32 v11, v20;
	v43 =	vor.u32 v14, v18;
	v44 =	vld.idx.msk [tilespmem:v44+s24+$0x0], $0xffff  }
0x272: {  	v48 =	vor.u32 v12, v25;
	v45 =	vld.idx.msk [tilespmem:v45+s24+$0x0], $0xffff;
	[tilespmem:v46+s31+$0x0] =	vst.idx.msk $0xffff, v39;
	v39 =	vor.u32 v11, v17  }
0x273: {  	v16 =	vor.u32 v13, v16;
	v46 =	vor.u32 v12, v23;
	[tilespmem:v47+s31+$0x0] =	vst.idx.msk $0xffff, v40;
	v40 =	vld.idx.msk [tilespmem:v49+s24+$0x0], $0xffff  }
0x274: {  	v29 =	vor.u32 v14, v29;
	v47 =	vor.u32 v13, v22;
	v27 =	vld.idx.msk [tilespmem:v27+s24+$0x0], $0xffff;
	[tilespmem:v31+s31+$0x0] =	vst.idx.msk $0xffff, v41  }
0x275: {  	v28 =	vor.u32 v14, v28;
	v31 =	vor.u32 v15, v32;
	v41 =	vor.u32 v13, v19;
	v32 =	vld.idx.msk [tilespmem:v33+s24+$0x0], $0xffff  }
0x276: {  	v24 =	vor.u32 v13, v24;
	v26 =	vor.u32 v15, v26;
	[tilespmem:v38+s31+$0x0] =	vst.idx.msk $0xffff, v42  }
0x277: {  	v25 =	vor.u32 v14, v25;
	v38 =	vor.u32 v14, v21;
	v33 =	vld.idx.msk [tilespmem:v48+s24+$0x0], $0xffff;
	[tilespmem:v39+s31+$0x0] =	vst.idx.msk $0xffff, v44  }
0x278: {  	v23 =	vor.u32 v14, v23;
	[tilespmem:v16+s31+$0x0] =	vst.idx.msk $0xffff, v45;
	v16 =	vor.u32 v13, v20;
	v20 =	vld.idx.msk [tilespmem:v46+s24+$0x0], $0xffff  }
0x279: {  	v19 =	vor.u32 v11, v19;
	v21 =	vor.u32 v12, v21;
	v29 =	vld.idx.msk [tilespmem:v29+s24+$0x0], $0xffff;
	[tilespmem:v47+s31+$0x0] =	vst.idx.msk $0xffff, v40  }
0x27a: {  	v18 =	vor.u32 v12, v18;
	v17 =	vor.u32 v13, v17;
	[tilespmem:v31+s31+$0x0] =	vst.idx.msk $0xffff, v27;
	v27 =	vld.idx.msk [tilespmem:v28+s24+$0x0], $0xffff  }
0x27b: {  	s0 =	sadd.s32 $0x7, s19;
	v22 =	vor.u32 v15, v22;
	v28 =	vmov s19;
	v31 =	vadd.s32 s19, v0;
	[tilespmem:v26+s31+$0x0] =	vst.idx.msk $0xffff, v32  }
0x27c: {  	s5 =	sadd.s32 $0x4, s19;
	s16 =	sadd.s32 $0x5, s19;
	s20 =	sadd.s32 $0x6, s19;
	v26 =	vand.u32 $0x30, v28;
	v28 =	vmov s0;
	v32 =	vadd.s32 s0, v0  }
0x27d: {  	s21 =	sadd.s32 $0x2, s19;
	v39 =	vmov s5;
	v40 =	vadd.s32 s5, v0;
	v31 =	vand.u32 $0xF, v31;
	s0 =	sadd.s32 $0x1, s19;
	s19 =	sadd.s32 $0x3, s19;
	[tilespmem:v16+s31+$0x0] =	vst.idx.msk $0xffff, v33  }
0x27e: {  	v42 =	vadd.s32 s21, v0;
	v28 =	vand.u32 $0x30, v28;
	v33 =	vadd.s32 s0, v0;
	[tilespmem:v19+s31+$0x0] =	vst.idx.msk $0xffff, v35;
	v19 =	vld.idx.msk [tilespmem:v21+s24+$0x0], $0xffff  }
0x27f: {  	v16 =	vor.u32 v26, v31;
	v21 =	vmov s0;
	v26 =	vand.u32 $0xF, v33;
	[tilespmem:v51+s31+$0x0] =	vst.idx.msk $0xffff, v29;
	v18 =	vld.idx.msk [tilespmem:v18+s24+$0x0], $0xffff  }
0x280: {  	v31 =	vmov s19;
	v33 =	vadd.s32 s20, v0;
	v29 =	vmov s21;
	[tilespmem:v22+s31+$0x0] =	vst.idx.msk $0xffff, v27  }
0x281: {  	v22 =	vand.u32 $0x30, v29;
	v27 =	vand.u32 $0x30, v31;
	v29 =	vmov s16;
	v31 =	vld.idx.msk [tilespmem:v25+s24+$0x0], $0xffff;
	[tilespmem:v17+s31+$0x0] =	vst.idx.msk $0xffff, v20  }
0x282: {  	v17 =	vand.u32 $0x30, v21;
	v21 =	vand.u32 $0xF, v42;
	v42 =	vadd.s32 s16, v0;
	v23 =	vld.idx.msk [tilespmem:v23+s24+$0x0], $0xffff  }
0x283: {  	v20 =	vor.u32 v17, v26;
	v17 =	vadd.s32 s19, v0;
	v26 =	vand.u32 $0xF, v32  }
0x284: {  	v32 =	vor.u32 v22, v21;
	v25 =	vshll.u32 v20, $0x7;
	v26 =	vor.u32 v28, v26;
	[tilespmem:v24+s31+$0x0] =	vst.idx.msk $0xffff, v19  }
0x285: {  	v21 =	vand.u32 $0x30, v39;
	v28 =	vand.u32 $0x30, v29;
	v22 =	vor.u32 v0, v25;
	[tilespmem:v41+s31+$0x0] =	vst.idx.msk $0xffff, v18;
	v29 =	vld.idx.msk [tilespmem:v38+s24+$0x0], $0xffff  }
0x286: {  	v17 =	vand.u32 $0xF, v17;
	v18 =	vand.u32 $0xF, v40;
	v38 =	vmov s20;
	v39 =	vld.idx.msk [tilespmem:v43+s24+$0x0], $0xffff  }
0x287: {  	v19 =	vor.u32 v27, v17;
	v17 =	vand.u32 $0xF, v33;
	v24 =	vor.u32 v21, v18;
	[tilespmem:v36+s31+$0x0] =	vst.idx.msk $0xffff, v31  }
0x288: {  	v35 =	vshll.u32 v32, $0x7;
	v18 =	vshll.u32 v19, $0x7;
	v27 =	vand.u32 $0x30, v38;
	[tilespmem:v37+s31+$0x0] =	vst.idx.msk $0xffff, v23  }
0x289: {  	v31 =	vor.u32 v0, v35;
	v36 =	vor.u32 v0, v18;
	v21 =	vshll.u32 v24, $0x7  }
0x28a: {  	v17 =	vor.u32 v27, v17;
	v38 =	vor.u32 v0, v21;
	v37 =	vld.idx.msk [tilespmem:v22+s24+$0x0], $0xffff;
	v22 =	vand.u32 $0xF, v42  }
0x28b: {  	v40 =	vor.u32 v1, v20;
	v27 =	vor.u32 v14, v35;
	v23 =	vshll.u32 v17, $0x7;
	[tilespmem:v34+s31+$0x0] =	vst.idx.msk $0xffff, v29  }
0x28c: {  	v33 =	vshll.u32 v26, $0x7;
	v34 =	vor.u32 v2, v25;
	v22 =	vor.u32 v28, v22;
	[tilespmem:v30+s31+$0x0] =	vst.idx.msk $0xffff, v39  }
0x28d: {  	v29 =	vshll.u32 v16, $0x7;
	v28 =	vshll.u32 v22, $0x7;
	v30 =	vor.u32 v0, v33  }
0x28e: {  	v42 =	vor.u32 v1, v19;
	v39 =	vor.u32 v0, v29;
	v43 =	vor.u32 v0, v28;
	v41 =	vld.idx.msk [tilespmem:v31+s24+$0x0], $0xffff  }
0x28f: {  	v44 =	vor.u32 v2, v18;
	v45 =	vor.u32 v0, v23;
	v31 =	vor.u32 v13, v26;
	v38 =	vld.idx.msk [tilespmem:v38+s24+$0x0], $0xffff  }
0x290: {  	[tilespmem:v40+s31+$0x0] =	vst.idx.msk $0xffff, v37;
	v37 =	vor.u32 v1, v32  }
0x291: {  	v40 =	vor.u32 v2, v35;
	v36 =	vld.idx.msk [tilespmem:v36+s24+$0x0], $0xffff  }
0x292: {  	v30 =	vld.idx.msk [tilespmem:v30+s24+$0x0], $0xffff  }
0x293: {  	v47 =	vor.u32 v1, v26;
	v46 =	vor.u32 v1, v24;
	v34 =	vld.idx.msk [tilespmem:v34+s24+$0x0], $0xffff  }
0x294: {  	v49 =	vor.u32 v2, v33;
	v48 =	vor.u32 v2, v21;
	v43 =	vld.idx.msk [tilespmem:v43+s24+$0x0], $0xffff  }
0x295: {  	v39 =	vld.idx.msk [tilespmem:v39+s24+$0x0], $0xffff;
	[tilespmem:v37+s31+$0x0] =	vst.idx.msk $0xffff, v41;
	v37 =	vor.u32 v3, v19;
	v41 =	vor.u32 v1, v22  }
0x296: {  	v50 =	vor.u32 v3, v20;
	v51 =	vor.u32 v4, v18;
	v52 =	vor.u32 v2, v28;
	v40 =	vld.idx.msk [tilespmem:v40+s24+$0x0], $0xffff  }
0x297: {  	v53 =	vor.u32 v1, v16;
	v54 =	vor.u32 v4, v25;
	[tilespmem:v42+s31+$0x0] =	vst.idx.msk $0xffff, v36;
	v36 =	vld.idx.msk [tilespmem:v45+s24+$0x0], $0xffff  }
0x298: {  	v42 =	vor.u32 v2, v29;
	v45 =	vor.u32 v3, v32;
	v44 =	vld.idx.msk [tilespmem:v44+s24+$0x0], $0xffff;
	[tilespmem:v47+s31+$0x0] =	vst.idx.msk $0xffff, v30  }
0x299: {  	v47 =	vor.u32 v4, v35;
	[tilespmem:v46+s31+$0x0] =	vst.idx.msk $0xffff, v38;
	v38 =	vor.u32 v1, v17;
	v46 =	vld.idx.msk [tilespmem:v49+s24+$0x0], $0xffff  }
0x29a: {  	v48 =	vld.idx.msk [tilespmem:v48+s24+$0x0], $0xffff;
	[tilespmem:v41+s31+$0x0] =	vst.idx.msk $0xffff, v43;
	v41 =	vor.u32 v2, v23;
	v43 =	vor.u32 v3, v26  }
0x29b: {  	[tilespmem:v50+s31+$0x0] =	vst.idx.msk $0xffff, v34;
	v34 =	vor.u32 v3, v24;
	v49 =	vld.idx.msk [tilespmem:v52+s24+$0x0], $0xffff;
	v50 =	vor.u32 v4, v33  }
0x29c: {  	v52 =	vor.u32 v4, v21;
	[tilespmem:v53+s31+$0x0] =	vst.idx.msk $0xffff, v39;
	v39 =	vld.idx.msk [tilespmem:v54+s24+$0x0], $0xffff  }
0x29d: {  	v30 =	vor.u32 v15, v19;
	v53 =	vor.u32 v5, v20;
	v42 =	vld.idx.msk [tilespmem:v42+s24+$0x0], $0xffff;
	[tilespmem:v45+s31+$0x0] =	vst.idx.msk $0xffff, v40  }
0x29e: {  	v40 =	vor.u32 v3, v16;
	v45 =	vor.u32 v6, v25;
	v47 =	vld.idx.msk [tilespmem:v47+s24+$0x0], $0xffff;
	[tilespmem:v38+s31+$0x0] =	vst.idx.msk $0xffff, v36  }
0x29f: {  	v36 =	vor.u32 v4, v29;
	v38 =	vor.u32 v3, v22;
	v41 =	vld.idx.msk [tilespmem:v41+s24+$0x0], $0xffff;
	[tilespmem:v43+s31+$0x0] =	vst.idx.msk $0xffff, v46  }
0x2a0: {  	v43 =	vor.u32 v5, v32;
	[tilespmem:v34+s31+$0x0] =	vst.idx.msk $0xffff, v48;
	v34 =	vor.u32 v4, v28;
	v46 =	vld.idx.msk [tilespmem:v50+s24+$0x0], $0xffff  }
0x2a1: {  	v48 =	vor.u32 v6, v35;
	[tilespmem:v37+s31+$0x0] =	vst.idx.msk $0xffff, v44;
	v37 =	vld.idx.msk [tilespmem:v52+s24+$0x0], $0xffff;
	v44 =	vor.u32 v3, v17  }
0x2a2: {  	v50 =	vor.u32 v4, v23;
	[tilespmem:v53+s31+$0x0] =	vst.idx.msk $0xffff, v39;
	v39 =	vld.idx.msk [tilespmem:v51+s24+$0x0], $0xffff;
	v51 =	vor.u32 v5, v26  }
0x2a3: {  	[tilespmem:v40+s31+$0x0] =	vst.idx.msk $0xffff, v42;
	v40 =	vld.idx.msk [tilespmem:v45+s24+$0x0], $0xffff;
	v42 =	vor.u32 v5, v24;
	v45 =	vor.u32 v6, v33  }
0x2a4: {  	v52 =	vor.u32 v5, v19;
	v53 =	vor.u32 v6, v21;
	v36 =	vld.idx.msk [tilespmem:v36+s24+$0x0], $0xffff;
	[tilespmem:v38+s31+$0x0] =	vst.idx.msk $0xffff, v49  }
0x2a5: {  	v38 =	vor.u32 v7, v20;
	[tilespmem:v43+s31+$0x0] =	vst.idx.msk $0xffff, v47;
	v43 =	vor.u32 v6, v18;
	v34 =	vld.idx.msk [tilespmem:v34+s24+$0x0], $0xffff  }
0x2a6: {  	v49 =	vor.u32 v8, v25;
	v47 =	vor.u32 v5, v16;
	v48 =	vld.idx.msk [tilespmem:v48+s24+$0x0], $0xffff;
	[tilespmem:v44+s31+$0x0] =	vst.idx.msk $0xffff, v41  }
0x2a7: {  	v41 =	vor.u32 v6, v29;
	v44 =	vor.u32 v5, v22;
	v50 =	vld.idx.msk [tilespmem:v50+s24+$0x0], $0xffff;
	[tilespmem:v51+s31+$0x0] =	vst.idx.msk $0xffff, v46  }
0x2a8: {  	v46 =	vor.u32 v7, v32;
	[tilespmem:v42+s31+$0x0] =	vst.idx.msk $0xffff, v37;
	v37 =	vor.u32 v6, v28;
	v42 =	vld.idx.msk [tilespmem:v45+s24+$0x0], $0xffff  }
0x2a9: {  	v51 =	vor.u32 v7, v26;
	v45 =	vor.u32 v8, v35;
	[tilespmem:v52+s31+$0x0] =	vst.idx.msk $0xffff, v39;
	v39 =	vld.idx.msk [tilespmem:v53+s24+$0x0], $0xffff  }
0x2aa: {  	[tilespmem:v38+s31+$0x0] =	vst.idx.msk $0xffff, v40;
	v38 =	vld.idx.msk [tilespmem:v43+s24+$0x0], $0xffff;
	v40 =	vor.u32 v7, v24;
	v43 =	vor.u32 v8, v33  }
0x2ab: {  	[tilespmem:v47+s31+$0x0] =	vst.idx.msk $0xffff, v36;
	v36 =	vld.idx.msk [tilespmem:v49+s24+$0x0], $0xffff;
	v47 =	vor.u32 v7, v19;
	v49 =	vor.u32 v8, v21  }
0x2ac: {  	v52 =	vor.u32 v8, v18;
	v41 =	vld.idx.msk [tilespmem:v41+s24+$0x0], $0xffff;
	[tilespmem:v44+s31+$0x0] =	vst.idx.msk $0xffff, v34;
	v34 =	vor.u32 v5, v17  }
0x2ad: {  	v44 =	vor.u32 v7, v16;
	[tilespmem:v46+s31+$0x0] =	vst.idx.msk $0xffff, v48;
	v37 =	vld.idx.msk [tilespmem:v37+s24+$0x0], $0xffff;
	v46 =	vor.u32 v6, v23  }
0x2ae: {  	v53 =	vor.u32 v7, v22;
	v48 =	vor.u32 v8, v29;
	v45 =	vld.idx.msk [tilespmem:v45+s24+$0x0], $0xffff;
	[tilespmem:v51+s31+$0x0] =	vst.idx.msk $0xffff, v42  }
0x2af: {  	v42 =	vor.u32 v9, v32;
	[tilespmem:v40+s31+$0x0] =	vst.idx.msk $0xffff, v39;
	v39 =	vor.u32 v8, v28;
	v40 =	vld.idx.msk [tilespmem:v43+s24+$0x0], $0xffff  }
0x2b0: {  	v43 =	vor.u32 v10, v35;
	[tilespmem:v47+s31+$0x0] =	vst.idx.msk $0xffff, v38;
	v38 =	vld.idx.msk [tilespmem:v49+s24+$0x0], $0xffff;
	v47 =	vor.u32 v9, v26  }
0x2b1: {  	v51 =	vor.u32 v9, v24;
	v49 =	vld.idx.msk [tilespmem:v52+s24+$0x0], $0xffff;
	[tilespmem:v34+s31+$0x0] =	vst.idx.msk $0xffff, v50;
	v34 =	vor.u32 v10, v33  }
0x2b2: {  	[tilespmem:v44+s31+$0x0] =	vst.idx.msk $0xffff, v41;
	v41 =	vor.u32 v9, v19;
	v44 =	vor.u32 v10, v21;
	v46 =	vld.idx.msk [tilespmem:v46+s24+$0x0], $0xffff  }
0x2b3: {  	v50 =	vor.u32 v10, v18;
	v48 =	vld.idx.msk [tilespmem:v48+s24+$0x0], $0xffff;
	[tilespmem:v53+s31+$0x0] =	vst.idx.msk $0xffff, v37;
	v37 =	vor.u32 v7, v17  }
0x2b4: {  	v52 =	vor.u32 v9, v16;
	[tilespmem:v42+s31+$0x0] =	vst.idx.msk $0xffff, v45;
	v39 =	vld.idx.msk [tilespmem:v39+s24+$0x0], $0xffff;
	v45 =	vor.u32 v8, v23  }
0x2b5: {  	v53 =	vor.u32 v10, v29;
	v54 =	vld.idx.msk [tilespmem:v43+s24+$0x0], $0xffff;
	v43 =	vor.u32 v9, v22;
	[tilespmem:v47+s31+$0x0] =	vst.idx.msk $0xffff, v40  }
0x2b6: {  	v40 =	vor.u32 v11, v32;
	v47 =	vor.u32 v10, v28;
	[tilespmem:v51+s31+$0x0] =	vst.idx.msk $0xffff, v38;
	v51 =	vld.idx.msk [tilespmem:v34+s24+$0x0], $0xffff  }
0x2b7: {  	v55 =	vor.u32 v12, v35;
	[tilespmem:v41+s31+$0x0] =	vst.idx.msk $0xffff, v49;
	v41 =	vld.idx.msk [tilespmem:v44+s24+$0x0], $0xffff;
	v49 =	vor.u32 v11, v26  }
0x2b8: {  	v57 =	vor.u32 v12, v33;
	v56 =	vor.u32 v11, v24;
	v35 =	vld.idx.msk [tilespmem:v50+s24+$0x0], $0xffff;
	[tilespmem:v37+s31+$0x0] =	vst.idx.msk $0xffff, v46  }
.Ltmp8:
0x2b9: {  	v42 =	vor.u32 v9, v20;
	v34 =	vor.u32 v15, v24;
	[tilespmem:v52+s31+$0x0] =	vst.idx.msk $0xffff, v48;
	v37 =	vld.idx.msk [tilespmem:v45+s24+$0x0], $0xffff;
	(pc) =	sbr.rel @p1 .LBB2_10-.Ltmp8, $4  }
0x2ba: {  	v50 =	vor.u32 v9, v17;
	v48 =	vor.u32 v10, v25;
	v38 =	vld.idx.msk [tilespmem:v53+s24+$0x0], $0xffff;
	[tilespmem:v43+s31+$0x0] =	vst.idx.msk $0xffff, v39  }
0x2bb: {  	v44 =	vor.u32 v10, v23;
	v43 =	vor.u32 v11, v16;
	[tilespmem:v40+s31+$0x0] =	vst.idx.msk $0xffff, v54;
	v39 =	vld.idx.msk [tilespmem:v47+s24+$0x0], $0xffff  }
0x2bc: {  	v46 =	vor.u32 v11, v22;
	v45 =	vor.u32 v12, v29;
	v40 =	vld.idx.msk [tilespmem:v55+s24+$0x0], $0xffff;
	[tilespmem:v49+s31+$0x0] =	vst.idx.msk $0xffff, v51  }
0x2bd: {  	v47 =	vor.u32 v13, v32;
	v49 =	vor.u32 v12, v28;
	[tilespmem:v56+s31+$0x0] =	vst.idx.msk $0xffff, v41;
	v41 =	vld.idx.msk [tilespmem:v57+s24+$0x0], $0xffff  }
0x2be: {  	_ =	sdelay $0x3  }
0x2bf: {  	[tilespmem:v42+s31+$0x0] =	vst.idx.msk $0xffff, v36  }
0x2c0: {  	[tilespmem:v50+s31+$0x0] =	vst.idx.msk $0xffff, v37;
	v56 =	vor.u32 v11, v20;
	v36 =	vld.idx.msk [tilespmem:v48+s24+$0x0], $0xffff  }
0x2c1: {  	v33 =	vor.u32 v14, v33;
	v58 =	vor.u32 v11, v17;
	[tilespmem:v43+s31+$0x0] =	vst.idx.msk $0xffff, v38;
	v57 =	vld.idx.msk [tilespmem:v44+s24+$0x0], $0xffff  }
0x2c2: {  	v60 =	vor.u32 v13, v16;
	v48 =	vor.u32 v12, v21;
	v43 =	vld.idx.msk [tilespmem:v45+s24+$0x0], $0xffff;
	[tilespmem:v46+s31+$0x0] =	vst.idx.msk $0xffff, v39  }
0x2c3: {  	v59 =	vor.u32 v12, v25;
	v63 =	vor.u32 v13, v22;
	[tilespmem:v47+s31+$0x0] =	vst.idx.msk $0xffff, v40;
	v61 =	vld.idx.msk [tilespmem:v49+s24+$0x0], $0xffff  }
0x2c4: {  	v62 =	vor.u32 v12, v23;
	v47 =	vor.u32 v11, v19;
	[tilespmem:v31+s31+$0x0] =	vst.idx.msk $0xffff, v41  }
0x2c5: {  	v32 =	vor.u32 v15, v32;
	v49 =	vor.u32 v12, v18;
	v27 =	vld.idx.msk [tilespmem:v27+s24+$0x0], $0xffff;
	[tilespmem:v56+s31+$0x0] =	vst.idx.msk $0xffff, v36  }
0x2c6: {  	v29 =	vor.u32 v14, v29;
	v26 =	vor.u32 v15, v26;
	v33 =	vld.idx.msk [tilespmem:v33+s24+$0x0], $0xffff;
	[tilespmem:v58+s31+$0x0] =	vst.idx.msk $0xffff, v57  }
0x2c7: {  	v28 =	vor.u32 v14, v28;
	v24 =	vor.u32 v13, v24;
	v55 =	vld.idx.msk [tilespmem:v48+s24+$0x0], $0xffff;
	[tilespmem:v60+s31+$0x0] =	vst.idx.msk $0xffff, v43  }
0x2c8: {  	v50 =	vor.u32 v13, v20;
	v57 =	vor.u32 v14, v21;
	v37 =	vld.idx.msk [tilespmem:v59+s24+$0x0], $0xffff;
	[tilespmem:v63+s31+$0x0] =	vst.idx.msk $0xffff, v61  }
0x2c9: {  	v51 =	vor.u32 v14, v25;
	v53 =	vor.u32 v13, v17;
	v52 =	vld.idx.msk [tilespmem:v62+s24+$0x0], $0xffff;
	[tilespmem:v47+s31+$0x0] =	vst.idx.msk $0xffff, v35  }
0x2ca: {  	v54 =	vor.u32 v14, v23;
	v56 =	vor.u32 v13, v19;
	[tilespmem:v32+s31+$0x0] =	vst.idx.msk $0xffff, v27;
	v58 =	vld.idx.msk [tilespmem:v49+s24+$0x0], $0xffff  }
0x2cb: {  	v16 =	vor.u32 v15, v16;
	v59 =	vor.u32 v14, v18;
	v29 =	vld.idx.msk [tilespmem:v29+s24+$0x0], $0xffff;
	[tilespmem:v26+s31+$0x0] =	vst.idx.msk $0xffff, v33  }
0x2cc: {  	v61 =	vor.u32 v15, v22;
	v60 =	vld.idx.msk [tilespmem:v28+s24+$0x0], $0xffff;
	[tilespmem:v24+s31+$0x0] =	vst.idx.msk $0xffff, v55  }
0x2cd: {  	[tilespmem:v50+s31+$0x0] =	vst.idx.msk $0xffff, v37;
	v63 =	vld.idx.msk [tilespmem:v57+s24+$0x0], $0xffff  }
0x2ce: {  	v62 =	vor.u32 v15, v20;
	[tilespmem:v53+s31+$0x0] =	vst.idx.msk $0xffff, v52;
	v25 =	vld.idx.msk [tilespmem:v51+s24+$0x0], $0xffff  }
0x2cf: {  	v17 =	vor.u32 v15, v17;
	v23 =	vld.idx.msk [tilespmem:v54+s24+$0x0], $0xffff;
	[tilespmem:v56+s31+$0x0] =	vst.idx.msk $0xffff, v58  }
0x2d0: {  	s0 =	sadd.s32 $0x3, s9;
	[tilespmem:v16+s31+$0x0] =	vst.idx.msk $0xffff, v29;
	v16 =	vld.idx.msk [tilespmem:v59+s24+$0x0], $0xffff  }
0x2d1: {  	p1 =	sge.u32 s0, s7;
	[tilespmem:v61+s31+$0x0] =	vst.idx.msk $0xffff, v60  }
0x2d2: {  	s0 =	sshll.u32 @!p1 s0, $0xF;
	[tilespmem:v34+s31+$0x0] =	vst.idx.msk $0xffff, v63  }
0x2d3: {  	s0 =	sor.u32 @!p1 s10, s0;
	[tilespmem:v62+s31+$0x0] =	vst.idx.msk $0xffff, v25  }
0x2d4: {  	s9 =	simm.s32 @!p1 $0x400;
	s0 =	sshrl.u32 @!p1 s0, $0x3;
	[tilespmem:v17+s31+$0x0] =	vst.idx.msk $0xffff, v23  }
0x2d5: {  	s12 =	simm.s32 @!p1 $0x7A1400;
	s16 =	simm.s32 @!p1 $0x4000;
	s5 =	sadd.s32 @!p1 s1, s0;
	[tilespmem:v30+s31+$0x0] =	vst.idx.msk $0xffff, v16  }
0x2d6: {  	[tilespmem:s16], [sflag:$0x2] =	stream.strided.gather @!p1 [hbm4b:s5+s9], $0x2000, s12, s9, $0x38;
	[tilespmem:$0x13000] =	vst v63  }
0x2d7: {  	s20 =	sshll.u32 s11, $0x12;
	s0 =	sadd.s32 @!p1 s2, s0;
	s5 =	simm.s32 @!p1 $0x6000  }
0x2d8: {  	[tilespmem:s5], [sflag:$0x2] =	stream.strided.gather @!p1 [hbm4b:s0+s9], $0x2000, s12, s9, $0x38;
	[tilespmem:$0x13000] =	vst v63  }
0x2d9: {  	s0 =	sor.u32 s14, s20  }
.Ltmp9:
0x2da: {  	s0 =	sshrl.u32 s0, $0x3;
	(pc) =	sbr.rel .LBB2_12-.Ltmp9, $4  }
0x2db: {  	s21 =	sadd.s32 s3, s0  }
0x2dc: {  	[hbm4b:s21+s6] =	stream.linear.scatter [tilespmem:s30], [sflag:$0x4], $0x2000, $0x38;
	[tilespmem:$0x13000] =	vst v63  }
0x2dd: {  	s0 =	sadd.s32 s4, s0  }
0x2de: {  	[hbm4b:s0+s6] =	stream.linear.scatter [tilespmem:s31], [sflag:$0x4], $0x2000, $0x38;
	[tilespmem:$0x13000] =	vst v63  }
.LBB2_13:
0x2df: {  	s0 =	simm.s32 $0x3  }
0x2e0: {  	_ =	swait.ge [sflag:s0], $0x2000  }
0x2e1: {  	[sflag:s0] =	ssyncset.done $0x0  }
0x2e2: {  	[sflag:s0] =	ssyncadd.s32 $0xFFFFE000  }
0x2e3: {  	_ =	swait.ge [sflag:s0], $0x2000  }
0x2e4: {  	[sflag:s0] =	ssyncset.done $0x0  }
0x2e5: {  	s21 =	simm.s32 $0x4;
	[sflag:s0] =	ssyncadd.s32 $0xFFFFE000  }
0x2e6: {  	_ =	swait.ge [sflag:s21], $0x2000  }
.Ltmp10:
0x2e7: {  	[sflag:s21] =	ssyncset.done $0x0;
	(pc) =	sbr.rel @p0 .LBB2_19-.Ltmp10, $4  }
0x2e8: {  	[sflag:s21] =	ssyncadd.s32 $0xFFFFE000  }
0x2e9: {  	_ =	swait.ge [sflag:s21], $0x2000  }
0x2ea: {  	[sflag:s21] =	ssyncset.done $0x0  }
0x2eb: {  	s20 =	simm.s32 $0x400;
	[sflag:s21] =	ssyncadd.s32 $0xFFFFE000;
	s21 =	simm.s32 $0x7A1400  }
0x2ec: {  	s0 =	simm.s32 $0x0;
	s5 =	simm.s32 $0x1  }
0x2ed: {  	s16 =	simm.s32 $0x2;
	s19 =	simm.s32 $0x3;
	v16 =	vmov s0;
	v17 =	vadd.s32 s0, v0;
	v18 =	vmov s5  }
0x2ee: {  	s8 =	simm.s32 $0x4;
	s9 =	simm.s32 $0x5;
	v19 =	vadd.s32 s5, v0;
	v20 =	vadd.s32 s16, v0;
	v22 =	vmov s19  }
0x2ef: {  	s11 =	simm.s32 $0x6;
	v21 =	vmov s8;
	v23 =	vadd.s32 s8, v0;
	v24 =	vadd.s32 s9, v0  }
0x2f0: {  	s12 =	simm.s32 $0x7;
	v25 =	vmov s11;
	v26 =	vadd.s32 s19, v0;
	v27 =	vmov s9  }
0x2f1: {  	v30 =	vadd.s32 s11, v0;
	v34 =	vadd.s32 s12, v0;
	v16 =	vand.u32 $0x30, v16  }
0x2f2: {  	v18 =	vand.u32 $0x30, v18;
	v19 =	vand.u32 $0xF, v19;
	v17 =	vand.u32 $0xF, v17  }
0x2f3: {  	v20 =	vand.u32 $0xF, v20;
	v24 =	vand.u32 $0xF, v24;
	v21 =	vand.u32 $0x30, v21  }
0x2f4: {  	v26 =	vand.u32 $0xF, v26;
	v28 =	vor.u32 v16, v17;
	v17 =	vand.u32 $0xF, v23  }
0x2f5: {  	v23 =	vand.u32 $0x30, v25;
	v25 =	vmov s16;
	v46 =	vor.u32 v18, v19  }
0x2f6: {  	v19 =	vand.u32 $0x30, v22;
	v16 =	vor.u32 v7, v28;
	v29 =	vor.u32 v1, v28  }
0x2f7: {  	v31 =	vshll.u32 v28, $0x7;
	v32 =	vor.u32 v21, v17;
	v17 =	vand.u32 $0x30, v27  }
0x2f8: {  	v27 =	vmov s12;
	v37 =	vor.u32 v19, v26;
	v19 =	vand.u32 $0xF, v34  }
0x2f9: {  	v26 =	vand.u32 $0xF, v30;
	v52 =	vshll.u32 v46, $0x7;
	v56 =	vor.u32 v1, v46  }
0x2fa: {  	v55 =	vor.u32 v3, v46;
	v38 =	vshll.u32 v32, $0x7;
	v21 =	vor.u32 v7, v32  }
0x2fb: {  	[tilespmem:$0x1FE20] =	vst v16;
	v16 =	vor.u32 v6, v31;
	v39 =	vor.u32 v17, v24;
	v24 =	vand.u32 $0x30, v25  }
0x2fc: {  	v34 =	vshll.u32 v37, $0x7;
	v25 =	vand.u32 $0x30, v27;
	v30 =	vor.u32 v0, v31  }
0x2fd: {  	s16 =	rddreg [dreg:$0x9];
	v44 =	vor.u32 v23, v26;
	v35 =	vor.u32 v1, v32;
	v42 =	vor.u32 v0, v52  }
0x2fe: {  	[tilespmem:s15], [sflag:$0x5] =	stream.strided.gather [hbm4b:s16+s20], $0x2000, s21, s20, $0x38;
	v47 =	vor.u32 v1, v37;
	v49 =	vor.u32 v2, v31;
	v22 =	vor.u32 v0, v38;
	[tilespmem:$0x13000] =	vst v63  }
0x2ff: {  	s19 =	simm.s32 $0x5;
	v60 =	vor.u32 v2, v52;
	v61 =	vor.u32 v3, v32;
	[tilespmem:$0x1FE30] =	vst v16;
	v27 =	vor.u32 v0, v34  }
0x300: {  	v31 =	vor.u32 v4, v31;
	v32 =	vor.u32 v5, v32;
	v16 =	vor.u32 v7, v37;
	_ =	swait.ge [sflag:s19], $0x2000  }
0x301: {  	v45 =	vshll.u32 v39, $0x7;
	v54 =	vshll.u32 v44, $0x7;
	v41 =	vor.u32 v25, v19;
	[sflag:s19] =	ssyncset.done $0x0  }
0x302: {  	v36 =	vor.u32 v2, v38;
	v33 =	vor.u32 v0, v54;
	[tilespmem:$0x1FE40] =	vst v16;
	v16 =	vor.u32 v7, v39;
	[sflag:s19] =	ssyncadd.s32 $0xFFFFE000  }
0x303: {  	v26 =	vor.u32 v24, v20;
	v43 =	vor.u32 v0, v45;
	v23 =	vld.idx.msk [tilespmem:v22+s15+$0x0], $0xffff;
	[tilespmem:$0x1FE50] =	vst v16  }
0x304: {  	v24 =	vor.u32 v5, v28;
	v48 =	vor.u32 v2, v34;
	v50 =	vshll.u32 v41, $0x7;
	v27 =	vld.idx.msk [tilespmem:v27+s15+$0x0], $0xffff  }
0x305: {  	v58 =	vor.u32 v1, v44;
	v53 =	vshll.u32 v26, $0x7;
	v51 =	vor.u32 v0, v50;
	v30 =	vld.idx.msk [tilespmem:v30+s15+$0x0], $0xffff  }
0x306: {  	v62 =	vor.u32 v4, v38;
	v19 =	vor.u32 v3, v39;
	v59 =	vor.u32 v0, v53;
	v42 =	vld.idx.msk [tilespmem:v42+s15+$0x0], $0xffff  }
0x307: {  	v57 =	vor.u32 v3, v44;
	v20 =	vor.u32 v7, v26;
	v25 =	vor.u32 v5, v41;
	v40 =	vld.idx.msk [tilespmem:v33+s15+$0x0], $0xffff  }
0x308: {  	v17 =	vor.u32 v2, v45;
	v18 =	vor.u32 v2, v54;
	v43 =	vld.idx.msk [tilespmem:v43+s15+$0x0], $0xffff;
	[tilespmem:v35+s17+$0x0] =	vst.idx.msk $0xffff, v23  }
0x309: {  	v63 =	vor.u32 v1, v26;
	v22 =	vor.u32 v7, v46;
	[tilespmem:v47+s17+$0x0] =	vst.idx.msk $0xffff, v27;
	v47 =	vld.idx.msk [tilespmem:v36+s15+$0x0], $0xffff  }
0x30a: {  	v16 =	vor.u32 v1, v39;
	v33 =	vor.u32 v2, v50;
	v51 =	vld.idx.msk [tilespmem:v51+s15+$0x0], $0xffff;
	v23 =	vor.u32 v7, v44  }
0x30b: {  	v59 =	vld.idx.msk [tilespmem:v59+s15+$0x0], $0xffff;
	v35 =	vor.u32 v3, v28;
	v28 =	vor.u32 v7, v41;
	[tilespmem:v29+s17+$0x0] =	vst.idx.msk $0xffff, v30  }
0x30c: {  	v27 =	vor.u32 v6, v34;
	[tilespmem:v56+s17+$0x0] =	vst.idx.msk $0xffff, v42;
	v56 =	vor.u32 v1, v41;
	v48 =	vld.idx.msk [tilespmem:v48+s15+$0x0], $0xffff  }
0x30d: {  	v29 =	vor.u32 v6, v50;
	[tilespmem:v58+s17+$0x0] =	vst.idx.msk $0xffff, v40;
	v36 =	vld.idx.msk [tilespmem:v49+s15+$0x0], $0xffff;
	v49 =	vor.u32 v3, v37  }
0x30e: {  	v30 =	vor.u32 v4, v45;
	v42 =	vor.u32 v2, v53;
	[tilespmem:v61+s17+$0x0] =	vst.idx.msk $0xffff, v47;
	v47 =	vld.idx.msk [tilespmem:v60+s15+$0x0], $0xffff  }
0x30f: {  	[tilespmem:v16+s17+$0x0] =	vst.idx.msk $0xffff, v43;
	v40 =	vor.u32 v6, v38;
	v60 =	vor.u32 v4, v52;
	v58 =	vld.idx.msk [tilespmem:v62+s15+$0x0], $0xffff  }
0x310: {  	v38 =	vor.u32 v4, v53;
	v50 =	vor.u32 v4, v50;
	[tilespmem:v63+s17+$0x0] =	vst.idx.msk $0xffff, v59;
	v62 =	vld.idx.msk [tilespmem:v18+s15+$0x0], $0xffff  }
0x311: {  	v37 =	vor.u32 v5, v37;
	v61 =	vor.u32 v4, v54;
	[tilespmem:v56+s17+$0x0] =	vst.idx.msk $0xffff, v51;
	v56 =	vld.idx.msk [tilespmem:v17+s15+$0x0], $0xffff  }
0x312: {  	v51 =	vor.u32 v4, v34;
	[tilespmem:v49+s17+$0x0] =	vst.idx.msk $0xffff, v48;
	v49 =	vor.u32 v3, v41;
	v48 =	vld.idx.msk [tilespmem:v33+s15+$0x0], $0xffff  }
0x313: {  	v42 =	vld.idx.msk [tilespmem:v42+s15+$0x0], $0xffff;
	v34 =	vor.u32 v5, v39;
	v39 =	vor.u32 v5, v44;
	[tilespmem:v55+s17+$0x0] =	vst.idx.msk $0xffff, v47  }
0x314: {  	v41 =	vor.u32 v3, v26;
	v33 =	vor.u32 v6, v45;
	v43 =	vld.idx.msk [tilespmem:v60+s15+$0x0], $0xffff;
	[tilespmem:v32+s17+$0x0] =	vst.idx.msk $0xffff, v58  }
0x315: {  	v45 =	vor.u32 v6, v52;
	v47 =	vor.u32 v5, v46;
	[tilespmem:v57+s17+$0x0] =	vst.idx.msk $0xffff, v62;
	v44 =	vld.idx.msk [tilespmem:v40+s15+$0x0], $0xffff  }
0x316: {  	s11 =	simm.s32 $0x8;
	[tilespmem:v19+s17+$0x0] =	vst.idx.msk $0xffff, v56;
	v32 =	vor.u32 v6, v53;
	v40 =	vor.u32 v6, v54;
	v46 =	vld.idx.msk [tilespmem:v61+s15+$0x0], $0xffff  }
.LBB2_15:
0x317: {  	v16 =	vld [tilespmem:$0x1FE30];
	[tilespmem:v49+s17+$0x0] =	vst.idx.msk $0xffff, v48  }
0x318: {  	[tilespmem:v35+s17+$0x0] =	vst.idx.msk $0xffff, v36;
	v35 =	vld.idx.msk [tilespmem:v50+s15+$0x0], $0xffff  }
0x319: {  	v31 =	vld.idx.msk [tilespmem:v31+s15+$0x0], $0xffff;
	_ =	sdelay $0x1  }
0x31a: {  	v52 =	vmov s11;
	v53 =	vadd.s32 s11, v0  }
0x31b: {  	v60 =	vand.u32 $0xF, v53;
	v48 =	vand.u32 $0x30, v52;
	[tilespmem:v47+s17+$0x0] =	vst.idx.msk $0xffff, v43  }
0x31c: {  	v51 =	vld.idx.msk [tilespmem:v51+s15+$0x0], $0xffff;
	v43 =	vor.u32 v48, v60;
	[tilespmem:v25+s17+$0x0] =	vst.idx.msk $0xffff, v35  }
0x31d: {  	[tilespmem:v24+s17+$0x0] =	vst.idx.msk $0xffff, v31;
	v24 =	vld.idx.msk [tilespmem:v29+s15+$0x0], $0xffff;
	v29 =	vshll.u32 v43, $0x7  }
0x31e: {  	v31 =	vld.idx.msk [tilespmem:v16+s15+$0x0], $0xffff;
	v16 =	vor.u32 v6, v29  }
0x31f: {  	[tilespmem:$0x1FE30] =	vst v16;
	v16 =	vld [tilespmem:$0x1FE40]  }
0x320: {  	v30 =	vld.idx.msk [tilespmem:v30+s15+$0x0], $0xffff  }
0x321: {  	[tilespmem:v37+s17+$0x0] =	vst.idx.msk $0xffff, v51  }
0x322: {  	s0 =	sadd.s32 $0x1, s11;
	s16 =	smov.u32 s11;
	v27 =	vld.idx.msk [tilespmem:v27+s15+$0x0], $0xffff  }
0x323: {  	v63 =	vmov s0;
	v56 =	vadd.s32 s0, v0;
	s0 =	sadd.s32 $0x3, s16;
	s19 =	sadd.s32 $0x4, s16;
	[tilespmem:v41+s17+$0x0] =	vst.idx.msk $0xffff, v42  }
0x324: {  	v59 =	vadd.s32 s19, v0;
	v55 =	vadd.s32 s0, v0;
	[tilespmem:v21+s17+$0x0] =	vst.idx.msk $0xffff, v44;
	v50 =	vmov s0  }
0x325: {  	v21 =	vand.u32 $0xF, v59;
	[tilespmem:v34+s17+$0x0] =	vst.idx.msk $0xffff, v30;
	v30 =	vand.u32 $0xF, v55;
	v59 =	vand.u32 $0x30, v50  }
0x326: {  	[tilespmem:v39+s17+$0x0] =	vst.idx.msk $0xffff, v46;
	v38 =	vld.idx.msk [tilespmem:v38+s15+$0x0], $0xffff;
	v37 =	vor.u32 v59, v30  }
0x327: {  	s5 =	sadd.s32 $0x2, s11;
	s12 =	sadd.s32 $0x6, s11;
	v26 =	vor.u32 v5, v26;
	v45 =	vld.idx.msk [tilespmem:v45+s15+$0x0], $0xffff;
	[tilespmem:v16+s17+$0x0] =	vst.idx.msk $0xffff, v27;
	v16 =	vor.u32 v7, v37  }
0x328: {  	v57 =	vadd.s32 s5, v0;
	v62 =	vmov s12;
	v54 =	vmov s5;
	[tilespmem:$0x1FE40] =	vst v16;
	v16 =	vld [tilespmem:$0x1FE50]  }
0x329: {  	s9 =	sadd.s32 $0x7, s16;
	s16 =	sadd.s32 $0x5, s16;
	v36 =	vand.u32 $0x30, v63;
	v58 =	vmov s19;
	v41 =	vand.u32 $0xF, v56;
	v56 =	vld.idx.msk [tilespmem:v40+s15+$0x0], $0xffff  }
0x32a: {  	v61 =	vadd.s32 s16, v0;
	v63 =	vand.u32 $0x30, v62;
	v49 =	vand.u32 $0xF, v57  }
0x32b: {  	v47 =	vand.u32 $0xF, v61;
	v57 =	vmov s16;
	v61 =	vadd.s32 s9, v0;
	v33 =	vld.idx.msk [tilespmem:v33+s15+$0x0], $0xffff  }
0x32c: {  	v39 =	vor.u32 v7, v43;
	v40 =	vor.u32 v1, v43;
	v34 =	vshll.u32 v37, $0x7;
	[tilespmem:v26+s17+$0x0] =	vst.idx.msk $0xffff, v38  }
0x32d: {  	v25 =	vand.u32 $0x30, v58;
	v58 =	vadd.s32 s12, v0;
	v26 =	vmov s9;
	[tilespmem:v22+s17+$0x0] =	vst.idx.msk $0xffff, v45  }
0x32e: {  	[tilespmem:v23+s17+$0x0] =	vst.idx.msk $0xffff, v56;
	v23 =	vand.u32 $0xF, v61;
	v51 =	vor.u32 v25, v21;
	v25 =	vand.u32 $0x30, v57  }
0x32f: {  	v22 =	vld.idx.msk [tilespmem:v32+s15+$0x0], $0xffff;
	v32 =	vor.u32 v36, v41;
	v26 =	vand.u32 $0x30, v26;
	v45 =	vor.u32 v25, v47  }
0x330: {  	v38 =	vshll.u32 v51, $0x7;
	v21 =	vor.u32 v7, v51;
	[tilespmem:v16+s17+$0x0] =	vst.idx.msk $0xffff, v33;
	v16 =	vor.u32 v7, v45  }
0x331: {  	v25 =	vand.u32 $0x30, v54;
	v41 =	vor.u32 v26, v23;
	v47 =	vor.u32 v2, v34;
	[tilespmem:$0x1FE50] =	vst v16;
	v16 =	vld [tilespmem:$0x1FE20]  }
0x332: {  	v56 =	vor.u32 v1, v32;
	v61 =	vor.u32 v3, v51;
	v60 =	vor.u32 v0, v38  }
0x333: {  	v53 =	vshll.u32 v32, $0x7;
	v19 =	vor.u32 v5, v51;
	[tilespmem:v28+s17+$0x0] =	vst.idx.msk $0xffff, v24;
	v24 =	vor.u32 v0, v34  }
0x334: {  	v46 =	vshll.u32 v45, $0x7;
	v35 =	vor.u32 v2, v38;
	v62 =	vor.u32 v0, v53  }
0x335: {  	v26 =	vor.u32 v25, v49;
	v28 =	vand.u32 $0xF, v58;
	v27 =	vor.u32 v0, v29  }
0x336: {  	v49 =	vor.u32 v1, v45;
	v25 =	vor.u32 v5, v41;
	v44 =	vor.u32 v63, v28  }
0x337: {  	v28 =	vor.u32 v1, v51;
	v63 =	vor.u32 v0, v46;
	v30 =	vld.idx.msk [tilespmem:v60+s15+$0x0], $0xffff;
	v52 =	vshll.u32 v44, $0x7  }
0x338: {  	v50 =	vshll.u32 v41, $0x7;
	v54 =	vshll.u32 v26, $0x7;
	[tilespmem:v20+s17+$0x0] =	vst.idx.msk $0xffff, v22;
	v23 =	vor.u32 v0, v52;
	v42 =	vld.idx.msk [tilespmem:v24+s15+$0x0], $0xffff  }
0x339: {  	v48 =	vor.u32 v0, v50;
	v22 =	vor.u32 v7, v32;
	v33 =	vld.idx.msk [tilespmem:v62+s15+$0x0], $0xffff;
	[tilespmem:v16+s17+$0x0] =	vst.idx.msk $0xffff, v31  }
0x33a: {  	v20 =	vor.u32 v7, v26;
	v58 =	vor.u32 v2, v46;
	v31 =	vld.idx.msk [tilespmem:v27+s15+$0x0], $0xffff;
	v27 =	vor.u32 v1, v37  }
0x33b: {  	v51 =	vor.u32 v4, v34;
	v55 =	vor.u32 v1, v44;
	v60 =	vor.u32 v0, v54  }
0x33c: {  	v17 =	vor.u32 v3, v44;
	[tilespmem:v28+s17+$0x0] =	vst.idx.msk $0xffff, v30;
	v28 =	vor.u32 v2, v29;
	v57 =	vld.idx.msk [tilespmem:v63+s15+$0x0], $0xffff  }
0x33d: {  	v59 =	vor.u32 v2, v52;
	v24 =	vor.u32 v5, v43;
	v16 =	vmov v39;
	v39 =	vld.idx.msk [tilespmem:v23+s15+$0x0], $0xffff  }
0x33e: {  	v30 =	vor.u32 v4, v46;
	v62 =	vor.u32 v2, v54;
	[tilespmem:v56+s17+$0x0] =	vst.idx.msk $0xffff, v33  }
0x33f: {  	v48 =	vld.idx.msk [tilespmem:v48+s15+$0x0], $0xffff;
	v63 =	vor.u32 v3, v37;
	v56 =	vor.u32 v1, v41;
	[tilespmem:v27+s17+$0x0] =	vst.idx.msk $0xffff, v42  }
0x340: {  	v33 =	vor.u32 v3, v32;
	v42 =	vld.idx.msk [tilespmem:v35+s15+$0x0], $0xffff;
	[tilespmem:v40+s17+$0x0] =	vst.idx.msk $0xffff, v31;
	v40 =	vor.u32 v2, v53  }
0x341: {  	[tilespmem:v49+s17+$0x0] =	vst.idx.msk $0xffff, v57;
	v49 =	vor.u32 v3, v41;
	v36 =	vld.idx.msk [tilespmem:v28+s15+$0x0], $0xffff;
	v28 =	vor.u32 v4, v38  }
0x342: {  	v60 =	vld.idx.msk [tilespmem:v60+s15+$0x0], $0xffff;
	[tilespmem:v55+s17+$0x0] =	vst.idx.msk $0xffff, v39;
	v35 =	vor.u32 v3, v43;
	v43 =	vor.u32 v1, v26  }
0x343: {  	v23 =	vor.u32 v7, v44;
	[tilespmem:$0x1FE20] =	vst v16;
	v16 =	vor.u32 v2, v50;
	v57 =	vld.idx.msk [tilespmem:v59+s15+$0x0], $0xffff  }
0x344: {  	v37 =	vor.u32 v5, v37;
	[tilespmem:v56+s17+$0x0] =	vst.idx.msk $0xffff, v48;
	v55 =	vor.u32 v4, v52;
	v47 =	vld.idx.msk [tilespmem:v47+s15+$0x0], $0xffff  }
0x345: {  	v39 =	vor.u32 v4, v53;
	v27 =	vor.u32 v6, v34;
	v40 =	vld.idx.msk [tilespmem:v40+s15+$0x0], $0xffff;
	[tilespmem:v61+s17+$0x0] =	vst.idx.msk $0xffff, v42  }
0x346: {  	v31 =	vor.u32 v4, v29;
	v29 =	vor.u32 v6, v50;
	v59 =	vor.u32 v6, v38;
	v18 =	vld.idx.msk [tilespmem:v28+s15+$0x0], $0xffff  }
0x347: {  	p1 =	slt.u32 s11, $0x38;
	v58 =	vld.idx.msk [tilespmem:v58+s15+$0x0], $0xffff;
	v34 =	vor.u32 v5, v45;
	v61 =	vor.u32 v3, v45;
	[tilespmem:v43+s17+$0x0] =	vst.idx.msk $0xffff, v60  }
.Ltmp11:
0x348: {  	v48 =	vld.idx.msk [tilespmem:v16+s15+$0x0], $0xffff;
	v50 =	vor.u32 v4, v50;
	v38 =	vor.u32 v4, v54;
	[tilespmem:v17+s17+$0x0] =	vst.idx.msk $0xffff, v57;
	(pc) =	sbr.rel @p1 .LBB2_15-.Ltmp11, $4  }
0x349: {  	v45 =	vor.u32 v6, v53;
	v28 =	vor.u32 v7, v41;
	[tilespmem:v63+s17+$0x0] =	vst.idx.msk $0xffff, v47;
	v42 =	vld.idx.msk [tilespmem:v62+s15+$0x0], $0xffff  }
0x34a: {  	v41 =	vor.u32 v3, v26;
	[tilespmem:v33+s17+$0x0] =	vst.idx.msk $0xffff, v40;
	v33 =	vor.u32 v6, v46;
	v46 =	vld.idx.msk [tilespmem:v55+s15+$0x0], $0xffff  }
0x34b: {  	s8 =	sadd.s32 $0x8, s11;
	v47 =	vor.u32 v5, v32;
	v32 =	vor.u32 v6, v54;
	v43 =	vld.idx.msk [tilespmem:v39+s15+$0x0], $0xffff;
	[tilespmem:v19+s17+$0x0] =	vst.idx.msk $0xffff, v18  }
0x34c: {  	s11 =	smov.u32 s8;
	v40 =	vor.u32 v6, v52;
	[tilespmem:v61+s17+$0x0] =	vst.idx.msk $0xffff, v58;
	v39 =	vor.u32 v5, v44;
	v44 =	vld.idx.msk [tilespmem:v59+s15+$0x0], $0xffff  }
0x34d: {  	_ =	sdelay $0x3  }
0x34e: {  	[tilespmem:v49+s17+$0x0] =	vst.idx.msk $0xffff, v48  }
0x34f: {  	v16 =	vld.idx.msk [tilespmem:v51+s15+$0x0], $0xffff;
	[tilespmem:v35+s17+$0x0] =	vst.idx.msk $0xffff, v36  }
0x350: {  	v17 =	vld.idx.msk [tilespmem:v50+s15+$0x0], $0xffff;
	[tilespmem:v41+s17+$0x0] =	vst.idx.msk $0xffff, v42  }
0x351: {  	v18 =	vld.idx.msk [tilespmem:v31+s15+$0x0], $0xffff;
	[tilespmem:v39+s17+$0x0] =	vst.idx.msk $0xffff, v46  }
0x352: {  	v19 =	vor.u32 v5, v26;
	v26 =	vld.idx.msk [tilespmem:v38+s15+$0x0], $0xffff;
	[tilespmem:v47+s17+$0x0] =	vst.idx.msk $0xffff, v43  }
0x353: {  	[tilespmem:v21+s17+$0x0] =	vst.idx.msk $0xffff, v44;
	v21 =	vld.idx.msk [tilespmem:v30+s15+$0x0], $0xffff  }
0x354: {  	v30 =	vld.idx.msk [tilespmem:v45+s15+$0x0], $0xffff;
	[tilespmem:v37+s17+$0x0] =	vst.idx.msk $0xffff, v16  }
0x355: {  	v16 =	vld.idx.msk [tilespmem:v40+s15+$0x0], $0xffff;
	[tilespmem:v25+s17+$0x0] =	vst.idx.msk $0xffff, v17  }
0x356: {  	[tilespmem:v24+s17+$0x0] =	vst.idx.msk $0xffff, v18;
	v17 =	vld.idx.msk [tilespmem:v29+s15+$0x0], $0xffff  }
0x357: {  	[tilespmem:v19+s17+$0x0] =	vst.idx.msk $0xffff, v26  }
0x358: {  	[tilespmem:v34+s17+$0x0] =	vst.idx.msk $0xffff, v21  }
0x359: {  	[tilespmem:v22+s17+$0x0] =	vst.idx.msk $0xffff, v30  }
0x35a: {  	v29 =	vld [tilespmem:$0x1FE30];
	[tilespmem:v23+s17+$0x0] =	vst.idx.msk $0xffff, v16  }
0x35b: {  	[tilespmem:v28+s17+$0x0] =	vst.idx.msk $0xffff, v17  }
0x35c: {  	v30 =	vld [tilespmem:$0x1FE40];
	_ =	sdelay $0x2  }
0x35d: {  	v18 =	vld.idx.msk [tilespmem:v27+s15+$0x0], $0xffff  }
0x35e: {  	v24 =	vld.idx.msk [tilespmem:v32+s15+$0x0], $0xffff  }
0x35f: {  	s0 =	simm.s32 $0x0  }
0x360: {  	v19 =	vmov s0;
	v21 =	vadd.s32 s0, v0  }
0x361: {  	s9 =	simm.s32 $0x4;
	v19 =	vand.u32 $0x30, v19;
	v21 =	vand.u32 $0xF, v21  }
0x362: {  	v22 =	vld.idx.msk [tilespmem:v33+s15+$0x0], $0xffff;
	v17 =	vadd.s32 s9, v0;
	[tilespmem:v30+s17+$0x0] =	vst.idx.msk $0xffff, v18;
	v30 =	vor.u32 v19, v21  }
0x363: {  	[tilespmem:v20+s17+$0x0] =	vst.idx.msk $0xffff, v24;
	v29 =	vld.idx.msk [tilespmem:v29+s15+$0x0], $0xffff;
	v19 =	vand.u32 $0xF, v17;
	v17 =	vor.u32 v7, v30  }
0x364: {  	[tilespmem:$0x1FDD0] =	vst v17;
	v17 =	vld [tilespmem:$0x1FE50];
	_ =	sdelay $0x7  }
0x365: {  	[tilespmem:v17+s17+$0x0] =	vst.idx.msk $0xffff, v22  }
0x366: {  	v17 =	vld [tilespmem:$0x1FE20];
	_ =	sdelay $0x1  }
0x367: {  	s16 =	simm.s32 $0x7  }
0x368: {  	s5 =	simm.s32 $0x1;
	s8 =	simm.s32 $0x2;
	v58 =	vmov s16  }
0x369: {  	v25 =	vmov s5;
	v27 =	vadd.s32 s8, v0;
	v26 =	vadd.s32 s5, v0  }
0x36a: {  	s19 =	simm.s32 $0x3;
	v25 =	vand.u32 $0x30, v25;
	v27 =	vand.u32 $0xF, v27;
	v23 =	vand.u32 $0xF, v26  }
0x36b: {  	s11 =	simm.s32 $0x5;
	v16 =	vmov s19;
	v26 =	vmov s9;
	v46 =	vor.u32 v25, v23  }
0x36c: {  	s12 =	simm.s32 $0x6;
	v16 =	vand.u32 $0x30, v16;
	v25 =	vadd.s32 s16, v0;
	v28 =	vadd.s32 s11, v0  }
0x36d: {  	v52 =	vshll.u32 v46, $0x7;
	v20 =	vmov s11;
	v18 =	vmov s12;
	[tilespmem:v17+s17+$0x0] =	vst.idx.msk $0xffff, v29  }
0x36e: {  	v21 =	vand.u32 $0x30, v18;
	v18 =	vand.u32 $0x30, v26;
	v26 =	vadd.s32 s12, v0;
	s12 =	simm.s32 $0x5;
	s11 =	rddreg [dreg:$0xa]  }
0x36f: {  	v24 =	vmov s8;
	v28 =	vand.u32 $0xF, v28;
	v62 =	vor.u32 v0, v52;
	[hbm4b:s11+s0] =	stream.linear.scatter [tilespmem:s17], [sflag:$0x5], $0x1000, $0x38;
	[tilespmem:$0x13000] =	vst v63  }
0x370: {  	v32 =	vor.u32 v18, v19;
	v22 =	vadd.s32 s19, v0;
	v29 =	vshll.u32 v30, $0x7;
	_ =	swait.ge [sflag:s12], $0x1000  }
0x371: {  	v43 =	vshll.u32 v32, $0x7;
	v22 =	vand.u32 $0xF, v22;
	v17 =	vor.u32 v6, v29;
	[sflag:s12] =	ssyncset.done $0x0  }
0x372: {  	v19 =	vand.u32 $0x30, v20;
	v23 =	vor.u32 v0, v43;
	v36 =	vor.u32 v16, v22;
	[tilespmem:$0x1FDE0] =	vst v17;
	s19 =	rddreg [dreg:$0xb];
	[sflag:s12] =	ssyncadd.s32 $0xFFFFF000  }
0x373: {  	v26 =	vand.u32 $0xF, v26;
	v39 =	vor.u32 v19, v28;
	v42 =	vshll.u32 v36, $0x7;
	[tilespmem:s15], [sflag:$0x5] =	stream.strided.gather [hbm4b:s19+s20], $0x2000, s21, s20, $0x38;
	[tilespmem:$0x13000] =	vst v63  }
0x374: {  	v19 =	vand.u32 $0xF, v25;
	v44 =	vor.u32 v21, v26;
	v25 =	vor.u32 v0, v42;
	_ =	swait.ge [sflag:s12], $0x2000  }
0x375: {  	v54 =	vshll.u32 v44, $0x7;
	v16 =	vor.u32 v7, v36;
	v28 =	vor.u32 v0, v29;
	[sflag:s12] =	ssyncset.done $0x0  }
0x376: {  	v59 =	vor.u32 v1, v32;
	v45 =	vshll.u32 v39, $0x7;
	v61 =	vor.u32 v0, v54;
	[tilespmem:$0x1FDF0] =	vst v16;
	[sflag:s12] =	ssyncadd.s32 $0xFFFFE000  }
0x377: {  	v22 =	vand.u32 $0x30, v24;
	v24 =	vand.u32 $0x30, v58;
	v16 =	vor.u32 v7, v39;
	v23 =	vld.idx.msk [tilespmem:v23+s15+$0x0], $0xffff  }
0x378: {  	v60 =	vor.u32 v2, v43;
	v34 =	vor.u32 v0, v45;
	v41 =	vor.u32 v24, v19;
	[tilespmem:$0x1FE00] =	vst v16  }
0x379: {  	v26 =	vor.u32 v22, v27;
	v63 =	vor.u32 v1, v36;
	v50 =	vshll.u32 v41, $0x7;
	v27 =	vld.idx.msk [tilespmem:v25+s15+$0x0], $0xffff  }
0x37a: {  	v31 =	vor.u32 v1, v30;
	v51 =	vor.u32 v0, v50;
	v28 =	vld.idx.msk [tilespmem:v28+s15+$0x0], $0xffff  }
0x37b: {  	v56 =	vor.u32 v1, v46;
	v58 =	vor.u32 v1, v44;
	v48 =	vor.u32 v2, v42;
	v38 =	vld.idx.msk [tilespmem:v62+s15+$0x0], $0xffff  }
0x37c: {  	v53 =	vshll.u32 v26, $0x7;
	v49 =	vor.u32 v2, v29;
	v40 =	vld.idx.msk [tilespmem:v61+s15+$0x0], $0xffff;
	[tilespmem:v59+s17+$0x0] =	vst.idx.msk $0xffff, v23  }
0x37d: {  	v61 =	vor.u32 v3, v32;
	v59 =	vor.u32 v0, v53;
	v47 =	vld.idx.msk [tilespmem:v60+s15+$0x0], $0xffff  }
0x37e: {  	v18 =	vor.u32 v2, v54;
	v37 =	vld.idx.msk [tilespmem:v34+s15+$0x0], $0xffff;
	[tilespmem:v63+s17+$0x0] =	vst.idx.msk $0xffff, v27;
	v60 =	vor.u32 v2, v52  }
0x37f: {  	v16 =	vor.u32 v1, v39;
	v62 =	vor.u32 v4, v43;
	v51 =	vld.idx.msk [tilespmem:v51+s15+$0x0], $0xffff;
	[tilespmem:v31+s17+$0x0] =	vst.idx.msk $0xffff, v28  }
0x380: {  	v17 =	vor.u32 v2, v45;
	[tilespmem:v56+s17+$0x0] =	vst.idx.msk $0xffff, v38;
	v38 =	vor.u32 v1, v41;
	v48 =	vld.idx.msk [tilespmem:v48+s15+$0x0], $0xffff  }
0x381: {  	v31 =	vor.u32 v4, v29;
	[tilespmem:v58+s17+$0x0] =	vst.idx.msk $0xffff, v40;
	v35 =	vld.idx.msk [tilespmem:v49+s15+$0x0], $0xffff;
	v49 =	vor.u32 v3, v36  }
0x382: {  	v63 =	vor.u32 v1, v26;
	v29 =	vor.u32 v4, v54;
	v59 =	vld.idx.msk [tilespmem:v59+s15+$0x0], $0xffff;
	[tilespmem:v61+s17+$0x0] =	vst.idx.msk $0xffff, v47  }
0x383: {  	v57 =	vor.u32 v3, v46;
	v47 =	vld.idx.msk [tilespmem:v60+s15+$0x0], $0xffff;
	[tilespmem:$0x1FE10] =	vst v29  }
0x384: {  	v20 =	vor.u32 v7, v32;
	v32 =	vor.u32 v5, v32;
	v58 =	vld.idx.msk [tilespmem:v62+s15+$0x0], $0xffff;
	[tilespmem:v16+s17+$0x0] =	vst.idx.msk $0xffff, v37  }
0x385: {  	v61 =	vor.u32 v3, v44;
	v62 =	vld.idx.msk [tilespmem:v18+s15+$0x0], $0xffff;
	[tilespmem:v38+s17+$0x0] =	vst.idx.msk $0xffff, v51  }
0x386: {  	v19 =	vor.u32 v3, v39;
	[tilespmem:v49+s17+$0x0] =	vst.idx.msk $0xffff, v48;
	v55 =	vld.idx.msk [tilespmem:v17+s15+$0x0], $0xffff  }
0x387: {  	[tilespmem:v63+s17+$0x0] =	vst.idx.msk $0xffff, v59  }
0x388: {  	[tilespmem:v57+s17+$0x0] =	vst.idx.msk $0xffff, v47  }
0x389: {  	[tilespmem:v32+s17+$0x0] =	vst.idx.msk $0xffff, v58  }
0x38a: {  	[tilespmem:v61+s17+$0x0] =	vst.idx.msk $0xffff, v62  }
0x38b: {  	v34 =	vor.u32 v2, v50;
	[tilespmem:v19+s17+$0x0] =	vst.idx.msk $0xffff, v55  }
0x38c: {  	v33 =	vor.u32 v3, v30;
	v56 =	vor.u32 v2, v53;
	v16 =	vld [tilespmem:$0x1FE10]  }
0x38d: {  	v22 =	vor.u32 v7, v46;
	v24 =	vor.u32 v5, v30;
	v60 =	vor.u32 v4, v52  }
0x38e: {  	v21 =	vor.u32 v7, v26;
	v30 =	vor.u32 v4, v45;
	v40 =	vor.u32 v6, v43  }
0x38f: {  	v25 =	vor.u32 v5, v41;
	v23 =	vor.u32 v7, v44;
	v27 =	vor.u32 v6, v42  }
0x390: {  	v28 =	vor.u32 v6, v50;
	v50 =	vor.u32 v4, v50;
	v49 =	vor.u32 v3, v41;
	v48 =	vld.idx.msk [tilespmem:v34+s15+$0x0], $0xffff  }
0x391: {  	v29 =	vor.u32 v7, v41;
	v37 =	vor.u32 v5, v36;
	v51 =	vor.u32 v4, v42;
	v42 =	vld.idx.msk [tilespmem:v56+s15+$0x0], $0xffff  }
0x392: {  	v38 =	vor.u32 v4, v53;
	v41 =	vor.u32 v3, v26;
	v36 =	vor.u32 v6, v45;
	v43 =	vld.idx.msk [tilespmem:v60+s15+$0x0], $0xffff  }
0x393: {  	v45 =	vor.u32 v6, v52;
	v34 =	vor.u32 v5, v39;
	v39 =	vor.u32 v5, v44;
	v44 =	vld.idx.msk [tilespmem:v40+s15+$0x0], $0xffff  }
0x394: {  	s11 =	simm.s32 $0x8;
	v47 =	vor.u32 v5, v46;
	v32 =	vor.u32 v6, v53;
	v40 =	vor.u32 v6, v54;
	v46 =	vld.idx.msk [tilespmem:v16+s15+$0x0], $0xffff  }
.LBB2_17:
0x395: {  	v16 =	vld [tilespmem:$0x1FDE0];
	[tilespmem:v49+s17+$0x0] =	vst.idx.msk $0xffff, v48  }
0x396: {  	[tilespmem:v33+s17+$0x0] =	vst.idx.msk $0xffff, v35;
	v33 =	vld.idx.msk [tilespmem:v50+s15+$0x0], $0xffff  }
0x397: {  	v31 =	vld.idx.msk [tilespmem:v31+s15+$0x0], $0xffff;
	_ =	sdelay $0x1  }
0x398: {  	v52 =	vmov s11;
	v53 =	vadd.s32 s11, v0  }
0x399: {  	v60 =	vand.u32 $0xF, v53;
	v48 =	vand.u32 $0x30, v52;
	[tilespmem:v47+s17+$0x0] =	vst.idx.msk $0xffff, v43  }
0x39a: {  	v51 =	vld.idx.msk [tilespmem:v51+s15+$0x0], $0xffff;
	v43 =	vor.u32 v48, v60;
	[tilespmem:v25+s17+$0x0] =	vst.idx.msk $0xffff, v33  }
0x39b: {  	[tilespmem:v24+s17+$0x0] =	vst.idx.msk $0xffff, v31;
	v24 =	vld.idx.msk [tilespmem:v28+s15+$0x0], $0xffff;
	v28 =	vshll.u32 v43, $0x7  }
0x39c: {  	v31 =	vld.idx.msk [tilespmem:v16+s15+$0x0], $0xffff;
	v16 =	vor.u32 v6, v28  }
0x39d: {  	[tilespmem:$0x1FDE0] =	vst v16;
	v16 =	vld [tilespmem:$0x1FDF0]  }
0x39e: {  	v30 =	vld.idx.msk [tilespmem:v30+s15+$0x0], $0xffff  }
0x39f: {  	[tilespmem:v37+s17+$0x0] =	vst.idx.msk $0xffff, v51  }
0x3a0: {  	s0 =	sadd.s32 $0x1, s11;
	s16 =	smov.u32 s11;
	v27 =	vld.idx.msk [tilespmem:v27+s15+$0x0], $0xffff  }
0x3a1: {  	v63 =	vmov s0;
	v56 =	vadd.s32 s0, v0;
	s0 =	sadd.s32 $0x3, s16;
	s19 =	sadd.s32 $0x4, s16;
	[tilespmem:v41+s17+$0x0] =	vst.idx.msk $0xffff, v42  }
0x3a2: {  	v59 =	vadd.s32 s19, v0;
	v55 =	vadd.s32 s0, v0;
	[tilespmem:v20+s17+$0x0] =	vst.idx.msk $0xffff, v44;
	v50 =	vmov s0  }
0x3a3: {  	v20 =	vand.u32 $0xF, v59;
	[tilespmem:v34+s17+$0x0] =	vst.idx.msk $0xffff, v30;
	v30 =	vand.u32 $0xF, v55;
	v59 =	vand.u32 $0x30, v50  }
0x3a4: {  	s5 =	sadd.s32 $0x2, s11;
	v26 =	vor.u32 v5, v26;
	v38 =	vld.idx.msk [tilespmem:v38+s15+$0x0], $0xffff;
	v37 =	vor.u32 v59, v30  }
0x3a5: {  	s12 =	sadd.s32 $0x6, s11;
	v57 =	vadd.s32 s5, v0;
	v45 =	vld.idx.msk [tilespmem:v45+s15+$0x0], $0xffff;
	[tilespmem:v16+s17+$0x0] =	vst.idx.msk $0xffff, v27;
	v16 =	vor.u32 v7, v37  }
0x3a6: {  	s9 =	sadd.s32 $0x7, s16;
	s16 =	sadd.s32 $0x5, s16;
	v62 =	vmov s12;
	v54 =	vmov s5;
	v35 =	vand.u32 $0x30, v63;
	[tilespmem:$0x1FDF0] =	vst v16;
	v16 =	vld [tilespmem:$0x1FE00]  }
0x3a7: {  	v58 =	vmov s19;
	v61 =	vadd.s32 s16, v0;
	v63 =	vand.u32 $0x30, v62;
	[tilespmem:v39+s17+$0x0] =	vst.idx.msk $0xffff, v46  }
0x3a8: {  	v41 =	vand.u32 $0xF, v56;
	v49 =	vand.u32 $0xF, v57;
	v47 =	vand.u32 $0xF, v61;
	v56 =	vld.idx.msk [tilespmem:v40+s15+$0x0], $0xffff  }
0x3a9: {  	v57 =	vmov s16;
	v39 =	vor.u32 v7, v43;
	v40 =	vor.u32 v1, v43;
	v36 =	vld.idx.msk [tilespmem:v36+s15+$0x0], $0xffff;
	[tilespmem:v26+s17+$0x0] =	vst.idx.msk $0xffff, v38  }
0x3aa: {  	v61 =	vadd.s32 s9, v0;
	v34 =	vshll.u32 v37, $0x7;
	[tilespmem:v22+s17+$0x0] =	vst.idx.msk $0xffff, v45;
	v22 =	vld.idx.msk [tilespmem:v32+s15+$0x0], $0xffff;
	v32 =	vor.u32 v35, v41  }
0x3ab: {  	v25 =	vand.u32 $0x30, v58;
	v26 =	vmov s9;
	v53 =	vshll.u32 v32, $0x7  }
0x3ac: {  	v51 =	vor.u32 v25, v20;
	v25 =	vand.u32 $0x30, v57;
	v62 =	vor.u32 v0, v53  }
0x3ad: {  	[tilespmem:v23+s17+$0x0] =	vst.idx.msk $0xffff, v56;
	v23 =	vand.u32 $0xF, v61;
	v26 =	vand.u32 $0x30, v26;
	v45 =	vor.u32 v25, v47  }
0x3ae: {  	v38 =	vshll.u32 v51, $0x7;
	v20 =	vor.u32 v7, v51;
	[tilespmem:v16+s17+$0x0] =	vst.idx.msk $0xffff, v36;
	v16 =	vor.u32 v7, v45  }
0x3af: {  	v25 =	vand.u32 $0x30, v54;
	v41 =	vor.u32 v26, v23;
	v47 =	vor.u32 v2, v34;
	[tilespmem:$0x1FE00] =	vst v16;
	v16 =	vld [tilespmem:$0x1FDD0]  }
0x3b0: {  	v57 =	vor.u32 v1, v32;
	v60 =	vor.u32 v0, v38;
	v50 =	vshll.u32 v41, $0x7  }
0x3b1: {  	v61 =	vor.u32 v3, v51;
	v26 =	vor.u32 v25, v49;
	v48 =	vor.u32 v0, v50;
	v49 =	vld.idx.msk [tilespmem:v62+s15+$0x0], $0xffff  }
0x3b2: {  	v58 =	vadd.s32 s12, v0;
	v19 =	vor.u32 v5, v51;
	[tilespmem:v29+s17+$0x0] =	vst.idx.msk $0xffff, v24;
	v24 =	vor.u32 v0, v34  }
0x3b3: {  	v46 =	vshll.u32 v45, $0x7;
	v29 =	vand.u32 $0xF, v58;
	v27 =	vor.u32 v0, v28  }
0x3b4: {  	v33 =	vor.u32 v2, v38;
	v55 =	vor.u32 v1, v45;
	v44 =	vor.u32 v63, v29  }
0x3b5: {  	v29 =	vor.u32 v1, v51;
	v63 =	vor.u32 v0, v46;
	v30 =	vld.idx.msk [tilespmem:v60+s15+$0x0], $0xffff;
	v52 =	vshll.u32 v44, $0x7  }
0x3b6: {  	v25 =	vor.u32 v5, v41;
	v23 =	vor.u32 v0, v52;
	v48 =	vld.idx.msk [tilespmem:v48+s15+$0x0], $0xffff;
	[tilespmem:v57+s17+$0x0] =	vst.idx.msk $0xffff, v49  }
0x3b7: {  	v54 =	vshll.u32 v26, $0x7;
	v42 =	vld.idx.msk [tilespmem:v24+s15+$0x0], $0xffff;
	v49 =	vor.u32 v1, v41;
	[tilespmem:v16+s17+$0x0] =	vst.idx.msk $0xffff, v31  }
0x3b8: {  	v17 =	vor.u32 v2, v50;
	[tilespmem:v21+s17+$0x0] =	vst.idx.msk $0xffff, v22;
	v31 =	vld.idx.msk [tilespmem:v27+s15+$0x0], $0xffff;
	v27 =	vor.u32 v1, v37  }
0x3b9: {  	v22 =	vor.u32 v7, v32;
	v21 =	vor.u32 v7, v26;
	v58 =	vor.u32 v2, v46  }
0x3ba: {  	v51 =	vor.u32 v4, v34;
	[tilespmem:v29+s17+$0x0] =	vst.idx.msk $0xffff, v30;
	v29 =	vor.u32 v2, v28;
	v36 =	vld.idx.msk [tilespmem:v63+s15+$0x0], $0xffff  }
0x3bb: {  	v56 =	vor.u32 v1, v44;
	v60 =	vor.u32 v0, v54;
	v16 =	vmov v39;
	v39 =	vld.idx.msk [tilespmem:v23+s15+$0x0], $0xffff  }
0x3bc: {  	v62 =	vor.u32 v2, v54;
	v59 =	vor.u32 v2, v52;
	[tilespmem:v49+s17+$0x0] =	vst.idx.msk $0xffff, v48  }
0x3bd: {  	v24 =	vor.u32 v5, v43;
	v30 =	vor.u32 v4, v46;
	[tilespmem:v27+s17+$0x0] =	vst.idx.msk $0xffff, v42  }
0x3be: {  	v57 =	vor.u32 v3, v32;
	v42 =	vld.idx.msk [tilespmem:v33+s15+$0x0], $0xffff;
	[tilespmem:v40+s17+$0x0] =	vst.idx.msk $0xffff, v31;
	v40 =	vor.u32 v2, v53  }
0x3bf: {  	v49 =	vor.u32 v3, v41;
	[tilespmem:v55+s17+$0x0] =	vst.idx.msk $0xffff, v36;
	v35 =	vld.idx.msk [tilespmem:v29+s15+$0x0], $0xffff;
	v29 =	vor.u32 v4, v38  }
0x3c0: {  	v60 =	vld.idx.msk [tilespmem:v60+s15+$0x0], $0xffff;
	[tilespmem:v56+s17+$0x0] =	vst.idx.msk $0xffff, v39;
	v33 =	vor.u32 v3, v43;
	v43 =	vor.u32 v1, v26  }
0x3c1: {  	v63 =	vor.u32 v3, v37;
	[tilespmem:$0x1FDD0] =	vst v16;
	v16 =	vor.u32 v3, v44;
	v55 =	vld.idx.msk [tilespmem:v59+s15+$0x0], $0xffff  }
0x3c2: {  	v36 =	vor.u32 v6, v46;
	v23 =	vor.u32 v7, v44;
	v37 =	vor.u32 v5, v37;
	v47 =	vld.idx.msk [tilespmem:v47+s15+$0x0], $0xffff  }
0x3c3: {  	v56 =	vor.u32 v4, v52;
	v39 =	vor.u32 v4, v53;
	v40 =	vld.idx.msk [tilespmem:v40+s15+$0x0], $0xffff;
	[tilespmem:v61+s17+$0x0] =	vst.idx.msk $0xffff, v42  }
0x3c4: {  	v27 =	vor.u32 v6, v34;
	v31 =	vor.u32 v4, v28;
	v28 =	vor.u32 v6, v50;
	v18 =	vld.idx.msk [tilespmem:v29+s15+$0x0], $0xffff  }
0x3c5: {  	p1 =	slt.u32 s11, $0x38;
	v58 =	vld.idx.msk [tilespmem:v58+s15+$0x0], $0xffff;
	v59 =	vor.u32 v6, v38;
	v61 =	vor.u32 v3, v45;
	[tilespmem:v43+s17+$0x0] =	vst.idx.msk $0xffff, v60  }
.Ltmp12:
0x3c6: {  	v48 =	vld.idx.msk [tilespmem:v17+s15+$0x0], $0xffff;
	v34 =	vor.u32 v5, v45;
	v50 =	vor.u32 v4, v50;
	[tilespmem:v16+s17+$0x0] =	vst.idx.msk $0xffff, v55;
	(pc) =	sbr.rel @p1 .LBB2_17-.Ltmp12, $4  }
0x3c7: {  	v38 =	vor.u32 v4, v54;
	v45 =	vor.u32 v6, v53;
	[tilespmem:v63+s17+$0x0] =	vst.idx.msk $0xffff, v47;
	v42 =	vld.idx.msk [tilespmem:v62+s15+$0x0], $0xffff  }
0x3c8: {  	v29 =	vor.u32 v7, v41;
	v41 =	vor.u32 v3, v26;
	v46 =	vld.idx.msk [tilespmem:v56+s15+$0x0], $0xffff;
	[tilespmem:v57+s17+$0x0] =	vst.idx.msk $0xffff, v40  }
0x3c9: {  	s8 =	sadd.s32 $0x8, s11;
	v47 =	vor.u32 v5, v32;
	v32 =	vor.u32 v6, v54;
	v43 =	vld.idx.msk [tilespmem:v39+s15+$0x0], $0xffff;
	[tilespmem:v19+s17+$0x0] =	vst.idx.msk $0xffff, v18  }
0x3ca: {  	s11 =	smov.u32 s8;
	v40 =	vor.u32 v6, v52;
	[tilespmem:v61+s17+$0x0] =	vst.idx.msk $0xffff, v58;
	v39 =	vor.u32 v5, v44;
	v44 =	vld.idx.msk [tilespmem:v59+s15+$0x0], $0xffff  }
0x3cb: {  	_ =	sdelay $0x3  }
0x3cc: {  	[tilespmem:v49+s17+$0x0] =	vst.idx.msk $0xffff, v48  }
0x3cd: {  	v16 =	vld.idx.msk [tilespmem:v51+s15+$0x0], $0xffff;
	[tilespmem:v33+s17+$0x0] =	vst.idx.msk $0xffff, v35  }
0x3ce: {  	v17 =	vld.idx.msk [tilespmem:v50+s15+$0x0], $0xffff;
	[tilespmem:v41+s17+$0x0] =	vst.idx.msk $0xffff, v42  }
0x3cf: {  	v61 =	vld.idx.msk [tilespmem:v30+s15+$0x0], $0xffff;
	[tilespmem:v39+s17+$0x0] =	vst.idx.msk $0xffff, v46  }
0x3d0: {  	v18 =	vld.idx.msk [tilespmem:v31+s15+$0x0], $0xffff;
	[tilespmem:v47+s17+$0x0] =	vst.idx.msk $0xffff, v43  }
0x3d1: {  	v19 =	vor.u32 v5, v26;
	v60 =	vld.idx.msk [tilespmem:v38+s15+$0x0], $0xffff;
	[tilespmem:v20+s17+$0x0] =	vst.idx.msk $0xffff, v44  }
0x3d2: {  	v62 =	vld.idx.msk [tilespmem:v45+s15+$0x0], $0xffff;
	[tilespmem:v37+s17+$0x0] =	vst.idx.msk $0xffff, v16  }
0x3d3: {  	v16 =	vld.idx.msk [tilespmem:v40+s15+$0x0], $0xffff;
	[tilespmem:v25+s17+$0x0] =	vst.idx.msk $0xffff, v17  }
0x3d4: {  	[tilespmem:v34+s17+$0x0] =	vst.idx.msk $0xffff, v61;
	v17 =	vld.idx.msk [tilespmem:v28+s15+$0x0], $0xffff  }
0x3d5: {  	[tilespmem:v24+s17+$0x0] =	vst.idx.msk $0xffff, v18  }
0x3d6: {  	[tilespmem:v19+s17+$0x0] =	vst.idx.msk $0xffff, v60  }
0x3d7: {  	[tilespmem:v22+s17+$0x0] =	vst.idx.msk $0xffff, v62  }
0x3d8: {  	v22 =	vld [tilespmem:$0x1FDE0];
	[tilespmem:v23+s17+$0x0] =	vst.idx.msk $0xffff, v16  }
0x3d9: {  	[tilespmem:v29+s17+$0x0] =	vst.idx.msk $0xffff, v17  }
0x3da: {  	v16 =	vld [tilespmem:$0x1FDF0];
	_ =	sdelay $0x1  }
0x3db: {  	v19 =	vld.idx.msk [tilespmem:v32+s15+$0x0], $0xffff  }
0x3dc: {  	v63 =	vld.idx.msk [tilespmem:v27+s15+$0x0], $0xffff;
	_ =	sdelay $0x3  }
0x3dd: {  	[tilespmem:v21+s17+$0x0] =	vst.idx.msk $0xffff, v19  }
0x3de: {  	[tilespmem:v16+s17+$0x0] =	vst.idx.msk $0xffff, v63  }
0x3df: {  	v16 =	vld [tilespmem:$0x1FE00];
	_ =	sdelay $0x2  }
0x3e0: {  	v20 =	vld.idx.msk [tilespmem:v36+s15+$0x0], $0xffff;
	_ =	sdelay $0x4  }
0x3e1: {  	[tilespmem:v16+s17+$0x0] =	vst.idx.msk $0xffff, v20  }
0x3e2: {  	v16 =	vld [tilespmem:$0x1FDD0];
	_ =	sdelay $0x2  }
0x3e3: {  	v22 =	vld.idx.msk [tilespmem:v22+s15+$0x0], $0xffff;
	_ =	sdelay $0x4  }
0x3e4: {  	[tilespmem:v16+s17+$0x0] =	vst.idx.msk $0xffff, v22  }
.Ltmp13:
0x3e5: {  	s19 =	simm.s32 $0x5;
	s0 =	rddreg [dreg:$0xc];
	(pc) =	sbr.rel .LBB2_19-.Ltmp13, $4  }
0x3e6: {  	[hbm4b:s0+s6] =	stream.linear.scatter [tilespmem:s17], [sflag:$0x5], $0x1000, $0x38;
	[tilespmem:$0x13000] =	vst v63  }
0x3e7: {  	_ =	swait.ge [sflag:s19], $0x1000  }
0x3e8: {  	[sflag:s19] =	ssyncset.done $0x0  }
0x3e9: {  	[sflag:s19] =	ssyncadd.s32 $0xFFFFF000  }
.LBB2_20:
0x3ea: {  	_ =	sfence.sel $0x180000  }
0x3eb: {  	[bflag:$0x0] =	sbarrier.arrive $0xFFFF  }
0x3ec: {  	_ =	strace $0x90000047  }
0x3ed: {  	s0 =	stileid.u32;
	[bflag:$0x2] =	sbarrier.arrive $0xFFFF  }
0x3ee: {  	p0 =	sne.s32 s0, $0x0;
	s0 =	rddreg [dreg:$0x4]  }
0x3ef: {  	s0 =	sadd.s32 @!p0 $0x100000, s0  }
0x3f0: {  	[sflag:s0] =	ssyncadd.tile.s32 @!p0 $0x1;
	_ =	shalt  }
.Lfunc_end2:
_tile_overlayer_lowered:
.L_overlay_start_2:
0x3f1: {  	(tag) =	ssettag $0x2  }
0x3f2: {  	s0 =	rddreg [dreg:$0x0];
	s2 =	stileid.u32  }
0x3f3: {  	s1 =	rddreg [dreg:$0x1];
	p0 =	sne.s32 s2, $0x0  }
0x3f4: {  	s3 =	rddreg [dreg:$0x2];
	[bflag:$0x3] =	sbarrier.arrive $0xFFFF;
	s2 =	simm.s32 @!p0 $0x1C05  }
0x3f5: {  	[timem:s3], [sflag:s2] =	dma.local @!p0 [hbm:s0], s1  }
0x3f6: {  	s0 =	simm.s32 @!p0 $0x5  }
0x3f7: {  	_ =	swait.ge @!p0 [sflag:s0], s1  }
0x3f8: {  	s1 =	ssub.s32 @!p0 $0x0, s1;
	[sflag:s0] =	ssyncset.done @!p0 $0x0  }
0x3f9: {  	[sflag:s0] =	ssyncadd.s32 @!p0 s1  }
0x3fa: {  	[bflag:$0x3] =	sbarrier.arrive $0xFFFF  }
0x3fb: {  	_ =	shalt  }

</sc_bundles>
